<compile_context>
chip_gen: v7x
topology: tpu7x:2x2x1
jax: 0.10.2.dev20260603
libtpu: 0.0.44.dev20260713+nightly
codegen_flags: <defaults>
</compile_context>

<pallas_src>
import functools

import jax
import jax.numpy as jnp
from jax import lax
from jax.experimental import pallas as pl
from jax.experimental.pallas import tpu as pltpu
from jax.experimental.pallas import tpu_sc as plsc

N = 10000
E = 320000
D = 128
H = 128
OUT = 128
BN_EPS = 1e-5

NC = 2
NS = 16
NPAD = 10240
ROWS_PER_TILE = NPAD // NS
CHUNK = 40
EDGES_PER_CORE = E // NC
EDGES_PER_TILE = E // (NC * NS)
NCHUNK = EDGES_PER_TILE // CHUNK

_mesh = plsc.VectorSubcoreMesh(core_axis_name="c", subcore_axis_name="s")


NSLOT = 5
_MAIN_ITERS = (NCHUNK - 5) // NSLOT
assert 2 + NSLOT * _MAIN_ITERS == NCHUNK - 3


def _sc_agg_body(with_deg, *refs):
    if with_deg:
        (h_hbm, src_hbm, dst_hbm, z128_hbm, z1_hbm,
         agg_out, deg_out,
         agg_sh, deg_sh, src_big, dst_big, ones_v, *rest) = refs
    else:
        (h_hbm, src_hbm, dst_hbm, z128_hbm,
         agg_out,
         agg_sh, src_big, dst_big, *rest) = refs
    dstb = rest[0:NSLOT]
    rows = rest[NSLOT:2 * NSLOT]
    gs = rest[2 * NSLOT:3 * NSLOT]
    ss = rest[3 * NSLOT:4 * NSLOT]

    cid = lax.axis_index("c")
    sid = lax.axis_index("s")
    r0 = sid * ROWS_PER_TILE

    base = cid * EDGES_PER_CORE + sid * EDGES_PER_TILE
    pend = [
        pltpu.async_copy(z128_hbm.at[pl.ds(r0, ROWS_PER_TILE)],
                         agg_sh.at[pl.ds(r0, ROWS_PER_TILE)], gs[0]),
        pltpu.async_copy(src_hbm.at[pl.ds(base, EDGES_PER_TILE)],
                         src_big, gs[1]),
        pltpu.async_copy(dst_hbm.at[pl.ds(base, EDGES_PER_TILE)],
                         dst_big, gs[2]),
    ]
    if with_deg:
        pend.append(pltpu.async_copy(z1_hbm.at[pl.ds(r0, ROWS_PER_TILE)],
                                     deg_sh.at[pl.ds(r0, ROWS_PER_TILE)],
                                     ss[0]))
        for o in (0, 16, CHUNK - 16):
            ones_v[pl.ds(o, 16)] = jnp.ones((16,), jnp.float32)
    for p in pend:
        p.wait()

    plsc.subcore_barrier()

    def prep_dst(s, c):
        for o in (0, 16, CHUNK - 16):
            dstb[s][pl.ds(o, 16)] = dst_big[pl.ds(c * CHUNK + o, 16)]

    def g_start(c, s):
        pltpu.async_copy(h_hbm.at[src_big.at[pl.ds(c * CHUNK, CHUNK)]],
                         rows[s], gs[s])

    def g_wait(c, s):
        pltpu.make_async_copy(h_hbm.at[src_big.at[pl.ds(c * CHUNK, CHUNK)]],
                              rows[s], gs[s]).wait()

    def s_start(s):
        pltpu.async_copy(rows[s], agg_sh.at[dstb[s]], ss[s], add=True)
        if with_deg:
            pltpu.sync_copy(ones_v, deg_sh.at[dstb[s]], add=True)

    def s_wait(s):
        pltpu.make_async_copy(rows[s], agg_sh.at[dstb[s]], ss[s]).wait()

    lead = NSLOT - 2
    for c in range(lead):
        prep_dst(c, c)
        g_start(c, c)
    for c in (0, 1):
        g_wait(c, c)
        s_start(c)
        prep_dst((c + lead) % NSLOT, c + lead)
        g_start(c + lead, (c + lead) % NSLOT)

    @pl.loop(0, _MAIN_ITERS)
    def _(k):
        c0 = 2 + NSLOT * k
        for j in range(NSLOT):
            c = c0 + j
            s_cur = (2 + j) % NSLOT
            s_new = j
            g_wait(c, s_cur)
            s_start(s_cur)
            s_wait(s_new)
            prep_dst(s_new, c + lead)
            g_start(c + lead, s_new)

    for c, s_cur, s_old in ((NCHUNK - 3, 2, 0), (NCHUNK - 2, 3, 1),
                            (NCHUNK - 1, 4, 2)):
        g_wait(c, s_cur)
        s_start(s_cur)
        s_wait(s_old)
    s_wait(3)
    s_wait(4)

    plsc.subcore_barrier()

    pend = [pltpu.async_copy(agg_sh.at[pl.ds(r0, ROWS_PER_TILE)],
                             agg_out.at[cid, pl.ds(r0, ROWS_PER_TILE)], gs[0])]
    if with_deg:
        pend.append(pltpu.async_copy(deg_sh.at[pl.ds(r0, ROWS_PER_TILE)],
                                     deg_out.at[cid, pl.ds(r0, ROWS_PER_TILE)],
                                     gs[1]))
    for p in pend:
        p.wait()


def _sc_agg(h, src, dst, z128, z1, with_deg):
    out_type = [jax.ShapeDtypeStruct((NC, NPAD, D), jnp.float32)]
    scratch = [
        pltpu.VMEM_SHARED((NPAD, D), jnp.float32),
    ]
    if with_deg:
        out_type.append(jax.ShapeDtypeStruct((NC, NPAD), jnp.float32))
        scratch.append(pltpu.VMEM_SHARED((NPAD,), jnp.float32))
    scratch += [
        pltpu.VMEM((EDGES_PER_TILE,), jnp.int32),
        pltpu.VMEM((EDGES_PER_TILE,), jnp.int32),
    ]
    if with_deg:
        scratch.append(pltpu.VMEM((CHUNK,), jnp.float32))
    scratch += [pltpu.VMEM((CHUNK,), jnp.int32)] * NSLOT
    scratch += [pltpu.VMEM((CHUNK, D), jnp.float32)] * NSLOT
    scratch += [pltpu.SemaphoreType.DMA] * (2 * NSLOT)

    kern = pl.kernel(
        functools.partial(_sc_agg_body, with_deg),
        out_type=tuple(out_type) if len(out_type) > 1 else out_type[0],
        mesh=_mesh,
        scratch_types=scratch,
    )
    if with_deg:
        return kern(h, src, dst, z128, z1)
    return kern(h, src, dst, z128)


def _bn_scale(g):
    return g * (1.0 / jnp.sqrt(1.0 + BN_EPS))



BLK = 2048


def _tc1_body(x_ref, w1_ref, b1_ref, g0_ref, be0_ref, wr0_ref, br0_ref,
              h_ref, hr_ref):
    h = jnp.dot(x_ref[...], w1_ref[...], preferred_element_type=jnp.float32)
    h = (h + b1_ref[...]) * _bn_scale(g0_ref[...]) + be0_ref[...]
    h_ref[...] = h
    hr_ref[...] = jnp.dot(h, wr0_ref[...],
                          preferred_element_type=jnp.float32) + br0_ref[...]


def _tc_mid_body(agg_ref, deg_ref, hr_ref, wl_ref, bl_ref, g_ref, be_ref,
                 wr_ref, br_ref, h_ref, hrn_ref):
    d = jnp.maximum(deg_ref[0, :] + deg_ref[1, :], 1.0)
    mean = (agg_ref[0] + agg_ref[1]) / d[:, None]
    t = jnp.dot(mean, wl_ref[...], preferred_element_type=jnp.float32)
    t = t + bl_ref[...] + hr_ref[...]
    h = t * _bn_scale(g_ref[...]) + be_ref[...]
    h_ref[...] = h
    hrn_ref[...] = jnp.dot(h, wr_ref[...],
                           preferred_element_type=jnp.float32) + br_ref[...]


def _tc_last_body(agg_ref, deg_ref, hr_ref, wl_ref, bl_ref, g_ref, be_ref,
                  w2_ref, b2_ref, out_ref, emb_ref):
    d = jnp.maximum(deg_ref[0, :] + deg_ref[1, :], 1.0)
    mean = (agg_ref[0] + agg_ref[1]) / d[:, None]
    t = jnp.dot(mean, wl_ref[...], preferred_element_type=jnp.float32)
    t = t + bl_ref[...] + hr_ref[...]
    h = t * _bn_scale(g_ref[...]) + be_ref[...]
    emb = jnp.dot(h, w2_ref[...], preferred_element_type=jnp.float32)
    emb = emb + b2_ref[...]
    emb_ref[...] = emb
    m = jnp.max(emb, axis=1, keepdims=True)
    lse = jnp.log(jnp.sum(jnp.exp(emb - m), axis=1, keepdims=True))
    out_ref[...] = emb - m - lse


def _row_spec():
    return pl.BlockSpec((BLK, 128), lambda i: (i, 0))


def _w_spec():
    return pl.BlockSpec((128, 128), lambda i: (0, 0))


def _v_spec():
    return pl.BlockSpec((1, 128), lambda i: (0, 0))


def _agg_spec():
    return pl.BlockSpec((NC, BLK, 128), lambda i: (0, i, 0))


def _deg_spec():
    return pl.BlockSpec((NC, BLK), lambda i: (0, i))


def _row_out(dtype=jnp.float32):
    return jax.ShapeDtypeStruct((N, 128), dtype)


def kernel(x, edge_index, W1, b1, Wl0, bl0, Wr0, br0, Wl1, bl1, Wr1, br1,
           g0, be0, g1, be1, g2, be2, W2, b2):
    src = edge_index[0]
    dst = edge_index[1]
    z128 = jnp.zeros((NPAD, D), jnp.float32)
    z1 = jnp.zeros((NPAD,), jnp.float32)

    row = lambda v: v.reshape(1, 128)
    grid = (N + BLK - 1) // BLK

    h, hr = pl.pallas_call(
        _tc1_body,
        grid=(grid,),
        in_specs=[_row_spec(), _w_spec(), _v_spec(), _v_spec(), _v_spec(),
                  _w_spec(), _v_spec()],
        out_specs=[_row_spec(), _row_spec()],
        out_shape=[_row_out(), _row_out()],
    )(x, W1, row(b1), row(g0), row(be0), Wr0, row(br0))

    agg0, deg = _sc_agg(h, src, dst, z128, z1, with_deg=True)

    h1, hr1 = pl.pallas_call(
        _tc_mid_body,
        grid=(grid,),
        in_specs=[_agg_spec(), _deg_spec(), _row_spec(), _w_spec(), _v_spec(),
                  _v_spec(), _v_spec(), _w_spec(), _v_spec()],
        out_specs=[_row_spec(), _row_spec()],
        out_shape=[_row_out(), _row_out()],
    )(agg0, deg, hr, Wl0, row(bl0), row(g1), row(be1), Wr1, row(br1))

    agg1 = _sc_agg(h1, src, dst, z128, None, with_deg=False)

    out, emb = pl.pallas_call(
        _tc_last_body,
        grid=(grid,),
        in_specs=[_agg_spec(), _deg_spec(), _row_spec(), _w_spec(), _v_spec(),
                  _v_spec(), _v_spec(), _w_spec(), _v_spec()],
        out_specs=[_row_spec(), _row_spec()],
        out_shape=[_row_out(), _row_out()],
    )(agg1, deg, hr1, Wl1, row(bl1), row(g2), row(be2), W2, row(b2))

    return (out, emb)

# --- scband reference (transcript-rebuilt; emitter-appended) ---
"""Pipeline reference for scband-graph-sage-3624952398777 (READ-ONLY COPY).

The authoritative reference and input builder live on the scoring server;
editing this copy changes nothing except your own understanding.
"""

import jax, jax.numpy as jnp
import numpy as np

N = 10000
E = 320000
D = 128
H = 128
OUT = 128
L = 2
BN_EPS = 1e-5


def setup_inputs(seed: int = 0) -> dict:
    key = jax.random.key(seed)
    ks = jax.random.split(key, 32)
    inp = {}
    inp["x"] = jax.random.normal(ks[0], (N, D), dtype=jnp.float32)
    inp["edge_index"] = jax.random.randint(ks[1], (2, E), 0, N, dtype=jnp.int32)
    s = 0.05
    inp["W1"] = s * jax.random.normal(ks[2], (D, H), dtype=jnp.float32)
    inp["b1"] = jnp.zeros((H,), dtype=jnp.float32)
    inp["Wl0"] = s * jax.random.normal(ks[3], (H, H), dtype=jnp.float32)
    inp["bl0"] = jnp.zeros((H,), dtype=jnp.float32)
    inp["Wr0"] = s * jax.random.normal(ks[4], (H, H), dtype=jnp.float32)
    inp["br0"] = jnp.zeros((H,), dtype=jnp.float32)
    inp["Wl1"] = s * jax.random.normal(ks[5], (H, H), dtype=jnp.float32)
    inp["bl1"] = jnp.zeros((H,), dtype=jnp.float32)
    inp["Wr1"] = s * jax.random.normal(ks[6], (H, H), dtype=jnp.float32)
    inp["br1"] = jnp.zeros((H,), dtype=jnp.float32)
    inp["g0"] = jnp.ones((H,), dtype=jnp.float32)
    inp["be0"] = jnp.zeros((H,), dtype=jnp.float32)
    inp["g1"] = jnp.ones((H,), dtype=jnp.float32)
    inp["be1"] = jnp.zeros((H,), dtype=jnp.float32)
    inp["g2"] = jnp.ones((H,), dtype=jnp.float32)
    inp["be2"] = jnp.zeros((H,), dtype=jnp.float32)
    inp["W2"] = s * jax.random.normal(ks[7], (H, OUT), dtype=jnp.float32)
    inp["b2"] = jnp.zeros((OUT,), dtype=jnp.float32)
    return inp


def _bn_eval(h, g, b):
    # BatchNorm1d in eval mode: running_mean=0, running_var=1
    return h / jnp.sqrt(1.0 + BN_EPS) * g + b


def _sage_conv(h, src, dst, Wl, bl, Wr, br):
    # PyG SAGEConv with mean aggregation: out = lin_l(mean_{j in N(i)} h_j) + lin_r(h_i)
    msg = jnp.take(h, src, axis=0)
    agg = jax.ops.segment_sum(msg, dst, num_segments=N)
    deg = jax.ops.segment_sum(jnp.ones((E, 1), dtype=h.dtype), dst, num_segments=N)
    mean = agg / jnp.maximum(deg, 1.0)
    return mean @ Wl + bl + h @ Wr + br


def reference(x, edge_index, W1, b1, Wl0, bl0, Wr0, br0, Wl1, bl1, Wr1, br1, g0, be0, g1, be1, g2, be2, W2, b2):
    src = edge_index[0]
    dst = edge_index[1]
    h = x @ W1 + b1
    h = _bn_eval(h, g0, be0)
    # dropout is identity in eval mode
    h = _sage_conv(h, src, dst, Wl0, bl0, Wr0, br0)
    h = _bn_eval(h, g1, be1)
    h = _sage_conv(h, src, dst, Wl1, bl1, Wr1, br1)
    h = _bn_eval(h, g2, be2)
    emb = h @ W2 + b2
    out = jax.nn.log_softmax(emb, axis=1)
    return (out, emb)

if __name__ == "__main__":
    import jax
    _d = setup_inputs()
    print(jax.jit(kernel)(*tuple(_d.values())))

</pallas_src>

<mosaic_0001>
#map = affine_map<(d0, d1) -> (0, 0)>
#map1 = affine_map<(d0, d1) -> (0)>
#map2 = affine_map<(d0, d1) -> (0, 0, 0)>
module attributes {stable_mosaic.version = 14 : i64} {
  func.func @_sc_agg_body(%arg0: i32, %arg1: i32, %arg2: memref<10000x128xf32, #tpu.memory_space<hbm>>, %arg3: memref<320000xi32, #tpu.memory_space<hbm>>, %arg4: memref<320000xi32, #tpu.memory_space<hbm>>, %arg5: memref<10240x128xf32, #tpu.memory_space<hbm>>, %arg6: memref<10240xf32, #tpu.memory_space<hbm>>, %arg7: memref<2x10240x128xf32, #tpu.memory_space<hbm>>, %arg8: memref<2x10240xf32, #tpu.memory_space<hbm>>, %arg9: memref<10240x128xf32, #tpu.memory_space<vmem_shared>>, %arg10: memref<10240xf32, #tpu.memory_space<vmem_shared>>, %arg11: memref<10000xi32, #tpu.memory_space<vmem>>, %arg12: memref<10000xi32, #tpu.memory_space<vmem>>, %arg13: memref<40xf32, #tpu.memory_space<vmem>>, %arg14: memref<40xi32, #tpu.memory_space<vmem>>, %arg15: memref<40xi32, #tpu.memory_space<vmem>>, %arg16: memref<40xi32, #tpu.memory_space<vmem>>, %arg17: memref<40xi32, #tpu.memory_space<vmem>>, %arg18: memref<40xi32, #tpu.memory_space<vmem>>, %arg19: memref<40x128xf32, #tpu.memory_space<vmem>>, %arg20: memref<40x128xf32, #tpu.memory_space<vmem>>, %arg21: memref<40x128xf32, #tpu.memory_space<vmem>>, %arg22: memref<40x128xf32, #tpu.memory_space<vmem>>, %arg23: memref<40x128xf32, #tpu.memory_space<vmem>>, %arg24: memref<!tpu.dma_semaphore, #tpu.memory_space<semaphore_mem>>, %arg25: memref<!tpu.dma_semaphore, #tpu.memory_space<semaphore_mem>>, %arg26: memref<!tpu.dma_semaphore, #tpu.memory_space<semaphore_mem>>, %arg27: memref<!tpu.dma_semaphore, #tpu.memory_space<semaphore_mem>>, %arg28: memref<!tpu.dma_semaphore, #tpu.memory_space<semaphore_mem>>, %arg29: memref<!tpu.dma_semaphore, #tpu.memory_space<semaphore_mem>>, %arg30: memref<!tpu.dma_semaphore, #tpu.memory_space<semaphore_mem>>, %arg31: memref<!tpu.dma_semaphore, #tpu.memory_space<semaphore_mem>>, %arg32: memref<!tpu.dma_semaphore, #tpu.memory_space<semaphore_mem>>, %arg33: memref<!tpu.dma_semaphore, #tpu.memory_space<semaphore_mem>>) attributes {dimension_semantics = [#tpu.dimension_semantics<core_parallel>, #tpu.dimension_semantics<subcore_parallel>], iteration_bounds = array<i64: 2, 16>, scalar_prefetch = 0 : i64, scratch_operands = 25 : i64, tpu.core_type = #tpu.core_type<sc_vector_subcore>, window_params = [{transform_indices = #map}, {transform_indices = #map1}, {transform_indices = #map1}, {transform_indices = #map}, {transform_indices = #map1}, {transform_indices = #map2}, {transform_indices = #map}]} {
    %mul3A = arith.constant 640 : i32
    %mul3A_0 = arith.muli %arg1, %mul3A : i32
    %mul3A_1 = arith.constant 160000 : i32
    %mul3A_2 = arith.muli %arg0, %mul3A_1 : i32
    %mul3A_3 = arith.constant 10000 : i32
    %mul3A_4 = arith.muli %arg1, %mul3A_3 : i32
    %add3A = arith.addi %mul3A_2, %mul3A_4 : i32
    %dma_start3A = arith.constant 0 : i32
    %dma_start3A_5 = tpu.memref_slice %arg9[%mul3A_0, %dma_start3A] : memref<10240x128xf32, #tpu.memory_space<vmem_shared>> -> memref<640x128xf32, #tpu.memory_space<vmem_shared>>
    %dma_start3A_6 = arith.constant 0 : i32
    %dma_start3A_7 = tpu.memref_slice %arg5[%mul3A_0, %dma_start3A_6] : memref<10240x128xf32, #tpu.memory_space<hbm>> -> memref<640x128xf32, #tpu.memory_space<hbm>>
    tpu.enqueue_dma source(%dma_start3A_7 : memref<640x128xf32, #tpu.memory_space<hbm>>) target(%dma_start3A_5 : memref<640x128xf32, #tpu.memory_space<vmem_shared>>) target_semaphore(%arg24 : memref<!tpu.dma_semaphore, #tpu.memory_space<semaphore_mem>>)
    %dma_start3A_8 = tpu.memref_slice %arg3[%add3A] : memref<320000xi32, #tpu.memory_space<hbm>> -> memref<10000xi32, #tpu.memory_space<hbm>>
    %dma_start3A_9 = tpu.memref_slice %arg3[%add3A] : memref<320000xi32, #tpu.memory_space<hbm>> -> memref<10000xi32, #tpu.memory_space<hbm>>
    tpu.enqueue_dma source(%dma_start3A_9 : memref<10000xi32, #tpu.memory_space<hbm>>) target(%arg11 : memref<10000xi32, #tpu.memory_space<vmem>>) target_semaphore(%arg25 : memref<!tpu.dma_semaphore, #tpu.memory_space<semaphore_mem>>)
    %dma_start3A_10 = tpu.memref_slice %arg4[%add3A] : memref<320000xi32, #tpu.memory_space<hbm>> -> memref<10000xi32, #tpu.memory_space<hbm>>
    %dma_start3A_11 = tpu.memref_slice %arg4[%add3A] : memref<320000xi32, #tpu.memory_space<hbm>> -> memref<10000xi32, #tpu.memory_space<hbm>>
    tpu.enqueue_dma source(%dma_start3A_11 : memref<10000xi32, #tpu.memory_space<hbm>>) target(%arg12 : memref<10000xi32, #tpu.memory_space<vmem>>) target_semaphore(%arg26 : memref<!tpu.dma_semaphore, #tpu.memory_space<semaphore_mem>>)
    %dma_start3A_12 = tpu.memref_slice %arg10[%mul3A_0] : memref<10240xf32, #tpu.memory_space<vmem_shared>> -> memref<640xf32, #tpu.memory_space<vmem_shared>>
    %dma_start3A_13 = tpu.memref_slice %arg6[%mul3A_0] : memref<10240xf32, #tpu.memory_space<hbm>> -> memref<640xf32, #tpu.memory_space<hbm>>
    tpu.enqueue_dma source(%dma_start3A_13 : memref<640xf32, #tpu.memory_space<hbm>>) target(%dma_start3A_12 : memref<640xf32, #tpu.memory_space<vmem_shared>>) target_semaphore(%arg29 : memref<!tpu.dma_semaphore, #tpu.memory_space<semaphore_mem>>)
    %broadcast_in_dim3A = arith.constant 1.000000e+00 : f32
    %broadcast_in_dim3A_14 = vector.broadcast %broadcast_in_dim3A : f32 to vector<16xf32>
    %swap3A = arith.constant 0 : index
    %swap3A_15 = tpu.vector_load %arg13[%swap3A] {strides = array<i32>} : memref<40xf32, #tpu.memory_space<vmem>>, vector<16xf32>,
    %swap3A_16 = vector.shape_cast %swap3A_15 : vector<16xf32> to vector<16xf32>
    %swap3A_17 = vector.shape_cast %broadcast_in_dim3A_14 : vector<16xf32> to vector<16xf32>
    tpu.vector_store %arg13[%swap3A], %swap3A_17 {strides = array<i32>} : memref<40xf32, #tpu.memory_space<vmem>>, vector<16xf32>,
    %broadcast_in_dim3A_18 = arith.constant 1.000000e+00 : f32
    %broadcast_in_dim3A_19 = vector.broadcast %broadcast_in_dim3A_18 : f32 to vector<16xf32>
    %swap3A_20 = arith.constant 16 : index
    %swap3A_21 = tpu.vector_load %arg13[%swap3A_20] {strides = array<i32>} : memref<40xf32, #tpu.memory_space<vmem>>, vector<16xf32>,
    %swap3A_22 = vector.shape_cast %swap3A_21 : vector<16xf32> to vector<16xf32>
    %swap3A_23 = vector.shape_cast %broadcast_in_dim3A_19 : vector<16xf32> to vector<16xf32>
    tpu.vector_store %arg13[%swap3A_20], %swap3A_23 {strides = array<i32>} : memref<40xf32, #tpu.memory_space<vmem>>, vector<16xf32>,
    %broadcast_in_dim3A_24 = arith.constant 1.000000e+00 : f32
    %broadcast_in_dim3A_25 = vector.broadcast %broadcast_in_dim3A_24 : f32 to vector<16xf32>
    %swap3A_26 = arith.constant 24 : index
    %swap3A_27 = tpu.vector_load %arg13[%swap3A_26] {strides = array<i32>} : memref<40xf32, #tpu.memory_space<vmem>>, vector<16xf32>,
    %swap3A_28 = vector.shape_cast %swap3A_27 : vector<16xf32> to vector<16xf32>
    %swap3A_29 = vector.shape_cast %broadcast_in_dim3A_25 : vector<16xf32> to vector<16xf32>
    tpu.vector_store %arg13[%swap3A_26], %swap3A_29 {strides = array<i32>} : memref<40xf32, #tpu.memory_space<vmem>>, vector<16xf32>,
    %dma_wait3A = arith.constant 0 : i32
    %dma_wait3A_30 = tpu.memref_slice %arg9[%mul3A_0, %dma_wait3A] : memref<10240x128xf32, #tpu.memory_space<vmem_shared>> -> memref<640x128xf32, #tpu.memory_space<vmem_shared>>
    %dma_wait3A_31 = arith.constant 0 : i32
    %dma_wait3A_32 = tpu.memref_slice %arg5[%mul3A_0, %dma_wait3A_31] : memref<10240x128xf32, #tpu.memory_space<hbm>> -> memref<640x128xf32, #tpu.memory_space<hbm>>
    tpu.wait_dma2 semaphore(%arg24 : memref<!tpu.dma_semaphore, #tpu.memory_space<semaphore_mem>>) src(%dma_wait3A_32 : memref<640x128xf32, #tpu.memory_space<hbm>>) dst(%dma_wait3A_30 : memref<640x128xf32, #tpu.memory_space<vmem_shared>>)
    %dma_wait3A_33 = tpu.memref_slice %arg3[%add3A] : memref<320000xi32, #tpu.memory_space<hbm>> -> memref<10000xi32, #tpu.memory_space<hbm>>
    %dma_wait3A_34 = tpu.memref_slice %arg3[%add3A] : memref<320000xi32, #tpu.memory_space<hbm>> -> memref<10000xi32, #tpu.memory_space<hbm>>
    tpu.wait_dma2 semaphore(%arg25 : memref<!tpu.dma_semaphore, #tpu.memory_space<semaphore_mem>>) src(%dma_wait3A_34 : memref<10000xi32, #tpu.memory_space<hbm>>) dst(%arg11 : memref<10000xi32, #tpu.memory_space<vmem>>)
    %dma_wait3A_35 = tpu.memref_slice %arg4[%add3A] : memref<320000xi32, #tpu.memory_space<hbm>> -> memref<10000xi32, #tpu.memory_space<hbm>>
    %dma_wait3A_36 = tpu.memref_slice %arg4[%add3A] : memref<320000xi32, #tpu.memory_space<hbm>> -> memref<10000xi32, #tpu.memory_space<hbm>>
    tpu.wait_dma2 semaphore(%arg26 : memref<!tpu.dma_semaphore, #tpu.memory_space<semaphore_mem>>) src(%dma_wait3A_36 : memref<10000xi32, #tpu.memory_space<hbm>>) dst(%arg12 : memref<10000xi32, #tpu.memory_space<vmem>>)
    %dma_wait3A_37 = tpu.memref_slice %arg10[%mul3A_0] : memref<10240xf32, #tpu.memory_space<vmem_shared>> -> memref<640xf32, #tpu.memory_space<vmem_shared>>
    %dma_wait3A_38 = tpu.memref_slice %arg6[%mul3A_0] : memref<10240xf32, #tpu.memory_space<hbm>> -> memref<640xf32, #tpu.memory_space<hbm>>
    tpu.wait_dma2 semaphore(%arg29 : memref<!tpu.dma_semaphore, #tpu.memory_space<semaphore_mem>>) src(%dma_wait3A_38 : memref<640xf32, #tpu.memory_space<hbm>>) dst(%dma_wait3A_37 : memref<640xf32, #tpu.memory_space<vmem_shared>>)
    %barrier3A = arith.constant 0 : index
    tpu.barrier barrier_id(%barrier3A)
    %get3A = arith.constant 0 : index
    %get3A_39 = tpu.vector_load %arg12[%get3A] {strides = array<i32>} : memref<10000xi32, #tpu.memory_space<vmem>>, vector<16xi32>,
    %get3A_40 = vector.shape_cast %get3A_39 : vector<16xi32> to vector<16xi32>
    %swap3A_41 = arith.constant 0 : index
    %swap3A_42 = tpu.vector_load %arg14[%swap3A_41] {strides = array<i32>} : memref<40xi32, #tpu.memory_space<vmem>>, vector<16xi32>,
    %swap3A_43 = vector.shape_cast %swap3A_42 : vector<16xi32> to vector<16xi32>
    %swap3A_44 = vector.shape_cast %get3A_40 : vector<16xi32> to vector<16xi32>
    tpu.vector_store %arg14[%swap3A_41], %swap3A_44 {strides = array<i32>} : memref<40xi32, #tpu.memory_space<vmem>>, vector<16xi32>,
    %get3A_45 = arith.constant 16 : index
    %get3A_46 = tpu.vector_load %arg12[%get3A_45] {strides = array<i32>} : memref<10000xi32, #tpu.memory_space<vmem>>, vector<16xi32>,
    %get3A_47 = vector.shape_cast %get3A_46 : vector<16xi32> to vector<16xi32>
    %swap3A_48 = arith.constant 16 : index
    %swap3A_49 = tpu.vector_load %arg14[%swap3A_48] {strides = array<i32>} : memref<40xi32, #tpu.memory_space<vmem>>, vector<16xi32>,
    %swap3A_50 = vector.shape_cast %swap3A_49 : vector<16xi32> to vector<16xi32>
    %swap3A_51 = vector.shape_cast %get3A_47 : vector<16xi32> to vector<16xi32>
    tpu.vector_store %arg14[%swap3A_48], %swap3A_51 {strides = array<i32>} : memref<40xi32, #tpu.memory_space<vmem>>, vector<16xi32>,
    %get3A_52 = arith.constant 24 : index
    %get3A_53 = tpu.vector_load %arg12[%get3A_52] {strides = array<i32>} : memref<10000xi32, #tpu.memory_space<vmem>>, vector<16xi32>,
    %get3A_54 = vector.shape_cast %get3A_53 : vector<16xi32> to vector<16xi32>
    %swap3A_55 = arith.constant 24 : index
    %swap3A_56 = tpu.vector_load %arg14[%swap3A_55] {strides = array<i32>} : memref<40xi32, #tpu.memory_space<vmem>>, vector<16xi32>,
    %swap3A_57 = vector.shape_cast %swap3A_56 : vector<16xi32> to vector<16xi32>
    %swap3A_58 = vector.shape_cast %get3A_54 : vector<16xi32> to vector<16xi32>
    tpu.vector_store %arg14[%swap3A_55], %swap3A_58 {strides = array<i32>} : memref<40xi32, #tpu.memory_space<vmem>>, vector<16xi32>,
    %dma_start3A_59 = arith.constant 0 : i32
    %dma_start3A_60 = tpu.memref_slice %arg11[%dma_start3A_59] : memref<10000xi32, #tpu.memory_space<vmem>> -> memref<40xi32, #tpu.memory_space<vmem>>
    %dma_start3A_61 = arith.constant 0 : i32
    %dma_start3A_62 = arith.constant 0 : i32
    %dma_start3A_63 = tpu.memref_slice %arg2[%dma_start3A_61, %dma_start3A_62] : memref<10000x128xf32, #tpu.memory_space<hbm>> -> memref<10000x128xf32, #tpu.memory_space<hbm>>
    tpu.enqueue_indirect_dma source(%dma_start3A_63 : memref<10000x128xf32, #tpu.memory_space<hbm>>) target(%arg19 : memref<40x128xf32, #tpu.memory_space<vmem>>) offsets(%dma_start3A_60 : memref<40xi32, #tpu.memory_space<vmem>>) semaphore(%arg24 : memref<!tpu.dma_semaphore, #tpu.memory_space<semaphore_mem>>)
    %get3A_64 = arith.constant 40 : index
    %get3A_65 = tpu.vector_load %arg12[%get3A_64] {strides = array<i32>} : memref<10000xi32, #tpu.memory_space<vmem>>, vector<16xi32>,
    %get3A_66 = vector.shape_cast %get3A_65 : vector<16xi32> to vector<16xi32>
    %swap3A_67 = arith.constant 0 : index
    %swap3A_68 = tpu.vector_load %arg15[%swap3A_67] {strides = array<i32>} : memref<40xi32, #tpu.memory_space<vmem>>, vector<16xi32>,
    %swap3A_69 = vector.shape_cast %swap3A_68 : vector<16xi32> to vector<16xi32>
    %swap3A_70 = vector.shape_cast %get3A_66 : vector<16xi32> to vector<16xi32>
    tpu.vector_store %arg15[%swap3A_67], %swap3A_70 {strides = array<i32>} : memref<40xi32, #tpu.memory_space<vmem>>, vector<16xi32>,
    %get3A_71 = arith.constant 56 : index
    %get3A_72 = tpu.vector_load %arg12[%get3A_71] {strides = array<i32>} : memref<10000xi32, #tpu.memory_space<vmem>>, vector<16xi32>,
    %get3A_73 = vector.shape_cast %get3A_72 : vector<16xi32> to vector<16xi32>
    %swap3A_74 = arith.constant 16 : index
    %swap3A_75 = tpu.vector_load %arg15[%swap3A_74] {strides = array<i32>} : memref<40xi32, #tpu.memory_space<vmem>>, vector<16xi32>,
    %swap3A_76 = vector.shape_cast %swap3A_75 : vector<16xi32> to vector<16xi32>
    %swap3A_77 = vector.shape_cast %get3A_73 : vector<16xi32> to vector<16xi32>
    tpu.vector_store %arg15[%swap3A_74], %swap3A_77 {strides = array<i32>} : memref<40xi32, #tpu.memory_space<vmem>>, vector<16xi32>,
    %get3A_78 = arith.constant 64 : index
    %get3A_79 = tpu.vector_load %arg12[%get3A_78] {strides = array<i32>} : memref<10000xi32, #tpu.memory_space<vmem>>, vector<16xi32>,
    %get3A_80 = vector.shape_cast %get3A_79 : vector<16xi32> to vector<16xi32>
    %swap3A_81 = arith.constant 24 : index
    %swap3A_82 = tpu.vector_load %arg15[%swap3A_81] {strides = array<i32>} : memref<40xi32, #tpu.memory_space<vmem>>, vector<16xi32>,
    %swap3A_83 = vector.shape_cast %swap3A_82 : vector<16xi32> to vector<16xi32>
    %swap3A_84 = vector.shape_cast %get3A_80 : vector<16xi32> to vector<16xi32>
    tpu.vector_store %arg15[%swap3A_81], %swap3A_84 {strides = array<i32>} : memref<40xi32, #tpu.memory_space<vmem>>, vector<16xi32>,
    %dma_start3A_85 = arith.constant 40 : i32
    %dma_start3A_86 = tpu.memref_slice %arg11[%dma_start3A_85] : memref<10000xi32, #tpu.memory_space<vmem>> -> memref<40xi32, #tpu.memory_space<vmem>>
    %dma_start3A_87 = arith.constant 0 : i32
    %dma_start3A_88 = arith.constant 0 : i32
    %dma_start3A_89 = tpu.memref_slice %arg2[%dma_start3A_87, %dma_start3A_88] : memref<10000x128xf32, #tpu.memory_space<hbm>> -> memref<10000x128xf32, #tpu.memory_space<hbm>>
    tpu.enqueue_indirect_dma source(%dma_start3A_89 : memref<10000x128xf32, #tpu.memory_space<hbm>>) target(%arg20 : memref<40x128xf32, #tpu.memory_space<vmem>>) offsets(%dma_start3A_86 : memref<40xi32, #tpu.memory_space<vmem>>) semaphore(%arg25 : memref<!tpu.dma_semaphore, #tpu.memory_space<semaphore_mem>>)
    %get3A_90 = arith.constant 80 : index
    %get3A_91 = tpu.vector_load %arg12[%get3A_90] {strides = array<i32>} : memref<10000xi32, #tpu.memory_space<vmem>>, vector<16xi32>,
    %get3A_92 = vector.shape_cast %get3A_91 : vector<16xi32> to vector<16xi32>
    %swap3A_93 = arith.constant 0 : index
    %swap3A_94 = tpu.vector_load %arg16[%swap3A_93] {strides = array<i32>} : memref<40xi32, #tpu.memory_space<vmem>>, vector<16xi32>,
    %swap3A_95 = vector.shape_cast %swap3A_94 : vector<16xi32> to vector<16xi32>
    %swap3A_96 = vector.shape_cast %get3A_92 : vector<16xi32> to vector<16xi32>
    tpu.vector_store %arg16[%swap3A_93], %swap3A_96 {strides = array<i32>} : memref<40xi32, #tpu.memory_space<vmem>>, vector<16xi32>,
    %get3A_97 = arith.constant 96 : index
    %get3A_98 = tpu.vector_load %arg12[%get3A_97] {strides = array<i32>} : memref<10000xi32, #tpu.memory_space<vmem>>, vector<16xi32>,
    %get3A_99 = vector.shape_cast %get3A_98 : vector<16xi32> to vector<16xi32>
    %swap3A_100 = arith.constant 16 : index
    %swap3A_101 = tpu.vector_load %arg16[%swap3A_100] {strides = array<i32>} : memref<40xi32, #tpu.memory_space<vmem>>, vector<16xi32>,
    %swap3A_102 = vector.shape_cast %swap3A_101 : vector<16xi32> to vector<16xi32>
    %swap3A_103 = vector.shape_cast %get3A_99 : vector<16xi32> to vector<16xi32>
    tpu.vector_store %arg16[%swap3A_100], %swap3A_103 {strides = array<i32>} : memref<40xi32, #tpu.memory_space<vmem>>, vector<16xi32>,
    %get3A_104 = arith.constant 104 : index
    %get3A_105 = tpu.vector_load %arg12[%get3A_104] {strides = array<i32>} : memref<10000xi32, #tpu.memory_space<vmem>>, vector<16xi32>,
    %get3A_106 = vector.shape_cast %get3A_105 : vector<16xi32> to vector<16xi32>
    %swap3A_107 = arith.constant 24 : index
    %swap3A_108 = tpu.vector_load %arg16[%swap3A_107] {strides = array<i32>} : memref<40xi32, #tpu.memory_space<vmem>>, vector<16xi32>,
    %swap3A_109 = vector.shape_cast %swap3A_108 : vector<16xi32> to vector<16xi32>
    %swap3A_110 = vector.shape_cast %get3A_106 : vector<16xi32> to vector<16xi32>
    tpu.vector_store %arg16[%swap3A_107], %swap3A_110 {strides = array<i32>} : memref<40xi32, #tpu.memory_space<vmem>>, vector<16xi32>,
    %dma_start3A_111 = arith.constant 80 : i32
    %dma_start3A_112 = tpu.memref_slice %arg11[%dma_start3A_111] : memref<10000xi32, #tpu.memory_space<vmem>> -> memref<40xi32, #tpu.memory_space<vmem>>
    %dma_start3A_113 = arith.constant 0 : i32
    %dma_start3A_114 = arith.constant 0 : i32
    %dma_start3A_115 = tpu.memref_slice %arg2[%dma_start3A_113, %dma_start3A_114] : memref<10000x128xf32, #tpu.memory_space<hbm>> -> memref<10000x128xf32, #tpu.memory_space<hbm>>
    tpu.enqueue_indirect_dma source(%dma_start3A_115 : memref<10000x128xf32, #tpu.memory_space<hbm>>) target(%arg21 : memref<40x128xf32, #tpu.memory_space<vmem>>) offsets(%dma_start3A_112 : memref<40xi32, #tpu.memory_space<vmem>>) semaphore(%arg26 : memref<!tpu.dma_semaphore, #tpu.memory_space<semaphore_mem>>)
    %dma_wait3A_116 = arith.constant 0 : i32
    %dma_wait3A_117 = tpu.memref_slice %arg11[%dma_wait3A_116] : memref<10000xi32, #tpu.memory_space<vmem>> -> memref<40xi32, #tpu.memory_space<vmem>>
    %dma_wait3A_118 = arith.constant 0 : i32
    %dma_wait3A_119 = arith.constant 0 : i32
    %dma_wait3A_120 = tpu.memref_slice %arg2[%dma_wait3A_118, %dma_wait3A_119] : memref<10000x128xf32, #tpu.memory_space<hbm>> -> memref<10000x128xf32, #tpu.memory_space<hbm>>
    tpu.wait_indirect_dma semaphore(%arg24 : memref<!tpu.dma_semaphore, #tpu.memory_space<semaphore_mem>>) src(%dma_wait3A_120 : memref<10000x128xf32, #tpu.memory_space<hbm>>) dst(%arg19 : memref<40x128xf32, #tpu.memory_space<vmem>>)
    %dma_start3A_121 = arith.constant 0 : i32
    %dma_start3A_122 = arith.constant 0 : i32
    %dma_start3A_123 = tpu.memref_slice %arg9[%dma_start3A_121, %dma_start3A_122] : memref<10240x128xf32, #tpu.memory_space<vmem_shared>> -> memref<10240x128xf32, #tpu.memory_space<vmem_shared>>
    tpu.enqueue_indirect_dma source(%arg19 : memref<40x128xf32, #tpu.memory_space<vmem>>) target(%dma_start3A_123 : memref<10240x128xf32, #tpu.memory_space<vmem_shared>>) offsets(%arg14 : memref<40xi32, #tpu.memory_space<vmem>>) semaphore(%arg29 : memref<!tpu.dma_semaphore, #tpu.memory_space<semaphore_mem>>) {add = true}
    "tpu.region"() ({
      %run_scoped3A = tpu.sem_alloc : memref<!tpu.dma_semaphore, #tpu.memory_space<semaphore_mem>>
      %dma_start3A_244 = arith.constant 0 : i32
      %dma_start3A_245 = tpu.memref_slice %arg10[%dma_start3A_244] : memref<10240xf32, #tpu.memory_space<vmem_shared>> -> memref<10240xf32, #tpu.memory_space<vmem_shared>>
      tpu.enqueue_indirect_dma source(%arg13 : memref<40xf32, #tpu.memory_space<vmem>>) target(%dma_start3A_245 : memref<10240xf32, #tpu.memory_space<vmem_shared>>) offsets(%arg14 : memref<40xi32, #tpu.memory_space<vmem>>) semaphore(%run_scoped3A : memref<!tpu.dma_semaphore, #tpu.memory_space<semaphore_mem>>) {add = true}
      %dma_wait3A_246 = arith.constant 0 : i32
      %dma_wait3A_247 = tpu.memref_slice %arg10[%dma_wait3A_246] : memref<10240xf32, #tpu.memory_space<vmem_shared>> -> memref<10240xf32, #tpu.memory_space<vmem_shared>>
      tpu.wait_indirect_dma semaphore(%run_scoped3A : memref<!tpu.dma_semaphore, #tpu.memory_space<semaphore_mem>>) src(%arg13 : memref<40xf32, #tpu.memory_space<vmem>>) dst(%dma_wait3A_247 : memref<10240xf32, #tpu.memory_space<vmem_shared>>)
      tpu.yield
    }) : () -> ()
    %get3A_124 = arith.constant 120 : index
    %get3A_125 = tpu.vector_load %arg12[%get3A_124] {strides = array<i32>} : memref<10000xi32, #tpu.memory_space<vmem>>, vector<16xi32>,
    %get3A_126 = vector.shape_cast %get3A_125 : vector<16xi32> to vector<16xi32>
    %swap3A_127 = arith.constant 0 : index
    %swap3A_128 = tpu.vector_load %arg17[%swap3A_127] {strides = array<i32>} : memref<40xi32, #tpu.memory_space<vmem>>, vector<16xi32>,
    %swap3A_129 = vector.shape_cast %swap3A_128 : vector<16xi32> to vector<16xi32>
    %swap3A_130 = vector.shape_cast %get3A_126 : vector<16xi32> to vector<16xi32>
    tpu.vector_store %arg17[%swap3A_127], %swap3A_130 {strides = array<i32>} : memref<40xi32, #tpu.memory_space<vmem>>, vector<16xi32>,
    %get3A_131 = arith.constant 136 : index
    %get3A_132 = tpu.vector_load %arg12[%get3A_131] {strides = array<i32>} : memref<10000xi32, #tpu.memory_space<vmem>>, vector<16xi32>,
    %get3A_133 = vector.shape_cast %get3A_132 : vector<16xi32> to vector<16xi32>
    %swap3A_134 = arith.constant 16 : index
    %swap3A_135 = tpu.vector_load %arg17[%swap3A_134] {strides = array<i32>} : memref<40xi32, #tpu.memory_space<vmem>>, vector<16xi32>,
    %swap3A_136 = vector.shape_cast %swap3A_135 : vector<16xi32> to vector<16xi32>
    %swap3A_137 = vector.shape_cast %get3A_133 : vector<16xi32> to vector<16xi32>
    tpu.vector_store %arg17[%swap3A_134], %swap3A_137 {strides = array<i32>} : memref<40xi32, #tpu.memory_space<vmem>>, vector<16xi32>,
    %get3A_138 = arith.constant 144 : index
    %get3A_139 = tpu.vector_load %arg12[%get3A_138] {strides = array<i32>} : memref<10000xi32, #tpu.memory_space<vmem>>, vector<16xi32>,
    %get3A_140 = vector.shape_cast %get3A_139 : vector<16xi32> to vector<16xi32>
    %swap3A_141 = arith.constant 24 : index
    %swap3A_142 = tpu.vector_load %arg17[%swap3A_141] {strides = array<i32>} : memref<40xi32, #tpu.memory_space<vmem>>, vector<16xi32>,
    %swap3A_143 = vector.shape_cast %swap3A_142 : vector<16xi32> to vector<16xi32>
    %swap3A_144 = vector.shape_cast %get3A_140 : vector<16xi32> to vector<16xi32>
    tpu.vector_store %arg17[%swap3A_141], %swap3A_144 {strides = array<i32>} : memref<40xi32, #tpu.memory_space<vmem>>, vector<16xi32>,
    %dma_start3A_145 = arith.constant 120 : i32
    %dma_start3A_146 = tpu.memref_slice %arg11[%dma_start3A_145] : memref<10000xi32, #tpu.memory_space<vmem>> -> memref<40xi32, #tpu.memory_space<vmem>>
    %dma_start3A_147 = arith.constant 0 : i32
    %dma_start3A_148 = arith.constant 0 : i32
    %dma_start3A_149 = tpu.memref_slice %arg2[%dma_start3A_147, %dma_start3A_148] : memref<10000x128xf32, #tpu.memory_space<hbm>> -> memref<10000x128xf32, #tpu.memory_space<hbm>>
    tpu.enqueue_indirect_dma source(%dma_start3A_149 : memref<10000x128xf32, #tpu.memory_space<hbm>>) target(%arg22 : memref<40x128xf32, #tpu.memory_space<vmem>>) offsets(%dma_start3A_146 : memref<40xi32, #tpu.memory_space<vmem>>) semaphore(%arg27 : memref<!tpu.dma_semaphore, #tpu.memory_space<semaphore_mem>>)
    %dma_wait3A_150 = arith.constant 40 : i32
    %dma_wait3A_151 = tpu.memref_slice %arg11[%dma_wait3A_150] : memref<10000xi32, #tpu.memory_space<vmem>> -> memref<40xi32, #tpu.memory_space<vmem>>
    %dma_wait3A_152 = arith.constant 0 : i32
    %dma_wait3A_153 = arith.constant 0 : i32
    %dma_wait3A_154 = tpu.memref_slice %arg2[%dma_wait3A_152, %dma_wait3A_153] : memref<10000x128xf32, #tpu.memory_space<hbm>> -> memref<10000x128xf32, #tpu.memory_space<hbm>>
    tpu.wait_indirect_dma semaphore(%arg25 : memref<!tpu.dma_semaphore, #tpu.memory_space<semaphore_mem>>) src(%dma_wait3A_154 : memref<10000x128xf32, #tpu.memory_space<hbm>>) dst(%arg20 : memref<40x128xf32, #tpu.memory_space<vmem>>)
    %dma_start3A_155 = arith.constant 0 : i32
    %dma_start3A_156 = arith.constant 0 : i32
    %dma_start3A_157 = tpu.memref_slice %arg9[%dma_start3A_155, %dma_start3A_156] : memref<10240x128xf32, #tpu.memory_space<vmem_shared>> -> memref<10240x128xf32, #tpu.memory_space<vmem_shared>>
    tpu.enqueue_indirect_dma source(%arg20 : memref<40x128xf32, #tpu.memory_space<vmem>>) target(%dma_start3A_157 : memref<10240x128xf32, #tpu.memory_space<vmem_shared>>) offsets(%arg15 : memref<40xi32, #tpu.memory_space<vmem>>) semaphore(%arg30 : memref<!tpu.dma_semaphore, #tpu.memory_space<semaphore_mem>>) {add = true}
    "tpu.region"() ({
      %run_scoped3A = tpu.sem_alloc : memref<!tpu.dma_semaphore, #tpu.memory_space<semaphore_mem>>
      %dma_start3A_244 = arith.constant 0 : i32
      %dma_start3A_245 = tpu.memref_slice %arg10[%dma_start3A_244] : memref<10240xf32, #tpu.memory_space<vmem_shared>> -> memref<10240xf32, #tpu.memory_space<vmem_shared>>
      tpu.enqueue_indirect_dma source(%arg13 : memref<40xf32, #tpu.memory_space<vmem>>) target(%dma_start3A_245 : memref<10240xf32, #tpu.memory_space<vmem_shared>>) offsets(%arg15 : memref<40xi32, #tpu.memory_space<vmem>>) semaphore(%run_scoped3A : memref<!tpu.dma_semaphore, #tpu.memory_space<semaphore_mem>>) {add = true}
      %dma_wait3A_246 = arith.constant 0 : i32
      %dma_wait3A_247 = tpu.memref_slice %arg10[%dma_wait3A_246] : memref<10240xf32, #tpu.memory_space<vmem_shared>> -> memref<10240xf32, #tpu.memory_space<vmem_shared>>
      tpu.wait_indirect_dma semaphore(%run_scoped3A : memref<!tpu.dma_semaphore, #tpu.memory_space<semaphore_mem>>) src(%arg13 : memref<40xf32, #tpu.memory_space<vmem>>) dst(%dma_wait3A_247 : memref<10240xf32, #tpu.memory_space<vmem_shared>>)
      tpu.yield
    }) : () -> ()
    %get3A_158 = arith.constant 160 : index
    %get3A_159 = tpu.vector_load %arg12[%get3A_158] {strides = array<i32>} : memref<10000xi32, #tpu.memory_space<vmem>>, vector<16xi32>,
    %get3A_160 = vector.shape_cast %get3A_159 : vector<16xi32> to vector<16xi32>
    %swap3A_161 = arith.constant 0 : index
    %swap3A_162 = tpu.vector_load %arg18[%swap3A_161] {strides = array<i32>} : memref<40xi32, #tpu.memory_space<vmem>>, vector<16xi32>,
    %swap3A_163 = vector.shape_cast %swap3A_162 : vector<16xi32> to vector<16xi32>
    %swap3A_164 = vector.shape_cast %get3A_160 : vector<16xi32> to vector<16xi32>
    tpu.vector_store %arg18[%swap3A_161], %swap3A_164 {strides = array<i32>} : memref<40xi32, #tpu.memory_space<vmem>>, vector<16xi32>,
    %get3A_165 = arith.constant 176 : index
    %get3A_166 = tpu.vector_load %arg12[%get3A_165] {strides = array<i32>} : memref<10000xi32, #tpu.memory_space<vmem>>, vector<16xi32>,
    %get3A_167 = vector.shape_cast %get3A_166 : vector<16xi32> to vector<16xi32>
    %swap3A_168 = arith.constant 16 : index
    %swap3A_169 = tpu.vector_load %arg18[%swap3A_168] {strides = array<i32>} : memref<40xi32, #tpu.memory_space<vmem>>, vector<16xi32>,
    %swap3A_170 = vector.shape_cast %swap3A_169 : vector<16xi32> to vector<16xi32>
    %swap3A_171 = vector.shape_cast %get3A_167 : vector<16xi32> to vector<16xi32>
    tpu.vector_store %arg18[%swap3A_168], %swap3A_171 {strides = array<i32>} : memref<40xi32, #tpu.memory_space<vmem>>, vector<16xi32>,
    %get3A_172 = arith.constant 184 : index
    %get3A_173 = tpu.vector_load %arg12[%get3A_172] {strides = array<i32>} : memref<10000xi32, #tpu.memory_space<vmem>>, vector<16xi32>,
    %get3A_174 = vector.shape_cast %get3A_173 : vector<16xi32> to vector<16xi32>
    %swap3A_175 = arith.constant 24 : index
    %swap3A_176 = tpu.vector_load %arg18[%swap3A_175] {strides = array<i32>} : memref<40xi32, #tpu.memory_space<vmem>>, vector<16xi32>,
    %swap3A_177 = vector.shape_cast %swap3A_176 : vector<16xi32> to vector<16xi32>
    %swap3A_178 = vector.shape_cast %get3A_174 : vector<16xi32> to vector<16xi32>
    tpu.vector_store %arg18[%swap3A_175], %swap3A_178 {strides = array<i32>} : memref<40xi32, #tpu.memory_space<vmem>>, vector<16xi32>,
    %dma_start3A_179 = arith.constant 160 : i32
    %dma_start3A_180 = tpu.memref_slice %arg11[%dma_start3A_179] : memref<10000xi32, #tpu.memory_space<vmem>> -> memref<40xi32, #tpu.memory_space<vmem>>
    %dma_start3A_181 = arith.constant 0 : i32
    %dma_start3A_182 = arith.constant 0 : i32
    %dma_start3A_183 = tpu.memref_slice %arg2[%dma_start3A_181, %dma_start3A_182] : memref<10000x128xf32, #tpu.memory_space<hbm>> -> memref<10000x128xf32, #tpu.memory_space<hbm>>
    tpu.enqueue_indirect_dma source(%dma_start3A_183 : memref<10000x128xf32, #tpu.memory_space<hbm>>) target(%arg23 : memref<40x128xf32, #tpu.memory_space<vmem>>) offsets(%dma_start3A_180 : memref<40xi32, #tpu.memory_space<vmem>>) semaphore(%arg28 : memref<!tpu.dma_semaphore, #tpu.memory_space<semaphore_mem>>)
    %scan3A = arith.constant 0 : i32
    %scan3A_184 = arith.constant 49 : i32
    %scan3A_185 = arith.addi %scan3A, %scan3A_184 : i32
    %scan3A_186 = arith.constant 1 : i32
    scf.for %scan3A_244 = %scan3A to %scan3A_185 step %scan3A_186  : i32 {
      %mul3A_245 = arith.constant 1 : i32
      %mul3A_246 = arith.muli %scan3A_244, %mul3A_245 : i32
      %add3A_247 = arith.constant 0 : i32
      %add3A_248 = arith.addi %add3A_247, %mul3A_246 : i32
      %mul3A_249 = arith.constant 5 : i32
      %mul3A_250 = arith.muli %mul3A_249, %add3A_248 : i32
      %add3A_251 = arith.constant 2 : i32
      %add3A_252 = arith.addi %add3A_251, %mul3A_250 : i32
      %add3A_253 = arith.constant 0 : i32
      %add3A_254 = arith.addi %add3A_252, %add3A_253 : i32
      %mul3A_255 = arith.constant 40 : i32
      %mul3A_256 = arith.muli %add3A_254, %mul3A_255 : i32
      %dma_wait3A_257 = tpu.memref_slice %arg11[%mul3A_256] : memref<10000xi32, #tpu.memory_space<vmem>> -> memref<40xi32, #tpu.memory_space<vmem>>
      %dma_wait3A_258 = arith.constant 0 : i32
      %dma_wait3A_259 = arith.constant 0 : i32
      %dma_wait3A_260 = tpu.memref_slice %arg2[%dma_wait3A_258, %dma_wait3A_259] : memref<10000x128xf32, #tpu.memory_space<hbm>> -> memref<10000x128xf32, #tpu.memory_space<hbm>>
      tpu.wait_indirect_dma semaphore(%arg26 : memref<!tpu.dma_semaphore, #tpu.memory_space<semaphore_mem>>) src(%dma_wait3A_260 : memref<10000x128xf32, #tpu.memory_space<hbm>>) dst(%arg21 : memref<40x128xf32, #tpu.memory_space<vmem>>)
      %dma_start3A_261 = arith.constant 0 : i32
      %dma_start3A_262 = arith.constant 0 : i32
      %dma_start3A_263 = tpu.memref_slice %arg9[%dma_start3A_261, %dma_start3A_262] : memref<10240x128xf32, #tpu.memory_space<vmem_shared>> -> memref<10240x128xf32, #tpu.memory_space<vmem_shared>>
      tpu.enqueue_indirect_dma source(%arg21 : memref<40x128xf32, #tpu.memory_space<vmem>>) target(%dma_start3A_263 : memref<10240x128xf32, #tpu.memory_space<vmem_shared>>) offsets(%arg16 : memref<40xi32, #tpu.memory_space<vmem>>) semaphore(%arg31 : memref<!tpu.dma_semaphore, #tpu.memory_space<semaphore_mem>>) {add = true}
      "tpu.region"() ({
        %run_scoped3A = tpu.sem_alloc : memref<!tpu.dma_semaphore, #tpu.memory_space<semaphore_mem>>
        %dma_start3A_538 = arith.constant 0 : i32
        %dma_start3A_539 = tpu.memref_slice %arg10[%dma_start3A_538] : memref<10240xf32, #tpu.memory_space<vmem_shared>> -> memref<10240xf32, #tpu.memory_space<vmem_shared>>
        tpu.enqueue_indirect_dma source(%arg13 : memref<40xf32, #tpu.memory_space<vmem>>) target(%dma_start3A_539 : memref<10240xf32, #tpu.memory_space<vmem_shared>>) offsets(%arg16 : memref<40xi32, #tpu.memory_space<vmem>>) semaphore(%run_scoped3A : memref<!tpu.dma_semaphore, #tpu.memory_space<semaphore_mem>>) {add = true}
        %dma_wait3A_540 = arith.constant 0 : i32
        %dma_wait3A_541 = tpu.memref_slice %arg10[%dma_wait3A_540] : memref<10240xf32, #tpu.memory_space<vmem_shared>> -> memref<10240xf32, #tpu.memory_space<vmem_shared>>
        tpu.wait_indirect_dma semaphore(%run_scoped3A : memref<!tpu.dma_semaphore, #tpu.memory_space<semaphore_mem>>) src(%arg13 : memref<40xf32, #tpu.memory_space<vmem>>) dst(%dma_wait3A_541 : memref<10240xf32, #tpu.memory_space<vmem_shared>>)
        tpu.yield
      }) : () -> ()
      %dma_wait3A_264 = arith.constant 0 : i32
      %dma_wait3A_265 = arith.constant 0 : i32
      %dma_wait3A_266 = tpu.memref_slice %arg9[%dma_wait3A_264, %dma_wait3A_265] : memref<10240x128xf32, #tpu.memory_space<vmem_shared>> -> memref<10240x128xf32, #tpu.memory_space<vmem_shared>>
      tpu.wait_indirect_dma semaphore(%arg29 : memref<!tpu.dma_semaphore, #tpu.memory_space<semaphore_mem>>) src(%arg19 : memref<40x128xf32, #tpu.memory_space<vmem>>) dst(%dma_wait3A_266 : memref<10240x128xf32, #tpu.memory_space<vmem_shared>>)
      %add3A_267 = arith.constant 3 : i32
      %add3A_268 = arith.addi %add3A_254, %add3A_267 : i32
      %mul3A_269 = arith.constant 40 : i32
      %mul3A_270 = arith.muli %add3A_268, %mul3A_269 : i32
      %add3A_271 = arith.constant 0 : i32
      %add3A_272 = arith.addi %mul3A_270, %add3A_271 : i32
      %get3A_273 = arith.index_cast %add3A_272 : i32 to index
      %get3A_274 = tpu.vector_load %arg12[%get3A_273] {strides = array<i32>} : memref<10000xi32, #tpu.memory_space<vmem>>, vector<16xi32>,
      %get3A_275 = vector.shape_cast %get3A_274 : vector<16xi32> to vector<16xi32>
      %swap3A_276 = arith.constant 0 : index
      %swap3A_277 = tpu.vector_load %arg14[%swap3A_276] {strides = array<i32>} : memref<40xi32, #tpu.memory_space<vmem>>, vector<16xi32>,
      %swap3A_278 = vector.shape_cast %swap3A_277 : vector<16xi32> to vector<16xi32>
      %swap3A_279 = vector.shape_cast %get3A_275 : vector<16xi32> to vector<16xi32>
      tpu.vector_store %arg14[%swap3A_276], %swap3A_279 {strides = array<i32>} : memref<40xi32, #tpu.memory_space<vmem>>, vector<16xi32>,
      %mul3A_280 = arith.constant 40 : i32
      %mul3A_281 = arith.muli %add3A_268, %mul3A_280 : i32
      %add3A_282 = arith.constant 16 : i32
      %add3A_283 = arith.addi %mul3A_281, %add3A_282 : i32
      %get3A_284 = arith.index_cast %add3A_283 : i32 to index
      %get3A_285 = tpu.vector_load %arg12[%get3A_284] {strides = array<i32>} : memref<10000xi32, #tpu.memory_space<vmem>>, vector<16xi32>,
      %get3A_286 = vector.shape_cast %get3A_285 : vector<16xi32> to vector<16xi32>
      %swap3A_287 = arith.constant 16 : index
      %swap3A_288 = tpu.vector_load %arg14[%swap3A_287] {strides = array<i32>} : memref<40xi32, #tpu.memory_space<vmem>>, vector<16xi32>,
      %swap3A_289 = vector.shape_cast %swap3A_288 : vector<16xi32> to vector<16xi32>
      %swap3A_290 = vector.shape_cast %get3A_286 : vector<16xi32> to vector<16xi32>
      tpu.vector_store %arg14[%swap3A_287], %swap3A_290 {strides = array<i32>} : memref<40xi32, #tpu.memory_space<vmem>>, vector<16xi32>,
      %mul3A_291 = arith.constant 40 : i32
      %mul3A_292 = arith.muli %add3A_268, %mul3A_291 : i32
      %add3A_293 = arith.constant 24 : i32
      %add3A_294 = arith.addi %mul3A_292, %add3A_293 : i32
      %get3A_295 = arith.index_cast %add3A_294 : i32 to index
      %get3A_296 = tpu.vector_load %arg12[%get3A_295] {strides = array<i32>} : memref<10000xi32, #tpu.memory_space<vmem>>, vector<16xi32>,
      %get3A_297 = vector.shape_cast %get3A_296 : vector<16xi32> to vector<16xi32>
      %swap3A_298 = arith.constant 24 : index
      %swap3A_299 = tpu.vector_load %arg14[%swap3A_298] {strides = array<i32>} : memref<40xi32, #tpu.memory_space<vmem>>, vector<16xi32>,
      %swap3A_300 = vector.shape_cast %swap3A_299 : vector<16xi32> to vector<16xi32>
      %swap3A_301 = vector.shape_cast %get3A_297 : vector<16xi32> to vector<16xi32>
      tpu.vector_store %arg14[%swap3A_298], %swap3A_301 {strides = array<i32>} : memref<40xi32, #tpu.memory_space<vmem>>, vector<16xi32>,
      %add3A_302 = arith.constant 3 : i32
      %add3A_303 = arith.addi %add3A_254, %add3A_302 : i32
      %mul3A_304 = arith.constant 40 : i32
      %mul3A_305 = arith.muli %add3A_303, %mul3A_304 : i32
      %dma_start3A_306 = tpu.memref_slice %arg11[%mul3A_305] : memref<10000xi32, #tpu.memory_space<vmem>> -> memref<40xi32, #tpu.memory_space<vmem>>
      %dma_start3A_307 = arith.constant 0 : i32
      %dma_start3A_308 = arith.constant 0 : i32
      %dma_start3A_309 = tpu.memref_slice %arg2[%dma_start3A_307, %dma_start3A_308] : memref<10000x128xf32, #tpu.memory_space<hbm>> -> memref<10000x128xf32, #tpu.memory_space<hbm>>
      tpu.enqueue_indirect_dma source(%dma_start3A_309 : memref<10000x128xf32, #tpu.memory_space<hbm>>) target(%arg19 : memref<40x128xf32, #tpu.memory_space<vmem>>) offsets(%dma_start3A_306 : memref<40xi32, #tpu.memory_space<vmem>>) semaphore(%arg24 : memref<!tpu.dma_semaphore, #tpu.memory_space<semaphore_mem>>)
      %add3A_310 = arith.constant 1 : i32
      %add3A_311 = arith.addi %add3A_252, %add3A_310 : i32
      %mul3A_312 = arith.constant 40 : i32
      %mul3A_313 = arith.muli %add3A_311, %mul3A_312 : i32
      %dma_wait3A_314 = tpu.memref_slice %arg11[%mul3A_313] : memref<10000xi32, #tpu.memory_space<vmem>> -> memref<40xi32, #tpu.memory_space<vmem>>
      %dma_wait3A_315 = arith.constant 0 : i32
      %dma_wait3A_316 = arith.constant 0 : i32
      %dma_wait3A_317 = tpu.memref_slice %arg2[%dma_wait3A_315, %dma_wait3A_316] : memref<10000x128xf32, #tpu.memory_space<hbm>> -> memref<10000x128xf32, #tpu.memory_space<hbm>>
      tpu.wait_indirect_dma semaphore(%arg27 : memref<!tpu.dma_semaphore, #tpu.memory_space<semaphore_mem>>) src(%dma_wait3A_317 : memref<10000x128xf32, #tpu.memory_space<hbm>>) dst(%arg22 : memref<40x128xf32, #tpu.memory_space<vmem>>)
      %dma_start3A_318 = arith.constant 0 : i32
      %dma_start3A_319 = arith.constant 0 : i32
      %dma_start3A_320 = tpu.memref_slice %arg9[%dma_start3A_318, %dma_start3A_319] : memref<10240x128xf32, #tpu.memory_space<vmem_shared>> -> memref<10240x128xf32, #tpu.memory_space<vmem_shared>>
      tpu.enqueue_indirect_dma source(%arg22 : memref<40x128xf32, #tpu.memory_space<vmem>>) target(%dma_start3A_320 : memref<10240x128xf32, #tpu.memory_space<vmem_shared>>) offsets(%arg17 : memref<40xi32, #tpu.memory_space<vmem>>) semaphore(%arg32 : memref<!tpu.dma_semaphore, #tpu.memory_space<semaphore_mem>>) {add = true}
      "tpu.region"() ({
        %run_scoped3A = tpu.sem_alloc : memref<!tpu.dma_semaphore, #tpu.memory_space<semaphore_mem>>
        %dma_start3A_538 = arith.constant 0 : i32
        %dma_start3A_539 = tpu.memref_slice %arg10[%dma_start3A_538] : memref<10240xf32, #tpu.memory_space<vmem_shared>> -> memref<10240xf32, #tpu.memory_space<vmem_shared>>
        tpu.enqueue_indirect_dma source(%arg13 : memref<40xf32, #tpu.memory_space<vmem>>) target(%dma_start3A_539 : memref<10240xf32, #tpu.memory_space<vmem_shared>>) offsets(%arg17 : memref<40xi32, #tpu.memory_space<vmem>>) semaphore(%run_scoped3A : memref<!tpu.dma_semaphore, #tpu.memory_space<semaphore_mem>>) {add = true}
        %dma_wait3A_540 = arith.constant 0 : i32
        %dma_wait3A_541 = tpu.memref_slice %arg10[%dma_wait3A_540] : memref<10240xf32, #tpu.memory_space<vmem_shared>> -> memref<10240xf32, #tpu.memory_space<vmem_shared>>
        tpu.wait_indirect_dma semaphore(%run_scoped3A : memref<!tpu.dma_semaphore, #tpu.memory_space<semaphore_mem>>) src(%arg13 : memref<40xf32, #tpu.memory_space<vmem>>) dst(%dma_wait3A_541 : memref<10240xf32, #tpu.memory_space<vmem_shared>>)
        tpu.yield
      }) : () -> ()
      %dma_wait3A_321 = arith.constant 0 : i32
      %dma_wait3A_322 = arith.constant 0 : i32
      %dma_wait3A_323 = tpu.memref_slice %arg9[%dma_wait3A_321, %dma_wait3A_322] : memref<10240x128xf32, #tpu.memory_space<vmem_shared>> -> memref<10240x128xf32, #tpu.memory_space<vmem_shared>>
      tpu.wait_indirect_dma semaphore(%arg30 : memref<!tpu.dma_semaphore, #tpu.memory_space<semaphore_mem>>) src(%arg20 : memref<40x128xf32, #tpu.memory_space<vmem>>) dst(%dma_wait3A_323 : memref<10240x128xf32, #tpu.memory_space<vmem_shared>>)
      %add3A_324 = arith.constant 3 : i32
      %add3A_325 = arith.addi %add3A_311, %add3A_324 : i32
      %mul3A_326 = arith.constant 40 : i32
      %mul3A_327 = arith.muli %add3A_325, %mul3A_326 : i32
      %add3A_328 = arith.constant 0 : i32
      %add3A_329 = arith.addi %mul3A_327, %add3A_328 : i32
      %get3A_330 = arith.index_cast %add3A_329 : i32 to index
      %get3A_331 = tpu.vector_load %arg12[%get3A_330] {strides = array<i32>} : memref<10000xi32, #tpu.memory_space<vmem>>, vector<16xi32>,
      %get3A_332 = vector.shape_cast %get3A_331 : vector<16xi32> to vector<16xi32>
      %swap3A_333 = arith.constant 0 : index
      %swap3A_334 = tpu.vector_load %arg15[%swap3A_333] {strides = array<i32>} : memref<40xi32, #tpu.memory_space<vmem>>, vector<16xi32>,
      %swap3A_335 = vector.shape_cast %swap3A_334 : vector<16xi32> to vector<16xi32>
      %swap3A_336 = vector.shape_cast %get3A_332 : vector<16xi32> to vector<16xi32>
      tpu.vector_store %arg15[%swap3A_333], %swap3A_336 {strides = array<i32>} : memref<40xi32, #tpu.memory_space<vmem>>, vector<16xi32>,
      %mul3A_337 = arith.constant 40 : i32
      %mul3A_338 = arith.muli %add3A_325, %mul3A_337 : i32
      %add3A_339 = arith.constant 16 : i32
      %add3A_340 = arith.addi %mul3A_338, %add3A_339 : i32
      %get3A_341 = arith.index_cast %add3A_340 : i32 to index
      %get3A_342 = tpu.vector_load %arg12[%get3A_341] {strides = array<i32>} : memref<10000xi32, #tpu.memory_space<vmem>>, vector<16xi32>,
      %get3A_343 = vector.shape_cast %get3A_342 : vector<16xi32> to vector<16xi32>
      %swap3A_344 = arith.constant 16 : index
      %swap3A_345 = tpu.vector_load %arg15[%swap3A_344] {strides = array<i32>} : memref<40xi32, #tpu.memory_space<vmem>>, vector<16xi32>,
      %swap3A_346 = vector.shape_cast %swap3A_345 : vector<16xi32> to vector<16xi32>
      %swap3A_347 = vector.shape_cast %get3A_343 : vector<16xi32> to vector<16xi32>
      tpu.vector_store %arg15[%swap3A_344], %swap3A_347 {strides = array<i32>} : memref<40xi32, #tpu.memory_space<vmem>>, vector<16xi32>,
      %mul3A_348 = arith.constant 40 : i32
      %mul3A_349 = arith.muli %add3A_325, %mul3A_348 : i32
      %add3A_350 = arith.constant 24 : i32
      %add3A_351 = arith.addi %mul3A_349, %add3A_350 : i32
      %get3A_352 = arith.index_cast %add3A_351 : i32 to index
      %get3A_353 = tpu.vector_load %arg12[%get3A_352] {strides = array<i32>} : memref<10000xi32, #tpu.memory_space<vmem>>, vector<16xi32>,
      %get3A_354 = vector.shape_cast %get3A_353 : vector<16xi32> to vector<16xi32>
      %swap3A_355 = arith.constant 24 : index
      %swap3A_356 = tpu.vector_load %arg15[%swap3A_355] {strides = array<i32>} : memref<40xi32, #tpu.memory_space<vmem>>, vector<16xi32>,
      %swap3A_357 = vector.shape_cast %swap3A_356 : vector<16xi32> to vector<16xi32>
      %swap3A_358 = vector.shape_cast %get3A_354 : vector<16xi32> to vector<16xi32>
      tpu.vector_store %arg15[%swap3A_355], %swap3A_358 {strides = array<i32>} : memref<40xi32, #tpu.memory_space<vmem>>, vector<16xi32>,
      %add3A_359 = arith.constant 3 : i32
      %add3A_360 = arith.addi %add3A_311, %add3A_359 : i32
      %mul3A_361 = arith.constant 40 : i32
      %mul3A_362 = arith.muli %add3A_360, %mul3A_361 : i32
      %dma_start3A_363 = tpu.memref_slice %arg11[%mul3A_362] : memref<10000xi32, #tpu.memory_space<vmem>> -> memref<40xi32, #tpu.memory_space<vmem>>
      %dma_start3A_364 = arith.constant 0 : i32
      %dma_start3A_365 = arith.constant 0 : i32
      %dma_start3A_366 = tpu.memref_slice %arg2[%dma_start3A_364, %dma_start3A_365] : memref<10000x128xf32, #tpu.memory_space<hbm>> -> memref<10000x128xf32, #tpu.memory_space<hbm>>
      tpu.enqueue_indirect_dma source(%dma_start3A_366 : memref<10000x128xf32, #tpu.memory_space<hbm>>) target(%arg20 : memref<40x128xf32, #tpu.memory_space<vmem>>) offsets(%dma_start3A_363 : memref<40xi32, #tpu.memory_space<vmem>>) semaphore(%arg25 : memref<!tpu.dma_semaphore, #tpu.memory_space<semaphore_mem>>)
      %add3A_367 = arith.constant 2 : i32
      %add3A_368 = arith.addi %add3A_252, %add3A_367 : i32
      %mul3A_369 = arith.constant 40 : i32
      %mul3A_370 = arith.muli %add3A_368, %mul3A_369 : i32
      %dma_wait3A_371 = tpu.memref_slice %arg11[%mul3A_370] : memref<10000xi32, #tpu.memory_space<vmem>> -> memref<40xi32, #tpu.memory_space<vmem>>
      %dma_wait3A_372 = arith.constant 0 : i32
      %dma_wait3A_373 = arith.constant 0 : i32
      %dma_wait3A_374 = tpu.memref_slice %arg2[%dma_wait3A_372, %dma_wait3A_373] : memref<10000x128xf32, #tpu.memory_space<hbm>> -> memref<10000x128xf32, #tpu.memory_space<hbm>>
      tpu.wait_indirect_dma semaphore(%arg28 : memref<!tpu.dma_semaphore, #tpu.memory_space<semaphore_mem>>) src(%dma_wait3A_374 : memref<10000x128xf32, #tpu.memory_space<hbm>>) dst(%arg23 : memref<40x128xf32, #tpu.memory_space<vmem>>)
      %dma_start3A_375 = arith.constant 0 : i32
      %dma_start3A_376 = arith.constant 0 : i32
      %dma_start3A_377 = tpu.memref_slice %arg9[%dma_start3A_375, %dma_start3A_376] : memref<10240x128xf32, #tpu.memory_space<vmem_shared>> -> memref<10240x128xf32, #tpu.memory_space<vmem_shared>>
      tpu.enqueue_indirect_dma source(%arg23 : memref<40x128xf32, #tpu.memory_space<vmem>>) target(%dma_start3A_377 : memref<10240x128xf32, #tpu.memory_space<vmem_shared>>) offsets(%arg18 : memref<40xi32, #tpu.memory_space<vmem>>) semaphore(%arg33 : memref<!tpu.dma_semaphore, #tpu.memory_space<semaphore_mem>>) {add = true}
      "tpu.region"() ({
        %run_scoped3A = tpu.sem_alloc : memref<!tpu.dma_semaphore, #tpu.memory_space<semaphore_mem>>
        %dma_start3A_538 = arith.constant 0 : i32
        %dma_start3A_539 = tpu.memref_slice %arg10[%dma_start3A_538] : memref<10240xf32, #tpu.memory_space<vmem_shared>> -> memref<10240xf32, #tpu.memory_space<vmem_shared>>
        tpu.enqueue_indirect_dma source(%arg13 : memref<40xf32, #tpu.memory_space<vmem>>) target(%dma_start3A_539 : memref<10240xf32, #tpu.memory_space<vmem_shared>>) offsets(%arg18 : memref<40xi32, #tpu.memory_space<vmem>>) semaphore(%run_scoped3A : memref<!tpu.dma_semaphore, #tpu.memory_space<semaphore_mem>>) {add = true}
        %dma_wait3A_540 = arith.constant 0 : i32
        %dma_wait3A_541 = tpu.memref_slice %arg10[%dma_wait3A_540] : memref<10240xf32, #tpu.memory_space<vmem_shared>> -> memref<10240xf32, #tpu.memory_space<vmem_shared>>
        tpu.wait_indirect_dma semaphore(%run_scoped3A : memref<!tpu.dma_semaphore, #tpu.memory_space<semaphore_mem>>) src(%arg13 : memref<40xf32, #tpu.memory_space<vmem>>) dst(%dma_wait3A_541 : memref<10240xf32, #tpu.memory_space<vmem_shared>>)
        tpu.yield
      }) : () -> ()
      %dma_wait3A_378 = arith.constant 0 : i32
      %dma_wait3A_379 = arith.constant 0 : i32
      %dma_wait3A_380 = tpu.memref_slice %arg9[%dma_wait3A_378, %dma_wait3A_379] : memref<10240x128xf32, #tpu.memory_space<vmem_shared>> -> memref<10240x128xf32, #tpu.memory_space<vmem_shared>>
      tpu.wait_indirect_dma semaphore(%arg31 : memref<!tpu.dma_semaphore, #tpu.memory_space<semaphore_mem>>) src(%arg21 : memref<40x128xf32, #tpu.memory_space<vmem>>) dst(%dma_wait3A_380 : memref<10240x128xf32, #tpu.memory_space<vmem_shared>>)
      %add3A_381 = arith.constant 3 : i32
      %add3A_382 = arith.addi %add3A_368, %add3A_381 : i32
      %mul3A_383 = arith.constant 40 : i32
      %mul3A_384 = arith.muli %add3A_382, %mul3A_383 : i32
      %add3A_385 = arith.constant 0 : i32
      %add3A_386 = arith.addi %mul3A_384, %add3A_385 : i32
      %get3A_387 = arith.index_cast %add3A_386 : i32 to index
      %get3A_388 = tpu.vector_load %arg12[%get3A_387] {strides = array<i32>} : memref<10000xi32, #tpu.memory_space<vmem>>, vector<16xi32>,
      %get3A_389 = vector.shape_cast %get3A_388 : vector<16xi32> to vector<16xi32>
      %swap3A_390 = arith.constant 0 : index
      %swap3A_391 = tpu.vector_load %arg16[%swap3A_390] {strides = array<i32>} : memref<40xi32, #tpu.memory_space<vmem>>, vector<16xi32>,
      %swap3A_392 = vector.shape_cast %swap3A_391 : vector<16xi32> to vector<16xi32>
      %swap3A_393 = vector.shape_cast %get3A_389 : vector<16xi32> to vector<16xi32>
      tpu.vector_store %arg16[%swap3A_390], %swap3A_393 {strides = array<i32>} : memref<40xi32, #tpu.memory_space<vmem>>, vector<16xi32>,
      %mul3A_394 = arith.constant 40 : i32
      %mul3A_395 = arith.muli %add3A_382, %mul3A_394 : i32
      %add3A_396 = arith.constant 16 : i32
      %add3A_397 = arith.addi %mul3A_395, %add3A_396 : i32
      %get3A_398 = arith.index_cast %add3A_397 : i32 to index
      %get3A_399 = tpu.vector_load %arg12[%get3A_398] {strides = array<i32>} : memref<10000xi32, #tpu.memory_space<vmem>>, vector<16xi32>,
      %get3A_400 = vector.shape_cast %get3A_399 : vector<16xi32> to vector<16xi32>
      %swap3A_401 = arith.constant 16 : index
      %swap3A_402 = tpu.vector_load %arg16[%swap3A_401] {strides = array<i32>} : memref<40xi32, #tpu.memory_space<vmem>>, vector<16xi32>,
      %swap3A_403 = vector.shape_cast %swap3A_402 : vector<16xi32> to vector<16xi32>
      %swap3A_404 = vector.shape_cast %get3A_400 : vector<16xi32> to vector<16xi32>
      tpu.vector_store %arg16[%swap3A_401], %swap3A_404 {strides = array<i32>} : memref<40xi32, #tpu.memory_space<vmem>>, vector<16xi32>,
      %mul3A_405 = arith.constant 40 : i32
      %mul3A_406 = arith.muli %add3A_382, %mul3A_405 : i32
      %add3A_407 = arith.constant 24 : i32
      %add3A_408 = arith.addi %mul3A_406, %add3A_407 : i32
      %get3A_409 = arith.index_cast %add3A_408 : i32 to index
      %get3A_410 = tpu.vector_load %arg12[%get3A_409] {strides = array<i32>} : memref<10000xi32, #tpu.memory_space<vmem>>, vector<16xi32>,
      %get3A_411 = vector.shape_cast %get3A_410 : vector<16xi32> to vector<16xi32>
      %swap3A_412 = arith.constant 24 : index
      %swap3A_413 = tpu.vector_load %arg16[%swap3A_412] {strides = array<i32>} : memref<40xi32, #tpu.memory_space<vmem>>, vector<16xi32>,
      %swap3A_414 = vector.shape_cast %swap3A_413 : vector<16xi32> to vector<16xi32>
      %swap3A_415 = vector.shape_cast %get3A_411 : vector<16xi32> to vector<16xi32>
      tpu.vector_store %arg16[%swap3A_412], %swap3A_415 {strides = array<i32>} : memref<40xi32, #tpu.memory_space<vmem>>, vector<16xi32>,
      %add3A_416 = arith.constant 3 : i32
      %add3A_417 = arith.addi %add3A_368, %add3A_416 : i32
      %mul3A_418 = arith.constant 40 : i32
      %mul3A_419 = arith.muli %add3A_417, %mul3A_418 : i32
      %dma_start3A_420 = tpu.memref_slice %arg11[%mul3A_419] : memref<10000xi32, #tpu.memory_space<vmem>> -> memref<40xi32, #tpu.memory_space<vmem>>
      %dma_start3A_421 = arith.constant 0 : i32
      %dma_start3A_422 = arith.constant 0 : i32
      %dma_start3A_423 = tpu.memref_slice %arg2[%dma_start3A_421, %dma_start3A_422] : memref<10000x128xf32, #tpu.memory_space<hbm>> -> memref<10000x128xf32, #tpu.memory_space<hbm>>
      tpu.enqueue_indirect_dma source(%dma_start3A_423 : memref<10000x128xf32, #tpu.memory_space<hbm>>) target(%arg21 : memref<40x128xf32, #tpu.memory_space<vmem>>) offsets(%dma_start3A_420 : memref<40xi32, #tpu.memory_space<vmem>>) semaphore(%arg26 : memref<!tpu.dma_semaphore, #tpu.memory_space<semaphore_mem>>)
      %add3A_424 = arith.constant 3 : i32
      %add3A_425 = arith.addi %add3A_252, %add3A_424 : i32
      %mul3A_426 = arith.constant 40 : i32
      %mul3A_427 = arith.muli %add3A_425, %mul3A_426 : i32
      %dma_wait3A_428 = tpu.memref_slice %arg11[%mul3A_427] : memref<10000xi32, #tpu.memory_space<vmem>> -> memref<40xi32, #tpu.memory_space<vmem>>
      %dma_wait3A_429 = arith.constant 0 : i32
      %dma_wait3A_430 = arith.constant 0 : i32
      %dma_wait3A_431 = tpu.memref_slice %arg2[%dma_wait3A_429, %dma_wait3A_430] : memref<10000x128xf32, #tpu.memory_space<hbm>> -> memref<10000x128xf32, #tpu.memory_space<hbm>>
      tpu.wait_indirect_dma semaphore(%arg24 : memref<!tpu.dma_semaphore, #tpu.memory_space<semaphore_mem>>) src(%dma_wait3A_431 : memref<10000x128xf32, #tpu.memory_space<hbm>>) dst(%arg19 : memref<40x128xf32, #tpu.memory_space<vmem>>)
      %dma_start3A_432 = arith.constant 0 : i32
      %dma_start3A_433 = arith.constant 0 : i32
      %dma_start3A_434 = tpu.memref_slice %arg9[%dma_start3A_432, %dma_start3A_433] : memref<10240x128xf32, #tpu.memory_space<vmem_shared>> -> memref<10240x128xf32, #tpu.memory_space<vmem_shared>>
      tpu.enqueue_indirect_dma source(%arg19 : memref<40x128xf32, #tpu.memory_space<vmem>>) target(%dma_start3A_434 : memref<10240x128xf32, #tpu.memory_space<vmem_shared>>) offsets(%arg14 : memref<40xi32, #tpu.memory_space<vmem>>) semaphore(%arg29 : memref<!tpu.dma_semaphore, #tpu.memory_space<semaphore_mem>>) {add = true}
      "tpu.region"() ({
        %run_scoped3A = tpu.sem_alloc : memref<!tpu.dma_semaphore, #tpu.memory_space<semaphore_mem>>
        %dma_start3A_538 = arith.constant 0 : i32
        %dma_start3A_539 = tpu.memref_slice %arg10[%dma_start3A_538] : memref<10240xf32, #tpu.memory_space<vmem_shared>> -> memref<10240xf32, #tpu.memory_space<vmem_shared>>
        tpu.enqueue_indirect_dma source(%arg13 : memref<40xf32, #tpu.memory_space<vmem>>) target(%dma_start3A_539 : memref<10240xf32, #tpu.memory_space<vmem_shared>>) offsets(%arg14 : memref<40xi32, #tpu.memory_space<vmem>>) semaphore(%run_scoped3A : memref<!tpu.dma_semaphore, #tpu.memory_space<semaphore_mem>>) {add = true}
        %dma_wait3A_540 = arith.constant 0 : i32
        %dma_wait3A_541 = tpu.memref_slice %arg10[%dma_wait3A_540] : memref<10240xf32, #tpu.memory_space<vmem_shared>> -> memref<10240xf32, #tpu.memory_space<vmem_shared>>
        tpu.wait_indirect_dma semaphore(%run_scoped3A : memref<!tpu.dma_semaphore, #tpu.memory_space<semaphore_mem>>) src(%arg13 : memref<40xf32, #tpu.memory_space<vmem>>) dst(%dma_wait3A_541 : memref<10240xf32, #tpu.memory_space<vmem_shared>>)
        tpu.yield
      }) : () -> ()
      %dma_wait3A_435 = arith.constant 0 : i32
      %dma_wait3A_436 = arith.constant 0 : i32
      %dma_wait3A_437 = tpu.memref_slice %arg9[%dma_wait3A_435, %dma_wait3A_436] : memref<10240x128xf32, #tpu.memory_space<vmem_shared>> -> memref<10240x128xf32, #tpu.memory_space<vmem_shared>>
      tpu.wait_indirect_dma semaphore(%arg32 : memref<!tpu.dma_semaphore, #tpu.memory_space<semaphore_mem>>) src(%arg22 : memref<40x128xf32, #tpu.memory_space<vmem>>) dst(%dma_wait3A_437 : memref<10240x128xf32, #tpu.memory_space<vmem_shared>>)
      %add3A_438 = arith.constant 3 : i32
      %add3A_439 = arith.addi %add3A_425, %add3A_438 : i32
      %mul3A_440 = arith.constant 40 : i32
      %mul3A_441 = arith.muli %add3A_439, %mul3A_440 : i32
      %add3A_442 = arith.constant 0 : i32
      %add3A_443 = arith.addi %mul3A_441, %add3A_442 : i32
      %get3A_444 = arith.index_cast %add3A_443 : i32 to index
      %get3A_445 = tpu.vector_load %arg12[%get3A_444] {strides = array<i32>} : memref<10000xi32, #tpu.memory_space<vmem>>, vector<16xi32>,
      %get3A_446 = vector.shape_cast %get3A_445 : vector<16xi32> to vector<16xi32>
      %swap3A_447 = arith.constant 0 : index
      %swap3A_448 = tpu.vector_load %arg17[%swap3A_447] {strides = array<i32>} : memref<40xi32, #tpu.memory_space<vmem>>, vector<16xi32>,
      %swap3A_449 = vector.shape_cast %swap3A_448 : vector<16xi32> to vector<16xi32>
      %swap3A_450 = vector.shape_cast %get3A_446 : vector<16xi32> to vector<16xi32>
      tpu.vector_store %arg17[%swap3A_447], %swap3A_450 {strides = array<i32>} : memref<40xi32, #tpu.memory_space<vmem>>, vector<16xi32>,
      %mul3A_451 = arith.constant 40 : i32
      %mul3A_452 = arith.muli %add3A_439, %mul3A_451 : i32
      %add3A_453 = arith.constant 16 : i32
      %add3A_454 = arith.addi %mul3A_452, %add3A_453 : i32
      %get3A_455 = arith.index_cast %add3A_454 : i32 to index
      %get3A_456 = tpu.vector_load %arg12[%get3A_455] {strides = array<i32>} : memref<10000xi32, #tpu.memory_space<vmem>>, vector<16xi32>,
      %get3A_457 = vector.shape_cast %get3A_456 : vector<16xi32> to vector<16xi32>
      %swap3A_458 = arith.constant 16 : index
      %swap3A_459 = tpu.vector_load %arg17[%swap3A_458] {strides = array<i32>} : memref<40xi32, #tpu.memory_space<vmem>>, vector<16xi32>,
      %swap3A_460 = vector.shape_cast %swap3A_459 : vector<16xi32> to vector<16xi32>
      %swap3A_461 = vector.shape_cast %get3A_457 : vector<16xi32> to vector<16xi32>
      tpu.vector_store %arg17[%swap3A_458], %swap3A_461 {strides = array<i32>} : memref<40xi32, #tpu.memory_space<vmem>>, vector<16xi32>,
      %mul3A_462 = arith.constant 40 : i32
      %mul3A_463 = arith.muli %add3A_439, %mul3A_462 : i32
      %add3A_464 = arith.constant 24 : i32
      %add3A_465 = arith.addi %mul3A_463, %add3A_464 : i32
      %get3A_466 = arith.index_cast %add3A_465 : i32 to index
      %get3A_467 = tpu.vector_load %arg12[%get3A_466] {strides = array<i32>} : memref<10000xi32, #tpu.memory_space<vmem>>, vector<16xi32>,
      %get3A_468 = vector.shape_cast %get3A_467 : vector<16xi32> to vector<16xi32>
      %swap3A_469 = arith.constant 24 : index
      %swap3A_470 = tpu.vector_load %arg17[%swap3A_469] {strides = array<i32>} : memref<40xi32, #tpu.memory_space<vmem>>, vector<16xi32>,
      %swap3A_471 = vector.shape_cast %swap3A_470 : vector<16xi32> to vector<16xi32>
      %swap3A_472 = vector.shape_cast %get3A_468 : vector<16xi32> to vector<16xi32>
      tpu.vector_store %arg17[%swap3A_469], %swap3A_472 {strides = array<i32>} : memref<40xi32, #tpu.memory_space<vmem>>, vector<16xi32>,
      %add3A_473 = arith.constant 3 : i32
      %add3A_474 = arith.addi %add3A_425, %add3A_473 : i32
      %mul3A_475 = arith.constant 40 : i32
      %mul3A_476 = arith.muli %add3A_474, %mul3A_475 : i32
      %dma_start3A_477 = tpu.memref_slice %arg11[%mul3A_476] : memref<10000xi32, #tpu.memory_space<vmem>> -> memref<40xi32, #tpu.memory_space<vmem>>
      %dma_start3A_478 = arith.constant 0 : i32
      %dma_start3A_479 = arith.constant 0 : i32
      %dma_start3A_480 = tpu.memref_slice %arg2[%dma_start3A_478, %dma_start3A_479] : memref<10000x128xf32, #tpu.memory_space<hbm>> -> memref<10000x128xf32, #tpu.memory_space<hbm>>
      tpu.enqueue_indirect_dma source(%dma_start3A_480 : memref<10000x128xf32, #tpu.memory_space<hbm>>) target(%arg22 : memref<40x128xf32, #tpu.memory_space<vmem>>) offsets(%dma_start3A_477 : memref<40xi32, #tpu.memory_space<vmem>>) semaphore(%arg27 : memref<!tpu.dma_semaphore, #tpu.memory_space<semaphore_mem>>)
      %add3A_481 = arith.constant 4 : i32
      %add3A_482 = arith.addi %add3A_252, %add3A_481 : i32
      %mul3A_483 = arith.constant 40 : i32
      %mul3A_484 = arith.muli %add3A_482, %mul3A_483 : i32
      %dma_wait3A_485 = tpu.memref_slice %arg11[%mul3A_484] : memref<10000xi32, #tpu.memory_space<vmem>> -> memref<40xi32, #tpu.memory_space<vmem>>
      %dma_wait3A_486 = arith.constant 0 : i32
      %dma_wait3A_487 = arith.constant 0 : i32
      %dma_wait3A_488 = tpu.memref_slice %arg2[%dma_wait3A_486, %dma_wait3A_487] : memref<10000x128xf32, #tpu.memory_space<hbm>> -> memref<10000x128xf32, #tpu.memory_space<hbm>>
      tpu.wait_indirect_dma semaphore(%arg25 : memref<!tpu.dma_semaphore, #tpu.memory_space<semaphore_mem>>) src(%dma_wait3A_488 : memref<10000x128xf32, #tpu.memory_space<hbm>>) dst(%arg20 : memref<40x128xf32, #tpu.memory_space<vmem>>)
      %dma_start3A_489 = arith.constant 0 : i32
      %dma_start3A_490 = arith.constant 0 : i32
      %dma_start3A_491 = tpu.memref_slice %arg9[%dma_start3A_489, %dma_start3A_490] : memref<10240x128xf32, #tpu.memory_space<vmem_shared>> -> memref<10240x128xf32, #tpu.memory_space<vmem_shared>>
      tpu.enqueue_indirect_dma source(%arg20 : memref<40x128xf32, #tpu.memory_space<vmem>>) target(%dma_start3A_491 : memref<10240x128xf32, #tpu.memory_space<vmem_shared>>) offsets(%arg15 : memref<40xi32, #tpu.memory_space<vmem>>) semaphore(%arg30 : memref<!tpu.dma_semaphore, #tpu.memory_space<semaphore_mem>>) {add = true}
      "tpu.region"() ({
        %run_scoped3A = tpu.sem_alloc : memref<!tpu.dma_semaphore, #tpu.memory_space<semaphore_mem>>
        %dma_start3A_538 = arith.constant 0 : i32
        %dma_start3A_539 = tpu.memref_slice %arg10[%dma_start3A_538] : memref<10240xf32, #tpu.memory_space<vmem_shared>> -> memref<10240xf32, #tpu.memory_space<vmem_shared>>
        tpu.enqueue_indirect_dma source(%arg13 : memref<40xf32, #tpu.memory_space<vmem>>) target(%dma_start3A_539 : memref<10240xf32, #tpu.memory_space<vmem_shared>>) offsets(%arg15 : memref<40xi32, #tpu.memory_space<vmem>>) semaphore(%run_scoped3A : memref<!tpu.dma_semaphore, #tpu.memory_space<semaphore_mem>>) {add = true}
        %dma_wait3A_540 = arith.constant 0 : i32
        %dma_wait3A_541 = tpu.memref_slice %arg10[%dma_wait3A_540] : memref<10240xf32, #tpu.memory_space<vmem_shared>> -> memref<10240xf32, #tpu.memory_space<vmem_shared>>
        tpu.wait_indirect_dma semaphore(%run_scoped3A : memref<!tpu.dma_semaphore, #tpu.memory_space<semaphore_mem>>) src(%arg13 : memref<40xf32, #tpu.memory_space<vmem>>) dst(%dma_wait3A_541 : memref<10240xf32, #tpu.memory_space<vmem_shared>>)
        tpu.yield
      }) : () -> ()
      %dma_wait3A_492 = arith.constant 0 : i32
      %dma_wait3A_493 = arith.constant 0 : i32
      %dma_wait3A_494 = tpu.memref_slice %arg9[%dma_wait3A_492, %dma_wait3A_493] : memref<10240x128xf32, #tpu.memory_space<vmem_shared>> -> memref<10240x128xf32, #tpu.memory_space<vmem_shared>>
      tpu.wait_indirect_dma semaphore(%arg33 : memref<!tpu.dma_semaphore, #tpu.memory_space<semaphore_mem>>) src(%arg23 : memref<40x128xf32, #tpu.memory_space<vmem>>) dst(%dma_wait3A_494 : memref<10240x128xf32, #tpu.memory_space<vmem_shared>>)
      %add3A_495 = arith.constant 3 : i32
      %add3A_496 = arith.addi %add3A_482, %add3A_495 : i32
      %mul3A_497 = arith.constant 40 : i32
      %mul3A_498 = arith.muli %add3A_496, %mul3A_497 : i32
      %add3A_499 = arith.constant 0 : i32
      %add3A_500 = arith.addi %mul3A_498, %add3A_499 : i32
      %get3A_501 = arith.index_cast %add3A_500 : i32 to index
      %get3A_502 = tpu.vector_load %arg12[%get3A_501] {strides = array<i32>} : memref<10000xi32, #tpu.memory_space<vmem>>, vector<16xi32>,
      %get3A_503 = vector.shape_cast %get3A_502 : vector<16xi32> to vector<16xi32>
      %swap3A_504 = arith.constant 0 : index
      %swap3A_505 = tpu.vector_load %arg18[%swap3A_504] {strides = array<i32>} : memref<40xi32, #tpu.memory_space<vmem>>, vector<16xi32>,
      %swap3A_506 = vector.shape_cast %swap3A_505 : vector<16xi32> to vector<16xi32>
      %swap3A_507 = vector.shape_cast %get3A_503 : vector<16xi32> to vector<16xi32>
      tpu.vector_store %arg18[%swap3A_504], %swap3A_507 {strides = array<i32>} : memref<40xi32, #tpu.memory_space<vmem>>, vector<16xi32>,
      %mul3A_508 = arith.constant 40 : i32
      %mul3A_509 = arith.muli %add3A_496, %mul3A_508 : i32
      %add3A_510 = arith.constant 16 : i32
      %add3A_511 = arith.addi %mul3A_509, %add3A_510 : i32
      %get3A_512 = arith.index_cast %add3A_511 : i32 to index
      %get3A_513 = tpu.vector_load %arg12[%get3A_512] {strides = array<i32>} : memref<10000xi32, #tpu.memory_space<vmem>>, vector<16xi32>,
      %get3A_514 = vector.shape_cast %get3A_513 : vector<16xi32> to vector<16xi32>
      %swap3A_515 = arith.constant 16 : index
      %swap3A_516 = tpu.vector_load %arg18[%swap3A_515] {strides = array<i32>} : memref<40xi32, #tpu.memory_space<vmem>>, vector<16xi32>,
      %swap3A_517 = vector.shape_cast %swap3A_516 : vector<16xi32> to vector<16xi32>
      %swap3A_518 = vector.shape_cast %get3A_514 : vector<16xi32> to vector<16xi32>
      tpu.vector_store %arg18[%swap3A_515], %swap3A_518 {strides = array<i32>} : memref<40xi32, #tpu.memory_space<vmem>>, vector<16xi32>,
      %mul3A_519 = arith.constant 40 : i32
      %mul3A_520 = arith.muli %add3A_496, %mul3A_519 : i32
      %add3A_521 = arith.constant 24 : i32
      %add3A_522 = arith.addi %mul3A_520, %add3A_521 : i32
      %get3A_523 = arith.index_cast %add3A_522 : i32 to index
      %get3A_524 = tpu.vector_load %arg12[%get3A_523] {strides = array<i32>} : memref<10000xi32, #tpu.memory_space<vmem>>, vector<16xi32>,
      %get3A_525 = vector.shape_cast %get3A_524 : vector<16xi32> to vector<16xi32>
      %swap3A_526 = arith.constant 24 : index
      %swap3A_527 = tpu.vector_load %arg18[%swap3A_526] {strides = array<i32>} : memref<40xi32, #tpu.memory_space<vmem>>, vector<16xi32>,
      %swap3A_528 = vector.shape_cast %swap3A_527 : vector<16xi32> to vector<16xi32>
      %swap3A_529 = vector.shape_cast %get3A_525 : vector<16xi32> to vector<16xi32>
      tpu.vector_store %arg18[%swap3A_526], %swap3A_529 {strides = array<i32>} : memref<40xi32, #tpu.memory_space<vmem>>, vector<16xi32>,
      %add3A_530 = arith.constant 3 : i32
      %add3A_531 = arith.addi %add3A_482, %add3A_530 : i32
      %mul3A_532 = arith.constant 40 : i32
      %mul3A_533 = arith.muli %add3A_531, %mul3A_532 : i32
      %dma_start3A_534 = tpu.memref_slice %arg11[%mul3A_533] : memref<10000xi32, #tpu.memory_space<vmem>> -> memref<40xi32, #tpu.memory_space<vmem>>
      %dma_start3A_535 = arith.constant 0 : i32
      %dma_start3A_536 = arith.constant 0 : i32
      %dma_start3A_537 = tpu.memref_slice %arg2[%dma_start3A_535, %dma_start3A_536] : memref<10000x128xf32, #tpu.memory_space<hbm>> -> memref<10000x128xf32, #tpu.memory_space<hbm>>
      tpu.enqueue_indirect_dma source(%dma_start3A_537 : memref<10000x128xf32, #tpu.memory_space<hbm>>) target(%arg23 : memref<40x128xf32, #tpu.memory_space<vmem>>) offsets(%dma_start3A_534 : memref<40xi32, #tpu.memory_space<vmem>>) semaphore(%arg28 : memref<!tpu.dma_semaphore, #tpu.memory_space<semaphore_mem>>)
    }
    %scan3A_187 = arith.constant 49 : i32
    %dma_wait3A_188 = arith.constant 9880 : i32
    %dma_wait3A_189 = tpu.memref_slice %arg11[%dma_wait3A_188] : memref<10000xi32, #tpu.memory_space<vmem>> -> memref<40xi32, #tpu.memory_space<vmem>>
    %dma_wait3A_190 = arith.constant 0 : i32
    %dma_wait3A_191 = arith.constant 0 : i32
    %dma_wait3A_192 = tpu.memref_slice %arg2[%dma_wait3A_190, %dma_wait3A_191] : memref<10000x128xf32, #tpu.memory_space<hbm>> -> memref<10000x128xf32, #tpu.memory_space<hbm>>
    tpu.wait_indirect_dma semaphore(%arg26 : memref<!tpu.dma_semaphore, #tpu.memory_space<semaphore_mem>>) src(%dma_wait3A_192 : memref<10000x128xf32, #tpu.memory_space<hbm>>) dst(%arg21 : memref<40x128xf32, #tpu.memory_space<vmem>>)
    %dma_start3A_193 = arith.constant 0 : i32
    %dma_start3A_194 = arith.constant 0 : i32
    %dma_start3A_195 = tpu.memref_slice %arg9[%dma_start3A_193, %dma_start3A_194] : memref<10240x128xf32, #tpu.memory_space<vmem_shared>> -> memref<10240x128xf32, #tpu.memory_space<vmem_shared>>
    tpu.enqueue_indirect_dma source(%arg21 : memref<40x128xf32, #tpu.memory_space<vmem>>) target(%dma_start3A_195 : memref<10240x128xf32, #tpu.memory_space<vmem_shared>>) offsets(%arg16 : memref<40xi32, #tpu.memory_space<vmem>>) semaphore(%arg31 : memref<!tpu.dma_semaphore, #tpu.memory_space<semaphore_mem>>) {add = true}
    "tpu.region"() ({
      %run_scoped3A = tpu.sem_alloc : memref<!tpu.dma_semaphore, #tpu.memory_space<semaphore_mem>>
      %dma_start3A_244 = arith.constant 0 : i32
      %dma_start3A_245 = tpu.memref_slice %arg10[%dma_start3A_244] : memref<10240xf32, #tpu.memory_space<vmem_shared>> -> memref<10240xf32, #tpu.memory_space<vmem_shared>>
      tpu.enqueue_indirect_dma source(%arg13 : memref<40xf32, #tpu.memory_space<vmem>>) target(%dma_start3A_245 : memref<10240xf32, #tpu.memory_space<vmem_shared>>) offsets(%arg16 : memref<40xi32, #tpu.memory_space<vmem>>) semaphore(%run_scoped3A : memref<!tpu.dma_semaphore, #tpu.memory_space<semaphore_mem>>) {add = true}
      %dma_wait3A_246 = arith.constant 0 : i32
      %dma_wait3A_247 = tpu.memref_slice %arg10[%dma_wait3A_246] : memref<10240xf32, #tpu.memory_space<vmem_shared>> -> memref<10240xf32, #tpu.memory_space<vmem_shared>>
      tpu.wait_indirect_dma semaphore(%run_scoped3A : memref<!tpu.dma_semaphore, #tpu.memory_space<semaphore_mem>>) src(%arg13 : memref<40xf32, #tpu.memory_space<vmem>>) dst(%dma_wait3A_247 : memref<10240xf32, #tpu.memory_space<vmem_shared>>)
      tpu.yield
    }) : () -> ()
    %dma_wait3A_196 = arith.constant 0 : i32
    %dma_wait3A_197 = arith.constant 0 : i32
    %dma_wait3A_198 = tpu.memref_slice %arg9[%dma_wait3A_196, %dma_wait3A_197] : memref<10240x128xf32, #tpu.memory_space<vmem_shared>> -> memref<10240x128xf32, #tpu.memory_space<vmem_shared>>
    tpu.wait_indirect_dma semaphore(%arg29 : memref<!tpu.dma_semaphore, #tpu.memory_space<semaphore_mem>>) src(%arg19 : memref<40x128xf32, #tpu.memory_space<vmem>>) dst(%dma_wait3A_198 : memref<10240x128xf32, #tpu.memory_space<vmem_shared>>)
    %dma_wait3A_199 = arith.constant 9920 : i32
    %dma_wait3A_200 = tpu.memref_slice %arg11[%dma_wait3A_199] : memref<10000xi32, #tpu.memory_space<vmem>> -> memref<40xi32, #tpu.memory_space<vmem>>
    %dma_wait3A_201 = arith.constant 0 : i32
    %dma_wait3A_202 = arith.constant 0 : i32
    %dma_wait3A_203 = tpu.memref_slice %arg2[%dma_wait3A_201, %dma_wait3A_202] : memref<10000x128xf32, #tpu.memory_space<hbm>> -> memref<10000x128xf32, #tpu.memory_space<hbm>>
    tpu.wait_indirect_dma semaphore(%arg27 : memref<!tpu.dma_semaphore, #tpu.memory_space<semaphore_mem>>) src(%dma_wait3A_203 : memref<10000x128xf32, #tpu.memory_space<hbm>>) dst(%arg22 : memref<40x128xf32, #tpu.memory_space<vmem>>)
    %dma_start3A_204 = arith.constant 0 : i32
    %dma_start3A_205 = arith.constant 0 : i32
    %dma_start3A_206 = tpu.memref_slice %arg9[%dma_start3A_204, %dma_start3A_205] : memref<10240x128xf32, #tpu.memory_space<vmem_shared>> -> memref<10240x128xf32, #tpu.memory_space<vmem_shared>>
    tpu.enqueue_indirect_dma source(%arg22 : memref<40x128xf32, #tpu.memory_space<vmem>>) target(%dma_start3A_206 : memref<10240x128xf32, #tpu.memory_space<vmem_shared>>) offsets(%arg17 : memref<40xi32, #tpu.memory_space<vmem>>) semaphore(%arg32 : memref<!tpu.dma_semaphore, #tpu.memory_space<semaphore_mem>>) {add = true}
    "tpu.region"() ({
      %run_scoped3A = tpu.sem_alloc : memref<!tpu.dma_semaphore, #tpu.memory_space<semaphore_mem>>
      %dma_start3A_244 = arith.constant 0 : i32
      %dma_start3A_245 = tpu.memref_slice %arg10[%dma_start3A_244] : memref<10240xf32, #tpu.memory_space<vmem_shared>> -> memref<10240xf32, #tpu.memory_space<vmem_shared>>
      tpu.enqueue_indirect_dma source(%arg13 : memref<40xf32, #tpu.memory_space<vmem>>) target(%dma_start3A_245 : memref<10240xf32, #tpu.memory_space<vmem_shared>>) offsets(%arg17 : memref<40xi32, #tpu.memory_space<vmem>>) semaphore(%run_scoped3A : memref<!tpu.dma_semaphore, #tpu.memory_space<semaphore_mem>>) {add = true}
      %dma_wait3A_246 = arith.constant 0 : i32
      %dma_wait3A_247 = tpu.memref_slice %arg10[%dma_wait3A_246] : memref<10240xf32, #tpu.memory_space<vmem_shared>> -> memref<10240xf32, #tpu.memory_space<vmem_shared>>
      tpu.wait_indirect_dma semaphore(%run_scoped3A : memref<!tpu.dma_semaphore, #tpu.memory_space<semaphore_mem>>) src(%arg13 : memref<40xf32, #tpu.memory_space<vmem>>) dst(%dma_wait3A_247 : memref<10240xf32, #tpu.memory_space<vmem_shared>>)
      tpu.yield
    }) : () -> ()
    %dma_wait3A_207 = arith.constant 0 : i32
    %dma_wait3A_208 = arith.constant 0 : i32
    %dma_wait3A_209 = tpu.memref_slice %arg9[%dma_wait3A_207, %dma_wait3A_208] : memref<10240x128xf32, #tpu.memory_space<vmem_shared>> -> memref<10240x128xf32, #tpu.memory_space<vmem_shared>>
    tpu.wait_indirect_dma semaphore(%arg30 : memref<!tpu.dma_semaphore, #tpu.memory_space<semaphore_mem>>) src(%arg20 : memref<40x128xf32, #tpu.memory_space<vmem>>) dst(%dma_wait3A_209 : memref<10240x128xf32, #tpu.memory_space<vmem_shared>>)
    %dma_wait3A_210 = arith.constant 9960 : i32
    %dma_wait3A_211 = tpu.memref_slice %arg11[%dma_wait3A_210] : memref<10000xi32, #tpu.memory_space<vmem>> -> memref<40xi32, #tpu.memory_space<vmem>>
    %dma_wait3A_212 = arith.constant 0 : i32
    %dma_wait3A_213 = arith.constant 0 : i32
    %dma_wait3A_214 = tpu.memref_slice %arg2[%dma_wait3A_212, %dma_wait3A_213] : memref<10000x128xf32, #tpu.memory_space<hbm>> -> memref<10000x128xf32, #tpu.memory_space<hbm>>
    tpu.wait_indirect_dma semaphore(%arg28 : memref<!tpu.dma_semaphore, #tpu.memory_space<semaphore_mem>>) src(%dma_wait3A_214 : memref<10000x128xf32, #tpu.memory_space<hbm>>) dst(%arg23 : memref<40x128xf32, #tpu.memory_space<vmem>>)
    %dma_start3A_215 = arith.constant 0 : i32
    %dma_start3A_216 = arith.constant 0 : i32
    %dma_start3A_217 = tpu.memref_slice %arg9[%dma_start3A_215, %dma_start3A_216] : memref<10240x128xf32, #tpu.memory_space<vmem_shared>> -> memref<10240x128xf32, #tpu.memory_space<vmem_shared>>
    tpu.enqueue_indirect_dma source(%arg23 : memref<40x128xf32, #tpu.memory_space<vmem>>) target(%dma_start3A_217 : memref<10240x128xf32, #tpu.memory_space<vmem_shared>>) offsets(%arg18 : memref<40xi32, #tpu.memory_space<vmem>>) semaphore(%arg33 : memref<!tpu.dma_semaphore, #tpu.memory_space<semaphore_mem>>) {add = true}
    "tpu.region"() ({
      %run_scoped3A = tpu.sem_alloc : memref<!tpu.dma_semaphore, #tpu.memory_space<semaphore_mem>>
      %dma_start3A_244 = arith.constant 0 : i32
      %dma_start3A_245 = tpu.memref_slice %arg10[%dma_start3A_244] : memref<10240xf32, #tpu.memory_space<vmem_shared>> -> memref<10240xf32, #tpu.memory_space<vmem_shared>>
      tpu.enqueue_indirect_dma source(%arg13 : memref<40xf32, #tpu.memory_space<vmem>>) target(%dma_start3A_245 : memref<10240xf32, #tpu.memory_space<vmem_shared>>) offsets(%arg18 : memref<40xi32, #tpu.memory_space<vmem>>) semaphore(%run_scoped3A : memref<!tpu.dma_semaphore, #tpu.memory_space<semaphore_mem>>) {add = true}
      %dma_wait3A_246 = arith.constant 0 : i32
      %dma_wait3A_247 = tpu.memref_slice %arg10[%dma_wait3A_246] : memref<10240xf32, #tpu.memory_space<vmem_shared>> -> memref<10240xf32, #tpu.memory_space<vmem_shared>>
      tpu.wait_indirect_dma semaphore(%run_scoped3A : memref<!tpu.dma_semaphore, #tpu.memory_space<semaphore_mem>>) src(%arg13 : memref<40xf32, #tpu.memory_space<vmem>>) dst(%dma_wait3A_247 : memref<10240xf32, #tpu.memory_space<vmem_shared>>)
      tpu.yield
    }) : () -> ()
    %dma_wait3A_218 = arith.constant 0 : i32
    %dma_wait3A_219 = arith.constant 0 : i32
    %dma_wait3A_220 = tpu.memref_slice %arg9[%dma_wait3A_218, %dma_wait3A_219] : memref<10240x128xf32, #tpu.memory_space<vmem_shared>> -> memref<10240x128xf32, #tpu.memory_space<vmem_shared>>
    tpu.wait_indirect_dma semaphore(%arg31 : memref<!tpu.dma_semaphore, #tpu.memory_space<semaphore_mem>>) src(%arg21 : memref<40x128xf32, #tpu.memory_space<vmem>>) dst(%dma_wait3A_220 : memref<10240x128xf32, #tpu.memory_space<vmem_shared>>)
    %dma_wait3A_221 = arith.constant 0 : i32
    %dma_wait3A_222 = arith.constant 0 : i32
    %dma_wait3A_223 = tpu.memref_slice %arg9[%dma_wait3A_221, %dma_wait3A_222] : memref<10240x128xf32, #tpu.memory_space<vmem_shared>> -> memref<10240x128xf32, #tpu.memory_space<vmem_shared>>
    tpu.wait_indirect_dma semaphore(%arg32 : memref<!tpu.dma_semaphore, #tpu.memory_space<semaphore_mem>>) src(%arg22 : memref<40x128xf32, #tpu.memory_space<vmem>>) dst(%dma_wait3A_223 : memref<10240x128xf32, #tpu.memory_space<vmem_shared>>)
    %dma_wait3A_224 = arith.constant 0 : i32
    %dma_wait3A_225 = arith.constant 0 : i32
    %dma_wait3A_226 = tpu.memref_slice %arg9[%dma_wait3A_224, %dma_wait3A_225] : memref<10240x128xf32, #tpu.memory_space<vmem_shared>> -> memref<10240x128xf32, #tpu.memory_space<vmem_shared>>
    tpu.wait_indirect_dma semaphore(%arg33 : memref<!tpu.dma_semaphore, #tpu.memory_space<semaphore_mem>>) src(%arg23 : memref<40x128xf32, #tpu.memory_space<vmem>>) dst(%dma_wait3A_226 : memref<10240x128xf32, #tpu.memory_space<vmem_shared>>)
    %barrier3A_227 = arith.constant 0 : index
    tpu.barrier barrier_id(%barrier3A_227)
    %dma_start3A_228 = arith.constant 0 : i32
    %dma_start3A_229 = tpu.memref_slice %arg7[%arg0, %mul3A_0, %dma_start3A_228] : memref<2x10240x128xf32, #tpu.memory_space<hbm>> -> memref<1x640x128xf32, #tpu.memory_space<hbm>>
    %dma_start3A_230 = tpu.memref_squeeze %dma_start3A_229 : memref<1x640x128xf32, #tpu.memory_space<hbm>> -> memref<640x128xf32, #tpu.memory_space<hbm>>
    %dma_start3A_231 = arith.constant 0 : i32
    %dma_start3A_232 = tpu.memref_slice %arg9[%mul3A_0, %dma_start3A_231] : memref<10240x128xf32, #tpu.memory_space<vmem_shared>> -> memref<640x128xf32, #tpu.memory_space<vmem_shared>>
    tpu.enqueue_dma source(%dma_start3A_232 : memref<640x128xf32, #tpu.memory_space<vmem_shared>>) target(%dma_start3A_230 : memref<640x128xf32, #tpu.memory_space<hbm>>) target_semaphore(%arg24 : memref<!tpu.dma_semaphore, #tpu.memory_space<semaphore_mem>>)
    %dma_start3A_233 = tpu.memref_slice %arg8[%arg0, %mul3A_0] : memref<2x10240xf32, #tpu.memory_space<hbm>> -> memref<1x640xf32, #tpu.memory_space<hbm>>
    %dma_start3A_234 = tpu.memref_squeeze %dma_start3A_233 : memref<1x640xf32, #tpu.memory_space<hbm>> -> memref<640xf32, #tpu.memory_space<hbm>>
    %dma_start3A_235 = tpu.memref_slice %arg10[%mul3A_0] : memref<10240xf32, #tpu.memory_space<vmem_shared>> -> memref<640xf32, #tpu.memory_space<vmem_shared>>
    tpu.enqueue_dma source(%dma_start3A_235 : memref<640xf32, #tpu.memory_space<vmem_shared>>) target(%dma_start3A_234 : memref<640xf32, #tpu.memory_space<hbm>>) target_semaphore(%arg25 : memref<!tpu.dma_semaphore, #tpu.memory_space<semaphore_mem>>)
    %dma_wait3A_236 = arith.constant 0 : i32
    %dma_wait3A_237 = tpu.memref_slice %arg7[%arg0, %mul3A_0, %dma_wait3A_236] : memref<2x10240x128xf32, #tpu.memory_space<hbm>> -> memref<1x640x128xf32, #tpu.memory_space<hbm>>
    %dma_wait3A_238 = tpu.memref_squeeze %dma_wait3A_237 : memref<1x640x128xf32, #tpu.memory_space<hbm>> -> memref<640x128xf32, #tpu.memory_space<hbm>>
    %dma_wait3A_239 = arith.constant 0 : i32
    %dma_wait3A_240 = tpu.memref_slice %arg9[%mul3A_0, %dma_wait3A_239] : memref<10240x128xf32, #tpu.memory_space<vmem_shared>> -> memref<640x128xf32, #tpu.memory_space<vmem_shared>>
    tpu.wait_dma2 semaphore(%arg24 : memref<!tpu.dma_semaphore, #tpu.memory_space<semaphore_mem>>) src(%dma_wait3A_240 : memref<640x128xf32, #tpu.memory_space<vmem_shared>>) dst(%dma_wait3A_238 : memref<640x128xf32, #tpu.memory_space<hbm>>)
    %dma_wait3A_241 = tpu.memref_slice %arg8[%arg0, %mul3A_0] : memref<2x10240xf32, #tpu.memory_space<hbm>> -> memref<1x640xf32, #tpu.memory_space<hbm>>
    %dma_wait3A_242 = tpu.memref_squeeze %dma_wait3A_241 : memref<1x640xf32, #tpu.memory_space<hbm>> -> memref<640xf32, #tpu.memory_space<hbm>>
    %dma_wait3A_243 = tpu.memref_slice %arg10[%mul3A_0] : memref<10240xf32, #tpu.memory_space<vmem_shared>> -> memref<640xf32, #tpu.memory_space<vmem_shared>>
    tpu.wait_dma2 semaphore(%arg25 : memref<!tpu.dma_semaphore, #tpu.memory_space<semaphore_mem>>) src(%dma_wait3A_243 : memref<640xf32, #tpu.memory_space<vmem_shared>>) dst(%dma_wait3A_242 : memref<640xf32, #tpu.memory_space<hbm>>)
    return
  }
}

#map = affine_map<(d0, d1) -> (0, 0)>
#map1 = affine_map<(d0, d1) -> (0)>
#map2 = affine_map<(d0, d1) -> (0, 0, 0)>
module attributes {stable_mosaic.version = 14 : i64} {
  func.func @_sc_agg_body(%arg0: i32, %arg1: i32, %arg2: memref<10000x128xf32, #tpu.memory_space<hbm>>, %arg3: memref<320000xi32, #tpu.memory_space<hbm>>, %arg4: memref<320000xi32, #tpu.memory_space<hbm>>, %arg5: memref<10240x128xf32, #tpu.memory_space<hbm>>, %arg6: memref<2x10240x128xf32, #tpu.memory_space<hbm>>, %arg7: memref<10240x128xf32, #tpu.memory_space<vmem_shared>>, %arg8: memref<10000xi32, #tpu.memory_space<vmem>>, %arg9: memref<10000xi32, #tpu.memory_space<vmem>>, %arg10: memref<40xi32, #tpu.memory_space<vmem>>, %arg11: memref<40xi32, #tpu.memory_space<vmem>>, %arg12: memref<40xi32, #tpu.memory_space<vmem>>, %arg13: memref<40xi32, #tpu.memory_space<vmem>>, %arg14: memref<40xi32, #tpu.memory_space<vmem>>, %arg15: memref<40x128xf32, #tpu.memory_space<vmem>>, %arg16: memref<40x128xf32, #tpu.memory_space<vmem>>, %arg17: memref<40x128xf32, #tpu.memory_space<vmem>>, %arg18: memref<40x128xf32, #tpu.memory_space<vmem>>, %arg19: memref<40x128xf32, #tpu.memory_space<vmem>>, %arg20: memref<!tpu.dma_semaphore, #tpu.memory_space<semaphore_mem>>, %arg21: memref<!tpu.dma_semaphore, #tpu.memory_space<semaphore_mem>>, %arg22: memref<!tpu.dma_semaphore, #tpu.memory_space<semaphore_mem>>, %arg23: memref<!tpu.dma_semaphore, #tpu.memory_space<semaphore_mem>>, %arg24: memref<!tpu.dma_semaphore, #tpu.memory_space<semaphore_mem>>, %arg25: memref<!tpu.dma_semaphore, #tpu.memory_space<semaphore_mem>>, %arg26: memref<!tpu.dma_semaphore, #tpu.memory_space<semaphore_mem>>, %arg27: memref<!tpu.dma_semaphore, #tpu.memory_space<semaphore_mem>>, %arg28: memref<!tpu.dma_semaphore, #tpu.memory_space<semaphore_mem>>, %arg29: memref<!tpu.dma_semaphore, #tpu.memory_space<semaphore_mem>>) attributes {dimension_semantics = [#tpu.dimension_semantics<core_parallel>, #tpu.dimension_semantics<subcore_parallel>], iteration_bounds = array<i64: 2, 16>, scalar_prefetch = 0 : i64, scratch_operands = 23 : i64, tpu.core_type = #tpu.core_type<sc_vector_subcore>, window_params = [{transform_indices = #map}, {transform_indices = #map1}, {transform_indices = #map1}, {transform_indices = #map}, {transform_indices = #map2}]} {
    %mul3A = arith.constant 640 : i32
    %mul3A_0 = arith.muli %arg1, %mul3A : i32
    %mul3A_1 = arith.constant 160000 : i32
    %mul3A_2 = arith.muli %arg0, %mul3A_1 : i32
    %mul3A_3 = arith.constant 10000 : i32
    %mul3A_4 = arith.muli %arg1, %mul3A_3 : i32
    %add3A = arith.addi %mul3A_2, %mul3A_4 : i32
    %dma_start3A = arith.constant 0 : i32
    %dma_start3A_5 = tpu.memref_slice %arg7[%mul3A_0, %dma_start3A] : memref<10240x128xf32, #tpu.memory_space<vmem_shared>> -> memref<640x128xf32, #tpu.memory_space<vmem_shared>>
    %dma_start3A_6 = arith.constant 0 : i32
    %dma_start3A_7 = tpu.memref_slice %arg5[%mul3A_0, %dma_start3A_6] : memref<10240x128xf32, #tpu.memory_space<hbm>> -> memref<640x128xf32, #tpu.memory_space<hbm>>
    tpu.enqueue_dma source(%dma_start3A_7 : memref<640x128xf32, #tpu.memory_space<hbm>>) target(%dma_start3A_5 : memref<640x128xf32, #tpu.memory_space<vmem_shared>>) target_semaphore(%arg20 : memref<!tpu.dma_semaphore, #tpu.memory_space<semaphore_mem>>)
    %dma_start3A_8 = tpu.memref_slice %arg3[%add3A] : memref<320000xi32, #tpu.memory_space<hbm>> -> memref<10000xi32, #tpu.memory_space<hbm>>
    %dma_start3A_9 = tpu.memref_slice %arg3[%add3A] : memref<320000xi32, #tpu.memory_space<hbm>> -> memref<10000xi32, #tpu.memory_space<hbm>>
    tpu.enqueue_dma source(%dma_start3A_9 : memref<10000xi32, #tpu.memory_space<hbm>>) target(%arg8 : memref<10000xi32, #tpu.memory_space<vmem>>) target_semaphore(%arg21 : memref<!tpu.dma_semaphore, #tpu.memory_space<semaphore_mem>>)
    %dma_start3A_10 = tpu.memref_slice %arg4[%add3A] : memref<320000xi32, #tpu.memory_space<hbm>> -> memref<10000xi32, #tpu.memory_space<hbm>>
    %dma_start3A_11 = tpu.memref_slice %arg4[%add3A] : memref<320000xi32, #tpu.memory_space<hbm>> -> memref<10000xi32, #tpu.memory_space<hbm>>
    tpu.enqueue_dma source(%dma_start3A_11 : memref<10000xi32, #tpu.memory_space<hbm>>) target(%arg9 : memref<10000xi32, #tpu.memory_space<vmem>>) target_semaphore(%arg22 : memref<!tpu.dma_semaphore, #tpu.memory_space<semaphore_mem>>)
    %dma_wait3A = arith.constant 0 : i32
    %dma_wait3A_12 = tpu.memref_slice %arg7[%mul3A_0, %dma_wait3A] : memref<10240x128xf32, #tpu.memory_space<vmem_shared>> -> memref<640x128xf32, #tpu.memory_space<vmem_shared>>
    %dma_wait3A_13 = arith.constant 0 : i32
    %dma_wait3A_14 = tpu.memref_slice %arg5[%mul3A_0, %dma_wait3A_13] : memref<10240x128xf32, #tpu.memory_space<hbm>> -> memref<640x128xf32, #tpu.memory_space<hbm>>
    tpu.wait_dma2 semaphore(%arg20 : memref<!tpu.dma_semaphore, #tpu.memory_space<semaphore_mem>>) src(%dma_wait3A_14 : memref<640x128xf32, #tpu.memory_space<hbm>>) dst(%dma_wait3A_12 : memref<640x128xf32, #tpu.memory_space<vmem_shared>>)
    %dma_wait3A_15 = tpu.memref_slice %arg3[%add3A] : memref<320000xi32, #tpu.memory_space<hbm>> -> memref<10000xi32, #tpu.memory_space<hbm>>
    %dma_wait3A_16 = tpu.memref_slice %arg3[%add3A] : memref<320000xi32, #tpu.memory_space<hbm>> -> memref<10000xi32, #tpu.memory_space<hbm>>
    tpu.wait_dma2 semaphore(%arg21 : memref<!tpu.dma_semaphore, #tpu.memory_space<semaphore_mem>>) src(%dma_wait3A_16 : memref<10000xi32, #tpu.memory_space<hbm>>) dst(%arg8 : memref<10000xi32, #tpu.memory_space<vmem>>)
    %dma_wait3A_17 = tpu.memref_slice %arg4[%add3A] : memref<320000xi32, #tpu.memory_space<hbm>> -> memref<10000xi32, #tpu.memory_space<hbm>>
    %dma_wait3A_18 = tpu.memref_slice %arg4[%add3A] : memref<320000xi32, #tpu.memory_space<hbm>> -> memref<10000xi32, #tpu.memory_space<hbm>>
    tpu.wait_dma2 semaphore(%arg22 : memref<!tpu.dma_semaphore, #tpu.memory_space<semaphore_mem>>) src(%dma_wait3A_18 : memref<10000xi32, #tpu.memory_space<hbm>>) dst(%arg9 : memref<10000xi32, #tpu.memory_space<vmem>>)
    %barrier3A = arith.constant 0 : index
    tpu.barrier barrier_id(%barrier3A)
    %get3A = arith.constant 0 : index
    %get3A_19 = tpu.vector_load %arg9[%get3A] {strides = array<i32>} : memref<10000xi32, #tpu.memory_space<vmem>>, vector<16xi32>,
    %get3A_20 = vector.shape_cast %get3A_19 : vector<16xi32> to vector<16xi32>
    %swap3A = arith.constant 0 : index
    %swap3A_21 = tpu.vector_load %arg10[%swap3A] {strides = array<i32>} : memref<40xi32, #tpu.memory_space<vmem>>, vector<16xi32>,
    %swap3A_22 = vector.shape_cast %swap3A_21 : vector<16xi32> to vector<16xi32>
    %swap3A_23 = vector.shape_cast %get3A_20 : vector<16xi32> to vector<16xi32>
    tpu.vector_store %arg10[%swap3A], %swap3A_23 {strides = array<i32>} : memref<40xi32, #tpu.memory_space<vmem>>, vector<16xi32>,
    %get3A_24 = arith.constant 16 : index
    %get3A_25 = tpu.vector_load %arg9[%get3A_24] {strides = array<i32>} : memref<10000xi32, #tpu.memory_space<vmem>>, vector<16xi32>,
    %get3A_26 = vector.shape_cast %get3A_25 : vector<16xi32> to vector<16xi32>
    %swap3A_27 = arith.constant 16 : index
    %swap3A_28 = tpu.vector_load %arg10[%swap3A_27] {strides = array<i32>} : memref<40xi32, #tpu.memory_space<vmem>>, vector<16xi32>,
    %swap3A_29 = vector.shape_cast %swap3A_28 : vector<16xi32> to vector<16xi32>
    %swap3A_30 = vector.shape_cast %get3A_26 : vector<16xi32> to vector<16xi32>
    tpu.vector_store %arg10[%swap3A_27], %swap3A_30 {strides = array<i32>} : memref<40xi32, #tpu.memory_space<vmem>>, vector<16xi32>,
    %get3A_31 = arith.constant 24 : index
    %get3A_32 = tpu.vector_load %arg9[%get3A_31] {strides = array<i32>} : memref<10000xi32, #tpu.memory_space<vmem>>, vector<16xi32>,
    %get3A_33 = vector.shape_cast %get3A_32 : vector<16xi32> to vector<16xi32>
    %swap3A_34 = arith.constant 24 : index
    %swap3A_35 = tpu.vector_load %arg10[%swap3A_34] {strides = array<i32>} : memref<40xi32, #tpu.memory_space<vmem>>, vector<16xi32>,
    %swap3A_36 = vector.shape_cast %swap3A_35 : vector<16xi32> to vector<16xi32>
    %swap3A_37 = vector.shape_cast %get3A_33 : vector<16xi32> to vector<16xi32>
    tpu.vector_store %arg10[%swap3A_34], %swap3A_37 {strides = array<i32>} : memref<40xi32, #tpu.memory_space<vmem>>, vector<16xi32>,
    %dma_start3A_38 = arith.constant 0 : i32
    %dma_start3A_39 = tpu.memref_slice %arg8[%dma_start3A_38] : memref<10000xi32, #tpu.memory_space<vmem>> -> memref<40xi32, #tpu.memory_space<vmem>>
    %dma_start3A_40 = arith.constant 0 : i32
    %dma_start3A_41 = arith.constant 0 : i32
    %dma_start3A_42 = tpu.memref_slice %arg2[%dma_start3A_40, %dma_start3A_41] : memref<10000x128xf32, #tpu.memory_space<hbm>> -> memref<10000x128xf32, #tpu.memory_space<hbm>>
    tpu.enqueue_indirect_dma source(%dma_start3A_42 : memref<10000x128xf32, #tpu.memory_space<hbm>>) target(%arg15 : memref<40x128xf32, #tpu.memory_space<vmem>>) offsets(%dma_start3A_39 : memref<40xi32, #tpu.memory_space<vmem>>) semaphore(%arg20 : memref<!tpu.dma_semaphore, #tpu.memory_space<semaphore_mem>>)
    %get3A_43 = arith.constant 40 : index
    %get3A_44 = tpu.vector_load %arg9[%get3A_43] {strides = array<i32>} : memref<10000xi32, #tpu.memory_space<vmem>>, vector<16xi32>,
    %get3A_45 = vector.shape_cast %get3A_44 : vector<16xi32> to vector<16xi32>
    %swap3A_46 = arith.constant 0 : index
    %swap3A_47 = tpu.vector_load %arg11[%swap3A_46] {strides = array<i32>} : memref<40xi32, #tpu.memory_space<vmem>>, vector<16xi32>,
    %swap3A_48 = vector.shape_cast %swap3A_47 : vector<16xi32> to vector<16xi32>
    %swap3A_49 = vector.shape_cast %get3A_45 : vector<16xi32> to vector<16xi32>
    tpu.vector_store %arg11[%swap3A_46], %swap3A_49 {strides = array<i32>} : memref<40xi32, #tpu.memory_space<vmem>>, vector<16xi32>,
    %get3A_50 = arith.constant 56 : index
    %get3A_51 = tpu.vector_load %arg9[%get3A_50] {strides = array<i32>} : memref<10000xi32, #tpu.memory_space<vmem>>, vector<16xi32>,
    %get3A_52 = vector.shape_cast %get3A_51 : vector<16xi32> to vector<16xi32>
    %swap3A_53 = arith.constant 16 : index
    %swap3A_54 = tpu.vector_load %arg11[%swap3A_53] {strides = array<i32>} : memref<40xi32, #tpu.memory_space<vmem>>, vector<16xi32>,
    %swap3A_55 = vector.shape_cast %swap3A_54 : vector<16xi32> to vector<16xi32>
    %swap3A_56 = vector.shape_cast %get3A_52 : vector<16xi32> to vector<16xi32>
    tpu.vector_store %arg11[%swap3A_53], %swap3A_56 {strides = array<i32>} : memref<40xi32, #tpu.memory_space<vmem>>, vector<16xi32>,
    %get3A_57 = arith.constant 64 : index
    %get3A_58 = tpu.vector_load %arg9[%get3A_57] {strides = array<i32>} : memref<10000xi32, #tpu.memory_space<vmem>>, vector<16xi32>,
    %get3A_59 = vector.shape_cast %get3A_58 : vector<16xi32> to vector<16xi32>
    %swap3A_60 = arith.constant 24 : index
    %swap3A_61 = tpu.vector_load %arg11[%swap3A_60] {strides = array<i32>} : memref<40xi32, #tpu.memory_space<vmem>>, vector<16xi32>,
    %swap3A_62 = vector.shape_cast %swap3A_61 : vector<16xi32> to vector<16xi32>
    %swap3A_63 = vector.shape_cast %get3A_59 : vector<16xi32> to vector<16xi32>
    tpu.vector_store %arg11[%swap3A_60], %swap3A_63 {strides = array<i32>} : memref<40xi32, #tpu.memory_space<vmem>>, vector<16xi32>,
    %dma_start3A_64 = arith.constant 40 : i32
    %dma_start3A_65 = tpu.memref_slice %arg8[%dma_start3A_64] : memref<10000xi32, #tpu.memory_space<vmem>> -> memref<40xi32, #tpu.memory_space<vmem>>
    %dma_start3A_66 = arith.constant 0 : i32
    %dma_start3A_67 = arith.constant 0 : i32
    %dma_start3A_68 = tpu.memref_slice %arg2[%dma_start3A_66, %dma_start3A_67] : memref<10000x128xf32, #tpu.memory_space<hbm>> -> memref<10000x128xf32, #tpu.memory_space<hbm>>
    tpu.enqueue_indirect_dma source(%dma_start3A_68 : memref<10000x128xf32, #tpu.memory_space<hbm>>) target(%arg16 : memref<40x128xf32, #tpu.memory_space<vmem>>) offsets(%dma_start3A_65 : memref<40xi32, #tpu.memory_space<vmem>>) semaphore(%arg21 : memref<!tpu.dma_semaphore, #tpu.memory_space<semaphore_mem>>)
    %get3A_69 = arith.constant 80 : index
    %get3A_70 = tpu.vector_load %arg9[%get3A_69] {strides = array<i32>} : memref<10000xi32, #tpu.memory_space<vmem>>, vector<16xi32>,
    %get3A_71 = vector.shape_cast %get3A_70 : vector<16xi32> to vector<16xi32>
    %swap3A_72 = arith.constant 0 : index
    %swap3A_73 = tpu.vector_load %arg12[%swap3A_72] {strides = array<i32>} : memref<40xi32, #tpu.memory_space<vmem>>, vector<16xi32>,
    %swap3A_74 = vector.shape_cast %swap3A_73 : vector<16xi32> to vector<16xi32>
    %swap3A_75 = vector.shape_cast %get3A_71 : vector<16xi32> to vector<16xi32>
    tpu.vector_store %arg12[%swap3A_72], %swap3A_75 {strides = array<i32>} : memref<40xi32, #tpu.memory_space<vmem>>, vector<16xi32>,
    %get3A_76 = arith.constant 96 : index
    %get3A_77 = tpu.vector_load %arg9[%get3A_76] {strides = array<i32>} : memref<10000xi32, #tpu.memory_space<vmem>>, vector<16xi32>,
    %get3A_78 = vector.shape_cast %get3A_77 : vector<16xi32> to vector<16xi32>
    %swap3A_79 = arith.constant 16 : index
    %swap3A_80 = tpu.vector_load %arg12[%swap3A_79] {strides = array<i32>} : memref<40xi32, #tpu.memory_space<vmem>>, vector<16xi32>,
    %swap3A_81 = vector.shape_cast %swap3A_80 : vector<16xi32> to vector<16xi32>
    %swap3A_82 = vector.shape_cast %get3A_78 : vector<16xi32> to vector<16xi32>
    tpu.vector_store %arg12[%swap3A_79], %swap3A_82 {strides = array<i32>} : memref<40xi32, #tpu.memory_space<vmem>>, vector<16xi32>,
    %get3A_83 = arith.constant 104 : index
    %get3A_84 = tpu.vector_load %arg9[%get3A_83] {strides = array<i32>} : memref<10000xi32, #tpu.memory_space<vmem>>, vector<16xi32>,
    %get3A_85 = vector.shape_cast %get3A_84 : vector<16xi32> to vector<16xi32>
    %swap3A_86 = arith.constant 24 : index
    %swap3A_87 = tpu.vector_load %arg12[%swap3A_86] {strides = array<i32>} : memref<40xi32, #tpu.memory_space<vmem>>, vector<16xi32>,
    %swap3A_88 = vector.shape_cast %swap3A_87 : vector<16xi32> to vector<16xi32>
    %swap3A_89 = vector.shape_cast %get3A_85 : vector<16xi32> to vector<16xi32>
    tpu.vector_store %arg12[%swap3A_86], %swap3A_89 {strides = array<i32>} : memref<40xi32, #tpu.memory_space<vmem>>, vector<16xi32>,
    %dma_start3A_90 = arith.constant 80 : i32
    %dma_start3A_91 = tpu.memref_slice %arg8[%dma_start3A_90] : memref<10000xi32, #tpu.memory_space<vmem>> -> memref<40xi32, #tpu.memory_space<vmem>>
    %dma_start3A_92 = arith.constant 0 : i32
    %dma_start3A_93 = arith.constant 0 : i32
    %dma_start3A_94 = tpu.memref_slice %arg2[%dma_start3A_92, %dma_start3A_93] : memref<10000x128xf32, #tpu.memory_space<hbm>> -> memref<10000x128xf32, #tpu.memory_space<hbm>>
    tpu.enqueue_indirect_dma source(%dma_start3A_94 : memref<10000x128xf32, #tpu.memory_space<hbm>>) target(%arg17 : memref<40x128xf32, #tpu.memory_space<vmem>>) offsets(%dma_start3A_91 : memref<40xi32, #tpu.memory_space<vmem>>) semaphore(%arg22 : memref<!tpu.dma_semaphore, #tpu.memory_space<semaphore_mem>>)
    %dma_wait3A_95 = arith.constant 0 : i32
    %dma_wait3A_96 = tpu.memref_slice %arg8[%dma_wait3A_95] : memref<10000xi32, #tpu.memory_space<vmem>> -> memref<40xi32, #tpu.memory_space<vmem>>
    %dma_wait3A_97 = arith.constant 0 : i32
    %dma_wait3A_98 = arith.constant 0 : i32
    %dma_wait3A_99 = tpu.memref_slice %arg2[%dma_wait3A_97, %dma_wait3A_98] : memref<10000x128xf32, #tpu.memory_space<hbm>> -> memref<10000x128xf32, #tpu.memory_space<hbm>>
    tpu.wait_indirect_dma semaphore(%arg20 : memref<!tpu.dma_semaphore, #tpu.memory_space<semaphore_mem>>) src(%dma_wait3A_99 : memref<10000x128xf32, #tpu.memory_space<hbm>>) dst(%arg15 : memref<40x128xf32, #tpu.memory_space<vmem>>)
    %dma_start3A_100 = arith.constant 0 : i32
    %dma_start3A_101 = arith.constant 0 : i32
    %dma_start3A_102 = tpu.memref_slice %arg7[%dma_start3A_100, %dma_start3A_101] : memref<10240x128xf32, #tpu.memory_space<vmem_shared>> -> memref<10240x128xf32, #tpu.memory_space<vmem_shared>>
    tpu.enqueue_indirect_dma source(%arg15 : memref<40x128xf32, #tpu.memory_space<vmem>>) target(%dma_start3A_102 : memref<10240x128xf32, #tpu.memory_space<vmem_shared>>) offsets(%arg10 : memref<40xi32, #tpu.memory_space<vmem>>) semaphore(%arg25 : memref<!tpu.dma_semaphore, #tpu.memory_space<semaphore_mem>>) {add = true}
    %get3A_103 = arith.constant 120 : index
    %get3A_104 = tpu.vector_load %arg9[%get3A_103] {strides = array<i32>} : memref<10000xi32, #tpu.memory_space<vmem>>, vector<16xi32>,
    %get3A_105 = vector.shape_cast %get3A_104 : vector<16xi32> to vector<16xi32>
    %swap3A_106 = arith.constant 0 : index
    %swap3A_107 = tpu.vector_load %arg13[%swap3A_106] {strides = array<i32>} : memref<40xi32, #tpu.memory_space<vmem>>, vector<16xi32>,
    %swap3A_108 = vector.shape_cast %swap3A_107 : vector<16xi32> to vector<16xi32>
    %swap3A_109 = vector.shape_cast %get3A_105 : vector<16xi32> to vector<16xi32>
    tpu.vector_store %arg13[%swap3A_106], %swap3A_109 {strides = array<i32>} : memref<40xi32, #tpu.memory_space<vmem>>, vector<16xi32>,
    %get3A_110 = arith.constant 136 : index
    %get3A_111 = tpu.vector_load %arg9[%get3A_110] {strides = array<i32>} : memref<10000xi32, #tpu.memory_space<vmem>>, vector<16xi32>,
    %get3A_112 = vector.shape_cast %get3A_111 : vector<16xi32> to vector<16xi32>
    %swap3A_113 = arith.constant 16 : index
    %swap3A_114 = tpu.vector_load %arg13[%swap3A_113] {strides = array<i32>} : memref<40xi32, #tpu.memory_space<vmem>>, vector<16xi32>,
    %swap3A_115 = vector.shape_cast %swap3A_114 : vector<16xi32> to vector<16xi32>
    %swap3A_116 = vector.shape_cast %get3A_112 : vector<16xi32> to vector<16xi32>
    tpu.vector_store %arg13[%swap3A_113], %swap3A_116 {strides = array<i32>} : memref<40xi32, #tpu.memory_space<vmem>>, vector<16xi32>,
    %get3A_117 = arith.constant 144 : index
    %get3A_118 = tpu.vector_load %arg9[%get3A_117] {strides = array<i32>} : memref<10000xi32, #tpu.memory_space<vmem>>, vector<16xi32>,
    %get3A_119 = vector.shape_cast %get3A_118 : vector<16xi32> to vector<16xi32>
    %swap3A_120 = arith.constant 24 : index
    %swap3A_121 = tpu.vector_load %arg13[%swap3A_120] {strides = array<i32>} : memref<40xi32, #tpu.memory_space<vmem>>, vector<16xi32>,
    %swap3A_122 = vector.shape_cast %swap3A_121 : vector<16xi32> to vector<16xi32>
    %swap3A_123 = vector.shape_cast %get3A_119 : vector<16xi32> to vector<16xi32>
    tpu.vector_store %arg13[%swap3A_120], %swap3A_123 {strides = array<i32>} : memref<40xi32, #tpu.memory_space<vmem>>, vector<16xi32>,
    %dma_start3A_124 = arith.constant 120 : i32
    %dma_start3A_125 = tpu.memref_slice %arg8[%dma_start3A_124] : memref<10000xi32, #tpu.memory_space<vmem>> -> memref<40xi32, #tpu.memory_space<vmem>>
    %dma_start3A_126 = arith.constant 0 : i32
    %dma_start3A_127 = arith.constant 0 : i32
    %dma_start3A_128 = tpu.memref_slice %arg2[%dma_start3A_126, %dma_start3A_127] : memref<10000x128xf32, #tpu.memory_space<hbm>> -> memref<10000x128xf32, #tpu.memory_space<hbm>>
    tpu.enqueue_indirect_dma source(%dma_start3A_128 : memref<10000x128xf32, #tpu.memory_space<hbm>>) target(%arg18 : memref<40x128xf32, #tpu.memory_space<vmem>>) offsets(%dma_start3A_125 : memref<40xi32, #tpu.memory_space<vmem>>) semaphore(%arg23 : memref<!tpu.dma_semaphore, #tpu.memory_space<semaphore_mem>>)
    %dma_wait3A_129 = arith.constant 40 : i32
    %dma_wait3A_130 = tpu.memref_slice %arg8[%dma_wait3A_129] : memref<10000xi32, #tpu.memory_space<vmem>> -> memref<40xi32, #tpu.memory_space<vmem>>
    %dma_wait3A_131 = arith.constant 0 : i32
    %dma_wait3A_132 = arith.constant 0 : i32
    %dma_wait3A_133 = tpu.memref_slice %arg2[%dma_wait3A_131, %dma_wait3A_132] : memref<10000x128xf32, #tpu.memory_space<hbm>> -> memref<10000x128xf32, #tpu.memory_space<hbm>>
    tpu.wait_indirect_dma semaphore(%arg21 : memref<!tpu.dma_semaphore, #tpu.memory_space<semaphore_mem>>) src(%dma_wait3A_133 : memref<10000x128xf32, #tpu.memory_space<hbm>>) dst(%arg16 : memref<40x128xf32, #tpu.memory_space<vmem>>)
    %dma_start3A_134 = arith.constant 0 : i32
    %dma_start3A_135 = arith.constant 0 : i32
    %dma_start3A_136 = tpu.memref_slice %arg7[%dma_start3A_134, %dma_start3A_135] : memref<10240x128xf32, #tpu.memory_space<vmem_shared>> -> memref<10240x128xf32, #tpu.memory_space<vmem_shared>>
    tpu.enqueue_indirect_dma source(%arg16 : memref<40x128xf32, #tpu.memory_space<vmem>>) target(%dma_start3A_136 : memref<10240x128xf32, #tpu.memory_space<vmem_shared>>) offsets(%arg11 : memref<40xi32, #tpu.memory_space<vmem>>) semaphore(%arg26 : memref<!tpu.dma_semaphore, #tpu.memory_space<semaphore_mem>>) {add = true}
    %get3A_137 = arith.constant 160 : index
    %get3A_138 = tpu.vector_load %arg9[%get3A_137] {strides = array<i32>} : memref<10000xi32, #tpu.memory_space<vmem>>, vector<16xi32>,
    %get3A_139 = vector.shape_cast %get3A_138 : vector<16xi32> to vector<16xi32>
    %swap3A_140 = arith.constant 0 : index
    %swap3A_141 = tpu.vector_load %arg14[%swap3A_140] {strides = array<i32>} : memref<40xi32, #tpu.memory_space<vmem>>, vector<16xi32>,
    %swap3A_142 = vector.shape_cast %swap3A_141 : vector<16xi32> to vector<16xi32>
    %swap3A_143 = vector.shape_cast %get3A_139 : vector<16xi32> to vector<16xi32>
    tpu.vector_store %arg14[%swap3A_140], %swap3A_143 {strides = array<i32>} : memref<40xi32, #tpu.memory_space<vmem>>, vector<16xi32>,
    %get3A_144 = arith.constant 176 : index
    %get3A_145 = tpu.vector_load %arg9[%get3A_144] {strides = array<i32>} : memref<10000xi32, #tpu.memory_space<vmem>>, vector<16xi32>,
    %get3A_146 = vector.shape_cast %get3A_145 : vector<16xi32> to vector<16xi32>
    %swap3A_147 = arith.constant 16 : index
    %swap3A_148 = tpu.vector_load %arg14[%swap3A_147] {strides = array<i32>} : memref<40xi32, #tpu.memory_space<vmem>>, vector<16xi32>,
    %swap3A_149 = vector.shape_cast %swap3A_148 : vector<16xi32> to vector<16xi32>
    %swap3A_150 = vector.shape_cast %get3A_146 : vector<16xi32> to vector<16xi32>
    tpu.vector_store %arg14[%swap3A_147], %swap3A_150 {strides = array<i32>} : memref<40xi32, #tpu.memory_space<vmem>>, vector<16xi32>,
    %get3A_151 = arith.constant 184 : index
    %get3A_152 = tpu.vector_load %arg9[%get3A_151] {strides = array<i32>} : memref<10000xi32, #tpu.memory_space<vmem>>, vector<16xi32>,
    %get3A_153 = vector.shape_cast %get3A_152 : vector<16xi32> to vector<16xi32>
    %swap3A_154 = arith.constant 24 : index
    %swap3A_155 = tpu.vector_load %arg14[%swap3A_154] {strides = array<i32>} : memref<40xi32, #tpu.memory_space<vmem>>, vector<16xi32>,
    %swap3A_156 = vector.shape_cast %swap3A_155 : vector<16xi32> to vector<16xi32>
    %swap3A_157 = vector.shape_cast %get3A_153 : vector<16xi32> to vector<16xi32>
    tpu.vector_store %arg14[%swap3A_154], %swap3A_157 {strides = array<i32>} : memref<40xi32, #tpu.memory_space<vmem>>, vector<16xi32>,
    %dma_start3A_158 = arith.constant 160 : i32
    %dma_start3A_159 = tpu.memref_slice %arg8[%dma_start3A_158] : memref<10000xi32, #tpu.memory_space<vmem>> -> memref<40xi32, #tpu.memory_space<vmem>>
    %dma_start3A_160 = arith.constant 0 : i32
    %dma_start3A_161 = arith.constant 0 : i32
    %dma_start3A_162 = tpu.memref_slice %arg2[%dma_start3A_160, %dma_start3A_161] : memref<10000x128xf32, #tpu.memory_space<hbm>> -> memref<10000x128xf32, #tpu.memory_space<hbm>>
    tpu.enqueue_indirect_dma source(%dma_start3A_162 : memref<10000x128xf32, #tpu.memory_space<hbm>>) target(%arg19 : memref<40x128xf32, #tpu.memory_space<vmem>>) offsets(%dma_start3A_159 : memref<40xi32, #tpu.memory_space<vmem>>) semaphore(%arg24 : memref<!tpu.dma_semaphore, #tpu.memory_space<semaphore_mem>>)
    %scan3A = arith.constant 0 : i32
    %scan3A_163 = arith.constant 49 : i32
    %scan3A_164 = arith.addi %scan3A, %scan3A_163 : i32
    %scan3A_165 = arith.constant 1 : i32
    scf.for %scan3A_217 = %scan3A to %scan3A_164 step %scan3A_165  : i32 {
      %mul3A_218 = arith.constant 1 : i32
      %mul3A_219 = arith.muli %scan3A_217, %mul3A_218 : i32
      %add3A_220 = arith.constant 0 : i32
      %add3A_221 = arith.addi %add3A_220, %mul3A_219 : i32
      %mul3A_222 = arith.constant 5 : i32
      %mul3A_223 = arith.muli %mul3A_222, %add3A_221 : i32
      %add3A_224 = arith.constant 2 : i32
      %add3A_225 = arith.addi %add3A_224, %mul3A_223 : i32
      %add3A_226 = arith.constant 0 : i32
      %add3A_227 = arith.addi %add3A_225, %add3A_226 : i32
      %mul3A_228 = arith.constant 40 : i32
      %mul3A_229 = arith.muli %add3A_227, %mul3A_228 : i32
      %dma_wait3A_230 = tpu.memref_slice %arg8[%mul3A_229] : memref<10000xi32, #tpu.memory_space<vmem>> -> memref<40xi32, #tpu.memory_space<vmem>>
      %dma_wait3A_231 = arith.constant 0 : i32
      %dma_wait3A_232 = arith.constant 0 : i32
      %dma_wait3A_233 = tpu.memref_slice %arg2[%dma_wait3A_231, %dma_wait3A_232] : memref<10000x128xf32, #tpu.memory_space<hbm>> -> memref<10000x128xf32, #tpu.memory_space<hbm>>
      tpu.wait_indirect_dma semaphore(%arg22 : memref<!tpu.dma_semaphore, #tpu.memory_space<semaphore_mem>>) src(%dma_wait3A_233 : memref<10000x128xf32, #tpu.memory_space<hbm>>) dst(%arg17 : memref<40x128xf32, #tpu.memory_space<vmem>>)
      %dma_start3A_234 = arith.constant 0 : i32
      %dma_start3A_235 = arith.constant 0 : i32
      %dma_start3A_236 = tpu.memref_slice %arg7[%dma_start3A_234, %dma_start3A_235] : memref<10240x128xf32, #tpu.memory_space<vmem_shared>> -> memref<10240x128xf32, #tpu.memory_space<vmem_shared>>
      tpu.enqueue_indirect_dma source(%arg17 : memref<40x128xf32, #tpu.memory_space<vmem>>) target(%dma_start3A_236 : memref<10240x128xf32, #tpu.memory_space<vmem_shared>>) offsets(%arg12 : memref<40xi32, #tpu.memory_space<vmem>>) semaphore(%arg27 : memref<!tpu.dma_semaphore, #tpu.memory_space<semaphore_mem>>) {add = true}
      %dma_wait3A_237 = arith.constant 0 : i32
      %dma_wait3A_238 = arith.constant 0 : i32
      %dma_wait3A_239 = tpu.memref_slice %arg7[%dma_wait3A_237, %dma_wait3A_238] : memref<10240x128xf32, #tpu.memory_space<vmem_shared>> -> memref<10240x128xf32, #tpu.memory_space<vmem_shared>>
      tpu.wait_indirect_dma semaphore(%arg25 : memref<!tpu.dma_semaphore, #tpu.memory_space<semaphore_mem>>) src(%arg15 : memref<40x128xf32, #tpu.memory_space<vmem>>) dst(%dma_wait3A_239 : memref<10240x128xf32, #tpu.memory_space<vmem_shared>>)
      %add3A_240 = arith.constant 3 : i32
      %add3A_241 = arith.addi %add3A_227, %add3A_240 : i32
      %mul3A_242 = arith.constant 40 : i32
      %mul3A_243 = arith.muli %add3A_241, %mul3A_242 : i32
      %add3A_244 = arith.constant 0 : i32
      %add3A_245 = arith.addi %mul3A_243, %add3A_244 : i32
      %get3A_246 = arith.index_cast %add3A_245 : i32 to index
      %get3A_247 = tpu.vector_load %arg9[%get3A_246] {strides = array<i32>} : memref<10000xi32, #tpu.memory_space<vmem>>, vector<16xi32>,
      %get3A_248 = vector.shape_cast %get3A_247 : vector<16xi32> to vector<16xi32>
      %swap3A_249 = arith.constant 0 : index
      %swap3A_250 = tpu.vector_load %arg10[%swap3A_249] {strides = array<i32>} : memref<40xi32, #tpu.memory_space<vmem>>, vector<16xi32>,
      %swap3A_251 = vector.shape_cast %swap3A_250 : vector<16xi32> to vector<16xi32>
      %swap3A_252 = vector.shape_cast %get3A_248 : vector<16xi32> to vector<16xi32>
      tpu.vector_store %arg10[%swap3A_249], %swap3A_252 {strides = array<i32>} : memref<40xi32, #tpu.memory_space<vmem>>, vector<16xi32>,
      %mul3A_253 = arith.constant 40 : i32
      %mul3A_254 = arith.muli %add3A_241, %mul3A_253 : i32
      %add3A_255 = arith.constant 16 : i32
      %add3A_256 = arith.addi %mul3A_254, %add3A_255 : i32
      %get3A_257 = arith.index_cast %add3A_256 : i32 to index
      %get3A_258 = tpu.vector_load %arg9[%get3A_257] {strides = array<i32>} : memref<10000xi32, #tpu.memory_space<vmem>>, vector<16xi32>,
      %get3A_259 = vector.shape_cast %get3A_258 : vector<16xi32> to vector<16xi32>
      %swap3A_260 = arith.constant 16 : index
      %swap3A_261 = tpu.vector_load %arg10[%swap3A_260] {strides = array<i32>} : memref<40xi32, #tpu.memory_space<vmem>>, vector<16xi32>,
      %swap3A_262 = vector.shape_cast %swap3A_261 : vector<16xi32> to vector<16xi32>
      %swap3A_263 = vector.shape_cast %get3A_259 : vector<16xi32> to vector<16xi32>
      tpu.vector_store %arg10[%swap3A_260], %swap3A_263 {strides = array<i32>} : memref<40xi32, #tpu.memory_space<vmem>>, vector<16xi32>,
      %mul3A_264 = arith.constant 40 : i32
      %mul3A_265 = arith.muli %add3A_241, %mul3A_264 : i32
      %add3A_266 = arith.constant 24 : i32
      %add3A_267 = arith.addi %mul3A_265, %add3A_266 : i32
      %get3A_268 = arith.index_cast %add3A_267 : i32 to index
      %get3A_269 = tpu.vector_load %arg9[%get3A_268] {strides = array<i32>} : memref<10000xi32, #tpu.memory_space<vmem>>, vector<16xi32>,
      %get3A_270 = vector.shape_cast %get3A_269 : vector<16xi32> to vector<16xi32>
      %swap3A_271 = arith.constant 24 : index
      %swap3A_272 = tpu.vector_load %arg10[%swap3A_271] {strides = array<i32>} : memref<40xi32, #tpu.memory_space<vmem>>, vector<16xi32>,
      %swap3A_273 = vector.shape_cast %swap3A_272 : vector<16xi32> to vector<16xi32>
      %swap3A_274 = vector.shape_cast %get3A_270 : vector<16xi32> to vector<16xi32>
      tpu.vector_store %arg10[%swap3A_271], %swap3A_274 {strides = array<i32>} : memref<40xi32, #tpu.memory_space<vmem>>, vector<16xi32>,
      %add3A_275 = arith.constant 3 : i32
      %add3A_276 = arith.addi %add3A_227, %add3A_275 : i32
      %mul3A_277 = arith.constant 40 : i32
      %mul3A_278 = arith.muli %add3A_276, %mul3A_277 : i32
      %dma_start3A_279 = tpu.memref_slice %arg8[%mul3A_278] : memref<10000xi32, #tpu.memory_space<vmem>> -> memref<40xi32, #tpu.memory_space<vmem>>
      %dma_start3A_280 = arith.constant 0 : i32
      %dma_start3A_281 = arith.constant 0 : i32
      %dma_start3A_282 = tpu.memref_slice %arg2[%dma_start3A_280, %dma_start3A_281] : memref<10000x128xf32, #tpu.memory_space<hbm>> -> memref<10000x128xf32, #tpu.memory_space<hbm>>
      tpu.enqueue_indirect_dma source(%dma_start3A_282 : memref<10000x128xf32, #tpu.memory_space<hbm>>) target(%arg15 : memref<40x128xf32, #tpu.memory_space<vmem>>) offsets(%dma_start3A_279 : memref<40xi32, #tpu.memory_space<vmem>>) semaphore(%arg20 : memref<!tpu.dma_semaphore, #tpu.memory_space<semaphore_mem>>)
      %add3A_283 = arith.constant 1 : i32
      %add3A_284 = arith.addi %add3A_225, %add3A_283 : i32
      %mul3A_285 = arith.constant 40 : i32
      %mul3A_286 = arith.muli %add3A_284, %mul3A_285 : i32
      %dma_wait3A_287 = tpu.memref_slice %arg8[%mul3A_286] : memref<10000xi32, #tpu.memory_space<vmem>> -> memref<40xi32, #tpu.memory_space<vmem>>
      %dma_wait3A_288 = arith.constant 0 : i32
      %dma_wait3A_289 = arith.constant 0 : i32
      %dma_wait3A_290 = tpu.memref_slice %arg2[%dma_wait3A_288, %dma_wait3A_289] : memref<10000x128xf32, #tpu.memory_space<hbm>> -> memref<10000x128xf32, #tpu.memory_space<hbm>>
      tpu.wait_indirect_dma semaphore(%arg23 : memref<!tpu.dma_semaphore, #tpu.memory_space<semaphore_mem>>) src(%dma_wait3A_290 : memref<10000x128xf32, #tpu.memory_space<hbm>>) dst(%arg18 : memref<40x128xf32, #tpu.memory_space<vmem>>)
      %dma_start3A_291 = arith.constant 0 : i32
      %dma_start3A_292 = arith.constant 0 : i32
      %dma_start3A_293 = tpu.memref_slice %arg7[%dma_start3A_291, %dma_start3A_292] : memref<10240x128xf32, #tpu.memory_space<vmem_shared>> -> memref<10240x128xf32, #tpu.memory_space<vmem_shared>>
      tpu.enqueue_indirect_dma source(%arg18 : memref<40x128xf32, #tpu.memory_space<vmem>>) target(%dma_start3A_293 : memref<10240x128xf32, #tpu.memory_space<vmem_shared>>) offsets(%arg13 : memref<40xi32, #tpu.memory_space<vmem>>) semaphore(%arg28 : memref<!tpu.dma_semaphore, #tpu.memory_space<semaphore_mem>>) {add = true}
      %dma_wait3A_294 = arith.constant 0 : i32
      %dma_wait3A_295 = arith.constant 0 : i32
      %dma_wait3A_296 = tpu.memref_slice %arg7[%dma_wait3A_294, %dma_wait3A_295] : memref<10240x128xf32, #tpu.memory_space<vmem_shared>> -> memref<10240x128xf32, #tpu.memory_space<vmem_shared>>
      tpu.wait_indirect_dma semaphore(%arg26 : memref<!tpu.dma_semaphore, #tpu.memory_space<semaphore_mem>>) src(%arg16 : memref<40x128xf32, #tpu.memory_space<vmem>>) dst(%dma_wait3A_296 : memref<10240x128xf32, #tpu.memory_space<vmem_shared>>)
      %add3A_297 = arith.constant 3 : i32
      %add3A_298 = arith.addi %add3A_284, %add3A_297 : i32
      %mul3A_299 = arith.constant 40 : i32
      %mul3A_300 = arith.muli %add3A_298, %mul3A_299 : i32
      %add3A_301 = arith.constant 0 : i32
      %add3A_302 = arith.addi %mul3A_300, %add3A_301 : i32
      %get3A_303 = arith.index_cast %add3A_302 : i32 to index
      %get3A_304 = tpu.vector_load %arg9[%get3A_303] {strides = array<i32>} : memref<10000xi32, #tpu.memory_space<vmem>>, vector<16xi32>,
      %get3A_305 = vector.shape_cast %get3A_304 : vector<16xi32> to vector<16xi32>
      %swap3A_306 = arith.constant 0 : index
      %swap3A_307 = tpu.vector_load %arg11[%swap3A_306] {strides = array<i32>} : memref<40xi32, #tpu.memory_space<vmem>>, vector<16xi32>,
      %swap3A_308 = vector.shape_cast %swap3A_307 : vector<16xi32> to vector<16xi32>
      %swap3A_309 = vector.shape_cast %get3A_305 : vector<16xi32> to vector<16xi32>
      tpu.vector_store %arg11[%swap3A_306], %swap3A_309 {strides = array<i32>} : memref<40xi32, #tpu.memory_space<vmem>>, vector<16xi32>,
      %mul3A_310 = arith.constant 40 : i32
      %mul3A_311 = arith.muli %add3A_298, %mul3A_310 : i32
      %add3A_312 = arith.constant 16 : i32
      %add3A_313 = arith.addi %mul3A_311, %add3A_312 : i32
      %get3A_314 = arith.index_cast %add3A_313 : i32 to index
      %get3A_315 = tpu.vector_load %arg9[%get3A_314] {strides = array<i32>} : memref<10000xi32, #tpu.memory_space<vmem>>, vector<16xi32>,
      %get3A_316 = vector.shape_cast %get3A_315 : vector<16xi32> to vector<16xi32>
      %swap3A_317 = arith.constant 16 : index
      %swap3A_318 = tpu.vector_load %arg11[%swap3A_317] {strides = array<i32>} : memref<40xi32, #tpu.memory_space<vmem>>, vector<16xi32>,
      %swap3A_319 = vector.shape_cast %swap3A_318 : vector<16xi32> to vector<16xi32>
      %swap3A_320 = vector.shape_cast %get3A_316 : vector<16xi32> to vector<16xi32>
      tpu.vector_store %arg11[%swap3A_317], %swap3A_320 {strides = array<i32>} : memref<40xi32, #tpu.memory_space<vmem>>, vector<16xi32>,
      %mul3A_321 = arith.constant 40 : i32
      %mul3A_322 = arith.muli %add3A_298, %mul3A_321 : i32
      %add3A_323 = arith.constant 24 : i32
      %add3A_324 = arith.addi %mul3A_322, %add3A_323 : i32
      %get3A_325 = arith.index_cast %add3A_324 : i32 to index
      %get3A_326 = tpu.vector_load %arg9[%get3A_325] {strides = array<i32>} : memref<10000xi32, #tpu.memory_space<vmem>>, vector<16xi32>,
      %get3A_327 = vector.shape_cast %get3A_326 : vector<16xi32> to vector<16xi32>
      %swap3A_328 = arith.constant 24 : index
      %swap3A_329 = tpu.vector_load %arg11[%swap3A_328] {strides = array<i32>} : memref<40xi32, #tpu.memory_space<vmem>>, vector<16xi32>,
      %swap3A_330 = vector.shape_cast %swap3A_329 : vector<16xi32> to vector<16xi32>
      %swap3A_331 = vector.shape_cast %get3A_327 : vector<16xi32> to vector<16xi32>
      tpu.vector_store %arg11[%swap3A_328], %swap3A_331 {strides = array<i32>} : memref<40xi32, #tpu.memory_space<vmem>>, vector<16xi32>,
      %add3A_332 = arith.constant 3 : i32
      %add3A_333 = arith.addi %add3A_284, %add3A_332 : i32
      %mul3A_334 = arith.constant 40 : i32
      %mul3A_335 = arith.muli %add3A_333, %mul3A_334 : i32
      %dma_start3A_336 = tpu.memref_slice %arg8[%mul3A_335] : memref<10000xi32, #tpu.memory_space<vmem>> -> memref<40xi32, #tpu.memory_space<vmem>>
      %dma_start3A_337 = arith.constant 0 : i32
      %dma_start3A_338 = arith.constant 0 : i32
      %dma_start3A_339 = tpu.memref_slice %arg2[%dma_start3A_337, %dma_start3A_338] : memref<10000x128xf32, #tpu.memory_space<hbm>> -> memref<10000x128xf32, #tpu.memory_space<hbm>>
      tpu.enqueue_indirect_dma source(%dma_start3A_339 : memref<10000x128xf32, #tpu.memory_space<hbm>>) target(%arg16 : memref<40x128xf32, #tpu.memory_space<vmem>>) offsets(%dma_start3A_336 : memref<40xi32, #tpu.memory_space<vmem>>) semaphore(%arg21 : memref<!tpu.dma_semaphore, #tpu.memory_space<semaphore_mem>>)
      %add3A_340 = arith.constant 2 : i32
      %add3A_341 = arith.addi %add3A_225, %add3A_340 : i32
      %mul3A_342 = arith.constant 40 : i32
      %mul3A_343 = arith.muli %add3A_341, %mul3A_342 : i32
      %dma_wait3A_344 = tpu.memref_slice %arg8[%mul3A_343] : memref<10000xi32, #tpu.memory_space<vmem>> -> memref<40xi32, #tpu.memory_space<vmem>>
      %dma_wait3A_345 = arith.constant 0 : i32
      %dma_wait3A_346 = arith.constant 0 : i32
      %dma_wait3A_347 = tpu.memref_slice %arg2[%dma_wait3A_345, %dma_wait3A_346] : memref<10000x128xf32, #tpu.memory_space<hbm>> -> memref<10000x128xf32, #tpu.memory_space<hbm>>
      tpu.wait_indirect_dma semaphore(%arg24 : memref<!tpu.dma_semaphore, #tpu.memory_space<semaphore_mem>>) src(%dma_wait3A_347 : memref<10000x128xf32, #tpu.memory_space<hbm>>) dst(%arg19 : memref<40x128xf32, #tpu.memory_space<vmem>>)
      %dma_start3A_348 = arith.constant 0 : i32
      %dma_start3A_349 = arith.constant 0 : i32
      %dma_start3A_350 = tpu.memref_slice %arg7[%dma_start3A_348, %dma_start3A_349] : memref<10240x128xf32, #tpu.memory_space<vmem_shared>> -> memref<10240x128xf32, #tpu.memory_space<vmem_shared>>
      tpu.enqueue_indirect_dma source(%arg19 : memref<40x128xf32, #tpu.memory_space<vmem>>) target(%dma_start3A_350 : memref<10240x128xf32, #tpu.memory_space<vmem_shared>>) offsets(%arg14 : memref<40xi32, #tpu.memory_space<vmem>>) semaphore(%arg29 : memref<!tpu.dma_semaphore, #tpu.memory_space<semaphore_mem>>) {add = true}
      %dma_wait3A_351 = arith.constant 0 : i32
      %dma_wait3A_352 = arith.constant 0 : i32
      %dma_wait3A_353 = tpu.memref_slice %arg7[%dma_wait3A_351, %dma_wait3A_352] : memref<10240x128xf32, #tpu.memory_space<vmem_shared>> -> memref<10240x128xf32, #tpu.memory_space<vmem_shared>>
      tpu.wait_indirect_dma semaphore(%arg27 : memref<!tpu.dma_semaphore, #tpu.memory_space<semaphore_mem>>) src(%arg17 : memref<40x128xf32, #tpu.memory_space<vmem>>) dst(%dma_wait3A_353 : memref<10240x128xf32, #tpu.memory_space<vmem_shared>>)
      %add3A_354 = arith.constant 3 : i32
      %add3A_355 = arith.addi %add3A_341, %add3A_354 : i32
      %mul3A_356 = arith.constant 40 : i32
      %mul3A_357 = arith.muli %add3A_355, %mul3A_356 : i32
      %add3A_358 = arith.constant 0 : i32
      %add3A_359 = arith.addi %mul3A_357, %add3A_358 : i32
      %get3A_360 = arith.index_cast %add3A_359 : i32 to index
      %get3A_361 = tpu.vector_load %arg9[%get3A_360] {strides = array<i32>} : memref<10000xi32, #tpu.memory_space<vmem>>, vector<16xi32>,
      %get3A_362 = vector.shape_cast %get3A_361 : vector<16xi32> to vector<16xi32>
      %swap3A_363 = arith.constant 0 : index
      %swap3A_364 = tpu.vector_load %arg12[%swap3A_363] {strides = array<i32>} : memref<40xi32, #tpu.memory_space<vmem>>, vector<16xi32>,
      %swap3A_365 = vector.shape_cast %swap3A_364 : vector<16xi32> to vector<16xi32>
      %swap3A_366 = vector.shape_cast %get3A_362 : vector<16xi32> to vector<16xi32>
      tpu.vector_store %arg12[%swap3A_363], %swap3A_366 {strides = array<i32>} : memref<40xi32, #tpu.memory_space<vmem>>, vector<16xi32>,
      %mul3A_367 = arith.constant 40 : i32
      %mul3A_368 = arith.muli %add3A_355, %mul3A_367 : i32
      %add3A_369 = arith.constant 16 : i32
      %add3A_370 = arith.addi %mul3A_368, %add3A_369 : i32
      %get3A_371 = arith.index_cast %add3A_370 : i32 to index
      %get3A_372 = tpu.vector_load %arg9[%get3A_371] {strides = array<i32>} : memref<10000xi32, #tpu.memory_space<vmem>>, vector<16xi32>,
      %get3A_373 = vector.shape_cast %get3A_372 : vector<16xi32> to vector<16xi32>
      %swap3A_374 = arith.constant 16 : index
      %swap3A_375 = tpu.vector_load %arg12[%swap3A_374] {strides = array<i32>} : memref<40xi32, #tpu.memory_space<vmem>>, vector<16xi32>,
      %swap3A_376 = vector.shape_cast %swap3A_375 : vector<16xi32> to vector<16xi32>
      %swap3A_377 = vector.shape_cast %get3A_373 : vector<16xi32> to vector<16xi32>
      tpu.vector_store %arg12[%swap3A_374], %swap3A_377 {strides = array<i32>} : memref<40xi32, #tpu.memory_space<vmem>>, vector<16xi32>,
      %mul3A_378 = arith.constant 40 : i32
      %mul3A_379 = arith.muli %add3A_355, %mul3A_378 : i32
      %add3A_380 = arith.constant 24 : i32
      %add3A_381 = arith.addi %mul3A_379, %add3A_380 : i32
      %get3A_382 = arith.index_cast %add3A_381 : i32 to index
      %get3A_383 = tpu.vector_load %arg9[%get3A_382] {strides = array<i32>} : memref<10000xi32, #tpu.memory_space<vmem>>, vector<16xi32>,
      %get3A_384 = vector.shape_cast %get3A_383 : vector<16xi32> to vector<16xi32>
      %swap3A_385 = arith.constant 24 : index
      %swap3A_386 = tpu.vector_load %arg12[%swap3A_385] {strides = array<i32>} : memref<40xi32, #tpu.memory_space<vmem>>, vector<16xi32>,
      %swap3A_387 = vector.shape_cast %swap3A_386 : vector<16xi32> to vector<16xi32>
      %swap3A_388 = vector.shape_cast %get3A_384 : vector<16xi32> to vector<16xi32>
      tpu.vector_store %arg12[%swap3A_385], %swap3A_388 {strides = array<i32>} : memref<40xi32, #tpu.memory_space<vmem>>, vector<16xi32>,
      %add3A_389 = arith.constant 3 : i32
      %add3A_390 = arith.addi %add3A_341, %add3A_389 : i32
      %mul3A_391 = arith.constant 40 : i32
      %mul3A_392 = arith.muli %add3A_390, %mul3A_391 : i32
      %dma_start3A_393 = tpu.memref_slice %arg8[%mul3A_392] : memref<10000xi32, #tpu.memory_space<vmem>> -> memref<40xi32, #tpu.memory_space<vmem>>
      %dma_start3A_394 = arith.constant 0 : i32
      %dma_start3A_395 = arith.constant 0 : i32
      %dma_start3A_396 = tpu.memref_slice %arg2[%dma_start3A_394, %dma_start3A_395] : memref<10000x128xf32, #tpu.memory_space<hbm>> -> memref<10000x128xf32, #tpu.memory_space<hbm>>
      tpu.enqueue_indirect_dma source(%dma_start3A_396 : memref<10000x128xf32, #tpu.memory_space<hbm>>) target(%arg17 : memref<40x128xf32, #tpu.memory_space<vmem>>) offsets(%dma_start3A_393 : memref<40xi32, #tpu.memory_space<vmem>>) semaphore(%arg22 : memref<!tpu.dma_semaphore, #tpu.memory_space<semaphore_mem>>)
      %add3A_397 = arith.constant 3 : i32
      %add3A_398 = arith.addi %add3A_225, %add3A_397 : i32
      %mul3A_399 = arith.constant 40 : i32
      %mul3A_400 = arith.muli %add3A_398, %mul3A_399 : i32
      %dma_wait3A_401 = tpu.memref_slice %arg8[%mul3A_400] : memref<10000xi32, #tpu.memory_space<vmem>> -> memref<40xi32, #tpu.memory_space<vmem>>
      %dma_wait3A_402 = arith.constant 0 : i32
      %dma_wait3A_403 = arith.constant 0 : i32
      %dma_wait3A_404 = tpu.memref_slice %arg2[%dma_wait3A_402, %dma_wait3A_403] : memref<10000x128xf32, #tpu.memory_space<hbm>> -> memref<10000x128xf32, #tpu.memory_space<hbm>>
      tpu.wait_indirect_dma semaphore(%arg20 : memref<!tpu.dma_semaphore, #tpu.memory_space<semaphore_mem>>) src(%dma_wait3A_404 : memref<10000x128xf32, #tpu.memory_space<hbm>>) dst(%arg15 : memref<40x128xf32, #tpu.memory_space<vmem>>)
      %dma_start3A_405 = arith.constant 0 : i32
      %dma_start3A_406 = arith.constant 0 : i32
      %dma_start3A_407 = tpu.memref_slice %arg7[%dma_start3A_405, %dma_start3A_406] : memref<10240x128xf32, #tpu.memory_space<vmem_shared>> -> memref<10240x128xf32, #tpu.memory_space<vmem_shared>>
      tpu.enqueue_indirect_dma source(%arg15 : memref<40x128xf32, #tpu.memory_space<vmem>>) target(%dma_start3A_407 : memref<10240x128xf32, #tpu.memory_space<vmem_shared>>) offsets(%arg10 : memref<40xi32, #tpu.memory_space<vmem>>) semaphore(%arg25 : memref<!tpu.dma_semaphore, #tpu.memory_space<semaphore_mem>>) {add = true}
      %dma_wait3A_408 = arith.constant 0 : i32
      %dma_wait3A_409 = arith.constant 0 : i32
      %dma_wait3A_410 = tpu.memref_slice %arg7[%dma_wait3A_408, %dma_wait3A_409] : memref<10240x128xf32, #tpu.memory_space<vmem_shared>> -> memref<10240x128xf32, #tpu.memory_space<vmem_shared>>
      tpu.wait_indirect_dma semaphore(%arg28 : memref<!tpu.dma_semaphore, #tpu.memory_space<semaphore_mem>>) src(%arg18 : memref<40x128xf32, #tpu.memory_space<vmem>>) dst(%dma_wait3A_410 : memref<10240x128xf32, #tpu.memory_space<vmem_shared>>)
      %add3A_411 = arith.constant 3 : i32
      %add3A_412 = arith.addi %add3A_398, %add3A_411 : i32
      %mul3A_413 = arith.constant 40 : i32
      %mul3A_414 = arith.muli %add3A_412, %mul3A_413 : i32
      %add3A_415 = arith.constant 0 : i32
      %add3A_416 = arith.addi %mul3A_414, %add3A_415 : i32
      %get3A_417 = arith.index_cast %add3A_416 : i32 to index
      %get3A_418 = tpu.vector_load %arg9[%get3A_417] {strides = array<i32>} : memref<10000xi32, #tpu.memory_space<vmem>>, vector<16xi32>,
      %get3A_419 = vector.shape_cast %get3A_418 : vector<16xi32> to vector<16xi32>
      %swap3A_420 = arith.constant 0 : index
      %swap3A_421 = tpu.vector_load %arg13[%swap3A_420] {strides = array<i32>} : memref<40xi32, #tpu.memory_space<vmem>>, vector<16xi32>,
      %swap3A_422 = vector.shape_cast %swap3A_421 : vector<16xi32> to vector<16xi32>
      %swap3A_423 = vector.shape_cast %get3A_419 : vector<16xi32> to vector<16xi32>
      tpu.vector_store %arg13[%swap3A_420], %swap3A_423 {strides = array<i32>} : memref<40xi32, #tpu.memory_space<vmem>>, vector<16xi32>,
      %mul3A_424 = arith.constant 40 : i32
      %mul3A_425 = arith.muli %add3A_412, %mul3A_424 : i32
      %add3A_426 = arith.constant 16 : i32
      %add3A_427 = arith.addi %mul3A_425, %add3A_426 : i32
      %get3A_428 = arith.index_cast %add3A_427 : i32 to index
      %get3A_429 = tpu.vector_load %arg9[%get3A_428] {strides = array<i32>} : memref<10000xi32, #tpu.memory_space<vmem>>, vector<16xi32>,
      %get3A_430 = vector.shape_cast %get3A_429 : vector<16xi32> to vector<16xi32>
      %swap3A_431 = arith.constant 16 : index
      %swap3A_432 = tpu.vector_load %arg13[%swap3A_431] {strides = array<i32>} : memref<40xi32, #tpu.memory_space<vmem>>, vector<16xi32>,
      %swap3A_433 = vector.shape_cast %swap3A_432 : vector<16xi32> to vector<16xi32>
      %swap3A_434 = vector.shape_cast %get3A_430 : vector<16xi32> to vector<16xi32>
      tpu.vector_store %arg13[%swap3A_431], %swap3A_434 {strides = array<i32>} : memref<40xi32, #tpu.memory_space<vmem>>, vector<16xi32>,
      %mul3A_435 = arith.constant 40 : i32
      %mul3A_436 = arith.muli %add3A_412, %mul3A_435 : i32
      %add3A_437 = arith.constant 24 : i32
      %add3A_438 = arith.addi %mul3A_436, %add3A_437 : i32
      %get3A_439 = arith.index_cast %add3A_438 : i32 to index
      %get3A_440 = tpu.vector_load %arg9[%get3A_439] {strides = array<i32>} : memref<10000xi32, #tpu.memory_space<vmem>>, vector<16xi32>,
      %get3A_441 = vector.shape_cast %get3A_440 : vector<16xi32> to vector<16xi32>
      %swap3A_442 = arith.constant 24 : index
      %swap3A_443 = tpu.vector_load %arg13[%swap3A_442] {strides = array<i32>} : memref<40xi32, #tpu.memory_space<vmem>>, vector<16xi32>,
      %swap3A_444 = vector.shape_cast %swap3A_443 : vector<16xi32> to vector<16xi32>
      %swap3A_445 = vector.shape_cast %get3A_441 : vector<16xi32> to vector<16xi32>
      tpu.vector_store %arg13[%swap3A_442], %swap3A_445 {strides = array<i32>} : memref<40xi32, #tpu.memory_space<vmem>>, vector<16xi32>,
      %add3A_446 = arith.constant 3 : i32
      %add3A_447 = arith.addi %add3A_398, %add3A_446 : i32
      %mul3A_448 = arith.constant 40 : i32
      %mul3A_449 = arith.muli %add3A_447, %mul3A_448 : i32
      %dma_start3A_450 = tpu.memref_slice %arg8[%mul3A_449] : memref<10000xi32, #tpu.memory_space<vmem>> -> memref<40xi32, #tpu.memory_space<vmem>>
      %dma_start3A_451 = arith.constant 0 : i32
      %dma_start3A_452 = arith.constant 0 : i32
      %dma_start3A_453 = tpu.memref_slice %arg2[%dma_start3A_451, %dma_start3A_452] : memref<10000x128xf32, #tpu.memory_space<hbm>> -> memref<10000x128xf32, #tpu.memory_space<hbm>>
      tpu.enqueue_indirect_dma source(%dma_start3A_453 : memref<10000x128xf32, #tpu.memory_space<hbm>>) target(%arg18 : memref<40x128xf32, #tpu.memory_space<vmem>>) offsets(%dma_start3A_450 : memref<40xi32, #tpu.memory_space<vmem>>) semaphore(%arg23 : memref<!tpu.dma_semaphore, #tpu.memory_space<semaphore_mem>>)
      %add3A_454 = arith.constant 4 : i32
      %add3A_455 = arith.addi %add3A_225, %add3A_454 : i32
      %mul3A_456 = arith.constant 40 : i32
      %mul3A_457 = arith.muli %add3A_455, %mul3A_456 : i32
      %dma_wait3A_458 = tpu.memref_slice %arg8[%mul3A_457] : memref<10000xi32, #tpu.memory_space<vmem>> -> memref<40xi32, #tpu.memory_space<vmem>>
      %dma_wait3A_459 = arith.constant 0 : i32
      %dma_wait3A_460 = arith.constant 0 : i32
      %dma_wait3A_461 = tpu.memref_slice %arg2[%dma_wait3A_459, %dma_wait3A_460] : memref<10000x128xf32, #tpu.memory_space<hbm>> -> memref<10000x128xf32, #tpu.memory_space<hbm>>
      tpu.wait_indirect_dma semaphore(%arg21 : memref<!tpu.dma_semaphore, #tpu.memory_space<semaphore_mem>>) src(%dma_wait3A_461 : memref<10000x128xf32, #tpu.memory_space<hbm>>) dst(%arg16 : memref<40x128xf32, #tpu.memory_space<vmem>>)
      %dma_start3A_462 = arith.constant 0 : i32
      %dma_start3A_463 = arith.constant 0 : i32
      %dma_start3A_464 = tpu.memref_slice %arg7[%dma_start3A_462, %dma_start3A_463] : memref<10240x128xf32, #tpu.memory_space<vmem_shared>> -> memref<10240x128xf32, #tpu.memory_space<vmem_shared>>
      tpu.enqueue_indirect_dma source(%arg16 : memref<40x128xf32, #tpu.memory_space<vmem>>) target(%dma_start3A_464 : memref<10240x128xf32, #tpu.memory_space<vmem_shared>>) offsets(%arg11 : memref<40xi32, #tpu.memory_space<vmem>>) semaphore(%arg26 : memref<!tpu.dma_semaphore, #tpu.memory_space<semaphore_mem>>) {add = true}
      %dma_wait3A_465 = arith.constant 0 : i32
      %dma_wait3A_466 = arith.constant 0 : i32
      %dma_wait3A_467 = tpu.memref_slice %arg7[%dma_wait3A_465, %dma_wait3A_466] : memref<10240x128xf32, #tpu.memory_space<vmem_shared>> -> memref<10240x128xf32, #tpu.memory_space<vmem_shared>>
      tpu.wait_indirect_dma semaphore(%arg29 : memref<!tpu.dma_semaphore, #tpu.memory_space<semaphore_mem>>) src(%arg19 : memref<40x128xf32, #tpu.memory_space<vmem>>) dst(%dma_wait3A_467 : memref<10240x128xf32, #tpu.memory_space<vmem_shared>>)
      %add3A_468 = arith.constant 3 : i32
      %add3A_469 = arith.addi %add3A_455, %add3A_468 : i32
      %mul3A_470 = arith.constant 40 : i32
      %mul3A_471 = arith.muli %add3A_469, %mul3A_470 : i32
      %add3A_472 = arith.constant 0 : i32
      %add3A_473 = arith.addi %mul3A_471, %add3A_472 : i32
      %get3A_474 = arith.index_cast %add3A_473 : i32 to index
      %get3A_475 = tpu.vector_load %arg9[%get3A_474] {strides = array<i32>} : memref<10000xi32, #tpu.memory_space<vmem>>, vector<16xi32>,
      %get3A_476 = vector.shape_cast %get3A_475 : vector<16xi32> to vector<16xi32>
      %swap3A_477 = arith.constant 0 : index
      %swap3A_478 = tpu.vector_load %arg14[%swap3A_477] {strides = array<i32>} : memref<40xi32, #tpu.memory_space<vmem>>, vector<16xi32>,
      %swap3A_479 = vector.shape_cast %swap3A_478 : vector<16xi32> to vector<16xi32>
      %swap3A_480 = vector.shape_cast %get3A_476 : vector<16xi32> to vector<16xi32>
      tpu.vector_store %arg14[%swap3A_477], %swap3A_480 {strides = array<i32>} : memref<40xi32, #tpu.memory_space<vmem>>, vector<16xi32>,
      %mul3A_481 = arith.constant 40 : i32
      %mul3A_482 = arith.muli %add3A_469, %mul3A_481 : i32
      %add3A_483 = arith.constant 16 : i32
      %add3A_484 = arith.addi %mul3A_482, %add3A_483 : i32
      %get3A_485 = arith.index_cast %add3A_484 : i32 to index
      %get3A_486 = tpu.vector_load %arg9[%get3A_485] {strides = array<i32>} : memref<10000xi32, #tpu.memory_space<vmem>>, vector<16xi32>,
      %get3A_487 = vector.shape_cast %get3A_486 : vector<16xi32> to vector<16xi32>
      %swap3A_488 = arith.constant 16 : index
      %swap3A_489 = tpu.vector_load %arg14[%swap3A_488] {strides = array<i32>} : memref<40xi32, #tpu.memory_space<vmem>>, vector<16xi32>,
      %swap3A_490 = vector.shape_cast %swap3A_489 : vector<16xi32> to vector<16xi32>
      %swap3A_491 = vector.shape_cast %get3A_487 : vector<16xi32> to vector<16xi32>
      tpu.vector_store %arg14[%swap3A_488], %swap3A_491 {strides = array<i32>} : memref<40xi32, #tpu.memory_space<vmem>>, vector<16xi32>,
      %mul3A_492 = arith.constant 40 : i32
      %mul3A_493 = arith.muli %add3A_469, %mul3A_492 : i32
      %add3A_494 = arith.constant 24 : i32
      %add3A_495 = arith.addi %mul3A_493, %add3A_494 : i32
      %get3A_496 = arith.index_cast %add3A_495 : i32 to index
      %get3A_497 = tpu.vector_load %arg9[%get3A_496] {strides = array<i32>} : memref<10000xi32, #tpu.memory_space<vmem>>, vector<16xi32>,
      %get3A_498 = vector.shape_cast %get3A_497 : vector<16xi32> to vector<16xi32>
      %swap3A_499 = arith.constant 24 : index
      %swap3A_500 = tpu.vector_load %arg14[%swap3A_499] {strides = array<i32>} : memref<40xi32, #tpu.memory_space<vmem>>, vector<16xi32>,
      %swap3A_501 = vector.shape_cast %swap3A_500 : vector<16xi32> to vector<16xi32>
      %swap3A_502 = vector.shape_cast %get3A_498 : vector<16xi32> to vector<16xi32>
      tpu.vector_store %arg14[%swap3A_499], %swap3A_502 {strides = array<i32>} : memref<40xi32, #tpu.memory_space<vmem>>, vector<16xi32>,
      %add3A_503 = arith.constant 3 : i32
      %add3A_504 = arith.addi %add3A_455, %add3A_503 : i32
      %mul3A_505 = arith.constant 40 : i32
      %mul3A_506 = arith.muli %add3A_504, %mul3A_505 : i32
      %dma_start3A_507 = tpu.memref_slice %arg8[%mul3A_506] : memref<10000xi32, #tpu.memory_space<vmem>> -> memref<40xi32, #tpu.memory_space<vmem>>
      %dma_start3A_508 = arith.constant 0 : i32
      %dma_start3A_509 = arith.constant 0 : i32
      %dma_start3A_510 = tpu.memref_slice %arg2[%dma_start3A_508, %dma_start3A_509] : memref<10000x128xf32, #tpu.memory_space<hbm>> -> memref<10000x128xf32, #tpu.memory_space<hbm>>
      tpu.enqueue_indirect_dma source(%dma_start3A_510 : memref<10000x128xf32, #tpu.memory_space<hbm>>) target(%arg19 : memref<40x128xf32, #tpu.memory_space<vmem>>) offsets(%dma_start3A_507 : memref<40xi32, #tpu.memory_space<vmem>>) semaphore(%arg24 : memref<!tpu.dma_semaphore, #tpu.memory_space<semaphore_mem>>)
    }
    %scan3A_166 = arith.constant 49 : i32
    %dma_wait3A_167 = arith.constant 9880 : i32
    %dma_wait3A_168 = tpu.memref_slice %arg8[%dma_wait3A_167] : memref<10000xi32, #tpu.memory_space<vmem>> -> memref<40xi32, #tpu.memory_space<vmem>>
    %dma_wait3A_169 = arith.constant 0 : i32
    %dma_wait3A_170 = arith.constant 0 : i32
    %dma_wait3A_171 = tpu.memref_slice %arg2[%dma_wait3A_169, %dma_wait3A_170] : memref<10000x128xf32, #tpu.memory_space<hbm>> -> memref<10000x128xf32, #tpu.memory_space<hbm>>
    tpu.wait_indirect_dma semaphore(%arg22 : memref<!tpu.dma_semaphore, #tpu.memory_space<semaphore_mem>>) src(%dma_wait3A_171 : memref<10000x128xf32, #tpu.memory_space<hbm>>) dst(%arg17 : memref<40x128xf32, #tpu.memory_space<vmem>>)
    %dma_start3A_172 = arith.constant 0 : i32
    %dma_start3A_173 = arith.constant 0 : i32
    %dma_start3A_174 = tpu.memref_slice %arg7[%dma_start3A_172, %dma_start3A_173] : memref<10240x128xf32, #tpu.memory_space<vmem_shared>> -> memref<10240x128xf32, #tpu.memory_space<vmem_shared>>
    tpu.enqueue_indirect_dma source(%arg17 : memref<40x128xf32, #tpu.memory_space<vmem>>) target(%dma_start3A_174 : memref<10240x128xf32, #tpu.memory_space<vmem_shared>>) offsets(%arg12 : memref<40xi32, #tpu.memory_space<vmem>>) semaphore(%arg27 : memref<!tpu.dma_semaphore, #tpu.memory_space<semaphore_mem>>) {add = true}
    %dma_wait3A_175 = arith.constant 0 : i32
    %dma_wait3A_176 = arith.constant 0 : i32
    %dma_wait3A_177 = tpu.memref_slice %arg7[%dma_wait3A_175, %dma_wait3A_176] : memref<10240x128xf32, #tpu.memory_space<vmem_shared>> -> memref<10240x128xf32, #tpu.memory_space<vmem_shared>>
    tpu.wait_indirect_dma semaphore(%arg25 : memref<!tpu.dma_semaphore, #tpu.memory_space<semaphore_mem>>) src(%arg15 : memref<40x128xf32, #tpu.memory_space<vmem>>) dst(%dma_wait3A_177 : memref<10240x128xf32, #tpu.memory_space<vmem_shared>>)
    %dma_wait3A_178 = arith.constant 9920 : i32
    %dma_wait3A_179 = tpu.memref_slice %arg8[%dma_wait3A_178] : memref<10000xi32, #tpu.memory_space<vmem>> -> memref<40xi32, #tpu.memory_space<vmem>>
    %dma_wait3A_180 = arith.constant 0 : i32
    %dma_wait3A_181 = arith.constant 0 : i32
    %dma_wait3A_182 = tpu.memref_slice %arg2[%dma_wait3A_180, %dma_wait3A_181] : memref<10000x128xf32, #tpu.memory_space<hbm>> -> memref<10000x128xf32, #tpu.memory_space<hbm>>
    tpu.wait_indirect_dma semaphore(%arg23 : memref<!tpu.dma_semaphore, #tpu.memory_space<semaphore_mem>>) src(%dma_wait3A_182 : memref<10000x128xf32, #tpu.memory_space<hbm>>) dst(%arg18 : memref<40x128xf32, #tpu.memory_space<vmem>>)
    %dma_start3A_183 = arith.constant 0 : i32
    %dma_start3A_184 = arith.constant 0 : i32
    %dma_start3A_185 = tpu.memref_slice %arg7[%dma_start3A_183, %dma_start3A_184] : memref<10240x128xf32, #tpu.memory_space<vmem_shared>> -> memref<10240x128xf32, #tpu.memory_space<vmem_shared>>
    tpu.enqueue_indirect_dma source(%arg18 : memref<40x128xf32, #tpu.memory_space<vmem>>) target(%dma_start3A_185 : memref<10240x128xf32, #tpu.memory_space<vmem_shared>>) offsets(%arg13 : memref<40xi32, #tpu.memory_space<vmem>>) semaphore(%arg28 : memref<!tpu.dma_semaphore, #tpu.memory_space<semaphore_mem>>) {add = true}
    %dma_wait3A_186 = arith.constant 0 : i32
    %dma_wait3A_187 = arith.constant 0 : i32
    %dma_wait3A_188 = tpu.memref_slice %arg7[%dma_wait3A_186, %dma_wait3A_187] : memref<10240x128xf32, #tpu.memory_space<vmem_shared>> -> memref<10240x128xf32, #tpu.memory_space<vmem_shared>>
    tpu.wait_indirect_dma semaphore(%arg26 : memref<!tpu.dma_semaphore, #tpu.memory_space<semaphore_mem>>) src(%arg16 : memref<40x128xf32, #tpu.memory_space<vmem>>) dst(%dma_wait3A_188 : memref<10240x128xf32, #tpu.memory_space<vmem_shared>>)
    %dma_wait3A_189 = arith.constant 9960 : i32
    %dma_wait3A_190 = tpu.memref_slice %arg8[%dma_wait3A_189] : memref<10000xi32, #tpu.memory_space<vmem>> -> memref<40xi32, #tpu.memory_space<vmem>>
    %dma_wait3A_191 = arith.constant 0 : i32
    %dma_wait3A_192 = arith.constant 0 : i32
    %dma_wait3A_193 = tpu.memref_slice %arg2[%dma_wait3A_191, %dma_wait3A_192] : memref<10000x128xf32, #tpu.memory_space<hbm>> -> memref<10000x128xf32, #tpu.memory_space<hbm>>
    tpu.wait_indirect_dma semaphore(%arg24 : memref<!tpu.dma_semaphore, #tpu.memory_space<semaphore_mem>>) src(%dma_wait3A_193 : memref<10000x128xf32, #tpu.memory_space<hbm>>) dst(%arg19 : memref<40x128xf32, #tpu.memory_space<vmem>>)
    %dma_start3A_194 = arith.constant 0 : i32
    %dma_start3A_195 = arith.constant 0 : i32
    %dma_start3A_196 = tpu.memref_slice %arg7[%dma_start3A_194, %dma_start3A_195] : memref<10240x128xf32, #tpu.memory_space<vmem_shared>> -> memref<10240x128xf32, #tpu.memory_space<vmem_shared>>
    tpu.enqueue_indirect_dma source(%arg19 : memref<40x128xf32, #tpu.memory_space<vmem>>) target(%dma_start3A_196 : memref<10240x128xf32, #tpu.memory_space<vmem_shared>>) offsets(%arg14 : memref<40xi32, #tpu.memory_space<vmem>>) semaphore(%arg29 : memref<!tpu.dma_semaphore, #tpu.memory_space<semaphore_mem>>) {add = true}
    %dma_wait3A_197 = arith.constant 0 : i32
    %dma_wait3A_198 = arith.constant 0 : i32
    %dma_wait3A_199 = tpu.memref_slice %arg7[%dma_wait3A_197, %dma_wait3A_198] : memref<10240x128xf32, #tpu.memory_space<vmem_shared>> -> memref<10240x128xf32, #tpu.memory_space<vmem_shared>>
    tpu.wait_indirect_dma semaphore(%arg27 : memref<!tpu.dma_semaphore, #tpu.memory_space<semaphore_mem>>) src(%arg17 : memref<40x128xf32, #tpu.memory_space<vmem>>) dst(%dma_wait3A_199 : memref<10240x128xf32, #tpu.memory_space<vmem_shared>>)
    %dma_wait3A_200 = arith.constant 0 : i32
    %dma_wait3A_201 = arith.constant 0 : i32
    %dma_wait3A_202 = tpu.memref_slice %arg7[%dma_wait3A_200, %dma_wait3A_201] : memref<10240x128xf32, #tpu.memory_space<vmem_shared>> -> memref<10240x128xf32, #tpu.memory_space<vmem_shared>>
    tpu.wait_indirect_dma semaphore(%arg28 : memref<!tpu.dma_semaphore, #tpu.memory_space<semaphore_mem>>) src(%arg18 : memref<40x128xf32, #tpu.memory_space<vmem>>) dst(%dma_wait3A_202 : memref<10240x128xf32, #tpu.memory_space<vmem_shared>>)
    %dma_wait3A_203 = arith.constant 0 : i32
    %dma_wait3A_204 = arith.constant 0 : i32
    %dma_wait3A_205 = tpu.memref_slice %arg7[%dma_wait3A_203, %dma_wait3A_204] : memref<10240x128xf32, #tpu.memory_space<vmem_shared>> -> memref<10240x128xf32, #tpu.memory_space<vmem_shared>>
    tpu.wait_indirect_dma semaphore(%arg29 : memref<!tpu.dma_semaphore, #tpu.memory_space<semaphore_mem>>) src(%arg19 : memref<40x128xf32, #tpu.memory_space<vmem>>) dst(%dma_wait3A_205 : memref<10240x128xf32, #tpu.memory_space<vmem_shared>>)
    %barrier3A_206 = arith.constant 0 : index
    tpu.barrier barrier_id(%barrier3A_206)
    %dma_start3A_207 = arith.constant 0 : i32
    %dma_start3A_208 = tpu.memref_slice %arg6[%arg0, %mul3A_0, %dma_start3A_207] : memref<2x10240x128xf32, #tpu.memory_space<hbm>> -> memref<1x640x128xf32, #tpu.memory_space<hbm>>
    %dma_start3A_209 = tpu.memref_squeeze %dma_start3A_208 : memref<1x640x128xf32, #tpu.memory_space<hbm>> -> memref<640x128xf32, #tpu.memory_space<hbm>>
    %dma_start3A_210 = arith.constant 0 : i32
    %dma_start3A_211 = tpu.memref_slice %arg7[%mul3A_0, %dma_start3A_210] : memref<10240x128xf32, #tpu.memory_space<vmem_shared>> -> memref<640x128xf32, #tpu.memory_space<vmem_shared>>
    tpu.enqueue_dma source(%dma_start3A_211 : memref<640x128xf32, #tpu.memory_space<vmem_shared>>) target(%dma_start3A_209 : memref<640x128xf32, #tpu.memory_space<hbm>>) target_semaphore(%arg20 : memref<!tpu.dma_semaphore, #tpu.memory_space<semaphore_mem>>)
    %dma_wait3A_212 = arith.constant 0 : i32
    %dma_wait3A_213 = tpu.memref_slice %arg6[%arg0, %mul3A_0, %dma_wait3A_212] : memref<2x10240x128xf32, #tpu.memory_space<hbm>> -> memref<1x640x128xf32, #tpu.memory_space<hbm>>
    %dma_wait3A_214 = tpu.memref_squeeze %dma_wait3A_213 : memref<1x640x128xf32, #tpu.memory_space<hbm>> -> memref<640x128xf32, #tpu.memory_space<hbm>>
    %dma_wait3A_215 = arith.constant 0 : i32
    %dma_wait3A_216 = tpu.memref_slice %arg7[%mul3A_0, %dma_wait3A_215] : memref<10240x128xf32, #tpu.memory_space<vmem_shared>> -> memref<640x128xf32, #tpu.memory_space<vmem_shared>>
    tpu.wait_dma2 semaphore(%arg20 : memref<!tpu.dma_semaphore, #tpu.memory_space<semaphore_mem>>) src(%dma_wait3A_216 : memref<640x128xf32, #tpu.memory_space<vmem_shared>>) dst(%dma_wait3A_214 : memref<640x128xf32, #tpu.memory_space<hbm>>)
    return
  }
}

module attributes {stable_mosaic.version = 14 : i64} {
  func.func @_tc1_body(%arg0: i32, %arg1: memref<2048x128xf32, #tpu.memory_space<vmem>>, %arg2: memref<128x128xf32, #tpu.memory_space<vmem>>, %arg3: memref<1x128xf32, #tpu.memory_space<vmem>>, %arg4: memref<1x128xf32, #tpu.memory_space<vmem>>, %arg5: memref<1x128xf32, #tpu.memory_space<vmem>>, %arg6: memref<128x128xf32, #tpu.memory_space<vmem>>, %arg7: memref<1x128xf32, #tpu.memory_space<vmem>>, %arg8: memref<2048x128xf32, #tpu.memory_space<vmem>>, %arg9: memref<2048x128xf32, #tpu.memory_space<vmem>>) attributes {dimension_semantics = [#tpu.dimension_semantics<arbitrary>], iteration_bounds = array<i64: 5>, scalar_prefetch = 0 : i64, scratch_operands = 0 : i64, tpu.core_type = #tpu.core_type<tc>, window_params = [{transform_indices = @transform_0, window_bounds = array<i64: 2048, 128>}, {pipeline_mode = #tpu.pipeline_mode<synchronous>, transform_indices = @transform_1, window_bounds = array<i64: 128, 128>}, {pipeline_mode = #tpu.pipeline_mode<synchronous>, transform_indices = @transform_2, window_bounds = array<i64: 1, 128>}, {pipeline_mode = #tpu.pipeline_mode<synchronous>, transform_indices = @transform_3, window_bounds = array<i64: 1, 128>}, {pipeline_mode = #tpu.pipeline_mode<synchronous>, transform_indices = @transform_4, window_bounds = array<i64: 1, 128>}, {pipeline_mode = #tpu.pipeline_mode<synchronous>, transform_indices = @transform_5, window_bounds = array<i64: 128, 128>}, {pipeline_mode = #tpu.pipeline_mode<synchronous>, transform_indices = @transform_6, window_bounds = array<i64: 1, 128>}, {transform_indices = @transform_7, window_bounds = array<i64: 2048, 128>}, {transform_indices = @transform_8, window_bounds = array<i64: 2048, 128>}]} {
    %get3A = arith.constant 0 : index
    %get3A_0 = arith.constant 0 : index
    %get3A_1 = vector.load %arg1[%get3A, %get3A_0] : memref<2048x128xf32, #tpu.memory_space<vmem>>, vector<2048x128xf32>
    %get3A_2 = arith.constant 0 : index
    %get3A_3 = arith.constant 0 : index
    %get3A_4 = vector.load %arg2[%get3A_2, %get3A_3] : memref<128x128xf32, #tpu.memory_space<vmem>>, vector<128x128xf32>
    %dot_general3A = arith.constant dense<0.000000e+00> : vector<2048x128xf32>
    %dot_general3A_5 = tpu.matmul %get3A_1, %get3A_4, %dot_general3A {dimension_numbers = #tpu.dot_dimension_numbers<[1], [0], [0], [1], [0, 0, 1, 1], [], []>, transpose_lhs_hint = false} : vector<2048x128xf32>, vector<128x128xf32>, vector<2048x128xf32> -> vector<2048x128xf32>
    %get3A_6 = arith.constant 0 : index
    %get3A_7 = arith.constant 0 : index
    %get3A_8 = vector.load %arg3[%get3A_6, %get3A_7] : memref<1x128xf32, #tpu.memory_space<vmem>>, vector<1x128xf32>
    %add3A = vector.broadcast %get3A_8 : vector<1x128xf32> to vector<2048x128xf32>
    %add3A_9 = arith.addf %dot_general3A_5, %add3A : vector<2048x128xf32>
    %get3A_10 = arith.constant 0 : index
    %get3A_11 = arith.constant 0 : index
    %get3A_12 = vector.load %arg4[%get3A_10, %get3A_11] : memref<1x128xf32, #tpu.memory_space<vmem>>, vector<1x128xf32>
    %sqrt3A = arith.constant 1.000010e+00 : f32
    %sqrt3A_13 = math.sqrt %sqrt3A : f32
    %div3A = arith.constant 1.000000e+00 : f32
    %div3A_14 = arith.divf %div3A, %sqrt3A_13 : f32
    %mul3A = vector.broadcast %div3A_14 : f32 to vector<1x128xf32>
    %mul3A_15 = arith.mulf %get3A_12, %mul3A : vector<1x128xf32>
    %mul3A_16 = vector.broadcast %mul3A_15 : vector<1x128xf32> to vector<2048x128xf32>
    %mul3A_17 = arith.mulf %add3A_9, %mul3A_16 : vector<2048x128xf32>
    %get3A_18 = arith.constant 0 : index
    %get3A_19 = arith.constant 0 : index
    %get3A_20 = vector.load %arg5[%get3A_18, %get3A_19] : memref<1x128xf32, #tpu.memory_space<vmem>>, vector<1x128xf32>
    %add3A_21 = vector.broadcast %get3A_20 : vector<1x128xf32> to vector<2048x128xf32>
    %add3A_22 = arith.addf %mul3A_17, %add3A_21 : vector<2048x128xf32>
    %swap3A = arith.constant 0 : index
    %swap3A_23 = arith.constant 0 : index
    %swap3A_24 = vector.load %arg8[%swap3A, %swap3A_23] : memref<2048x128xf32, #tpu.memory_space<vmem>>, vector<2048x128xf32>
    tpu.vector_store %arg8[%swap3A, %swap3A_23], %add3A_22 {strides = array<i32>} : memref<2048x128xf32, #tpu.memory_space<vmem>>, vector<2048x128xf32>,
    %get3A_25 = arith.constant 0 : index
    %get3A_26 = arith.constant 0 : index
    %get3A_27 = vector.load %arg6[%get3A_25, %get3A_26] : memref<128x128xf32, #tpu.memory_space<vmem>>, vector<128x128xf32>
    %dot_general3A_28 = arith.constant dense<0.000000e+00> : vector<2048x128xf32>
    %dot_general3A_29 = tpu.matmul %add3A_22, %get3A_27, %dot_general3A_28 {dimension_numbers = #tpu.dot_dimension_numbers<[1], [0], [0], [1], [0, 0, 1, 1], [], []>, transpose_lhs_hint = false} : vector<2048x128xf32>, vector<128x128xf32>, vector<2048x128xf32> -> vector<2048x128xf32>
    %get3A_30 = arith.constant 0 : index
    %get3A_31 = arith.constant 0 : index
    %get3A_32 = vector.load %arg7[%get3A_30, %get3A_31] : memref<1x128xf32, #tpu.memory_space<vmem>>, vector<1x128xf32>
    %add3A_33 = vector.broadcast %get3A_32 : vector<1x128xf32> to vector<2048x128xf32>
    %add3A_34 = arith.addf %dot_general3A_29, %add3A_33 : vector<2048x128xf32>
    %swap3A_35 = arith.constant 0 : index
    %swap3A_36 = arith.constant 0 : index
    %swap3A_37 = vector.load %arg9[%swap3A_35, %swap3A_36] : memref<2048x128xf32, #tpu.memory_space<vmem>>, vector<2048x128xf32>
    tpu.vector_store %arg9[%swap3A_35, %swap3A_36], %add3A_34 {strides = array<i32>} : memref<2048x128xf32, #tpu.memory_space<vmem>>, vector<2048x128xf32>,
    return
  }
  func.func @transform_0(%arg0: i32) -> (i32, i32) {
    %c0_i32 = arith.constant 0 : i32
    %c0_i32_0 = arith.constant 0 : i32
    return %arg0, %c0_i32 : i32, i32
  }
  func.func @transform_1(%arg0: i32) -> (i32, i32) {
    %c0_i32 = arith.constant 0 : i32
    %c0_i32_0 = arith.constant 0 : i32
    %c0_i32_1 = arith.constant 0 : i32
    return %c0_i32, %c0_i32_0 : i32, i32
  }
  func.func @transform_2(%arg0: i32) -> (i32, i32) {
    %c0_i32 = arith.constant 0 : i32
    %c0_i32_0 = arith.constant 0 : i32
    %c0_i32_1 = arith.constant 0 : i32
    return %c0_i32, %c0_i32_0 : i32, i32
  }
  func.func @transform_3(%arg0: i32) -> (i32, i32) {
    %c0_i32 = arith.constant 0 : i32
    %c0_i32_0 = arith.constant 0 : i32
    %c0_i32_1 = arith.constant 0 : i32
    return %c0_i32, %c0_i32_0 : i32, i32
  }
  func.func @transform_4(%arg0: i32) -> (i32, i32) {
    %c0_i32 = arith.constant 0 : i32
    %c0_i32_0 = arith.constant 0 : i32
    %c0_i32_1 = arith.constant 0 : i32
    return %c0_i32, %c0_i32_0 : i32, i32
  }
  func.func @transform_5(%arg0: i32) -> (i32, i32) {
    %c0_i32 = arith.constant 0 : i32
    %c0_i32_0 = arith.constant 0 : i32
    %c0_i32_1 = arith.constant 0 : i32
    return %c0_i32, %c0_i32_0 : i32, i32
  }
  func.func @transform_6(%arg0: i32) -> (i32, i32) {
    %c0_i32 = arith.constant 0 : i32
    %c0_i32_0 = arith.constant 0 : i32
    %c0_i32_1 = arith.constant 0 : i32
    return %c0_i32, %c0_i32_0 : i32, i32
  }
  func.func @transform_7(%arg0: i32) -> (i32, i32) {
    %c0_i32 = arith.constant 0 : i32
    %c0_i32_0 = arith.constant 0 : i32
    return %arg0, %c0_i32 : i32, i32
  }
  func.func @transform_8(%arg0: i32) -> (i32, i32) {
    %c0_i32 = arith.constant 0 : i32
    %c0_i32_0 = arith.constant 0 : i32
    return %arg0, %c0_i32 : i32, i32
  }
}

module attributes {stable_mosaic.version = 14 : i64} {
  func.func @_tc_mid_body(%arg0: i32, %arg1: memref<2x2048x128xf32, #tpu.memory_space<vmem>>, %arg2: memref<2x2048xf32, #tpu.memory_space<vmem>>, %arg3: memref<2048x128xf32, #tpu.memory_space<vmem>>, %arg4: memref<128x128xf32, #tpu.memory_space<vmem>>, %arg5: memref<1x128xf32, #tpu.memory_space<vmem>>, %arg6: memref<1x128xf32, #tpu.memory_space<vmem>>, %arg7: memref<1x128xf32, #tpu.memory_space<vmem>>, %arg8: memref<128x128xf32, #tpu.memory_space<vmem>>, %arg9: memref<1x128xf32, #tpu.memory_space<vmem>>, %arg10: memref<2048x128xf32, #tpu.memory_space<vmem>>, %arg11: memref<2048x128xf32, #tpu.memory_space<vmem>>) attributes {dimension_semantics = [#tpu.dimension_semantics<arbitrary>], iteration_bounds = array<i64: 5>, scalar_prefetch = 0 : i64, scratch_operands = 0 : i64, tpu.core_type = #tpu.core_type<tc>, window_params = [{transform_indices = @transform_0, window_bounds = array<i64: 2, 2048, 128>}, {transform_indices = @transform_1, window_bounds = array<i64: 2, 2048>}, {transform_indices = @transform_2, window_bounds = array<i64: 2048, 128>}, {pipeline_mode = #tpu.pipeline_mode<synchronous>, transform_indices = @transform_3, window_bounds = array<i64: 128, 128>}, {pipeline_mode = #tpu.pipeline_mode<synchronous>, transform_indices = @transform_4, window_bounds = array<i64: 1, 128>}, {pipeline_mode = #tpu.pipeline_mode<synchronous>, transform_indices = @transform_5, window_bounds = array<i64: 1, 128>}, {pipeline_mode = #tpu.pipeline_mode<synchronous>, transform_indices = @transform_6, window_bounds = array<i64: 1, 128>}, {pipeline_mode = #tpu.pipeline_mode<synchronous>, transform_indices = @transform_7, window_bounds = array<i64: 128, 128>}, {pipeline_mode = #tpu.pipeline_mode<synchronous>, transform_indices = @transform_8, window_bounds = array<i64: 1, 128>}, {transform_indices = @transform_9, window_bounds = array<i64: 2048, 128>}, {transform_indices = @transform_10, window_bounds = array<i64: 2048, 128>}]} {
    %get3A = arith.constant 0 : index
    %get3A_0 = arith.constant 0 : index
    %get3A_1 = vector.load %arg2[%get3A, %get3A_0] : memref<2x2048xf32, #tpu.memory_space<vmem>>, vector<1x2048xf32>
    %get3A_2 = vector.shape_cast %get3A_1 : vector<1x2048xf32> to vector<2048xf32>
    %get3A_3 = arith.constant 1 : index
    %get3A_4 = arith.constant 0 : index
    %get3A_5 = vector.load %arg2[%get3A_3, %get3A_4] : memref<2x2048xf32, #tpu.memory_space<vmem>>, vector<1x2048xf32>
    %get3A_6 = vector.shape_cast %get3A_5 : vector<1x2048xf32> to vector<2048xf32>
    %add3A = arith.addf %get3A_2, %get3A_6 : vector<2048xf32>
    %max3A = arith.constant 1.000000e+00 : f32
    %max3A_7 = vector.broadcast %max3A : f32 to vector<2048xf32>
    %max3A_8 = arith.maximumf %add3A, %max3A_7 : vector<2048xf32>
    %get3A_9 = arith.constant 0 : index
    %get3A_10 = arith.constant 0 : index
    %get3A_11 = arith.constant 0 : index
    %get3A_12 = vector.load %arg1[%get3A_9, %get3A_10, %get3A_11] : memref<2x2048x128xf32, #tpu.memory_space<vmem>>, vector<1x2048x128xf32>
    %get3A_13 = vector.shape_cast %get3A_12 : vector<1x2048x128xf32> to vector<2048x128xf32>
    %get3A_14 = arith.constant 1 : index
    %get3A_15 = arith.constant 0 : index
    %get3A_16 = arith.constant 0 : index
    %get3A_17 = vector.load %arg1[%get3A_14, %get3A_15, %get3A_16] : memref<2x2048x128xf32, #tpu.memory_space<vmem>>, vector<1x2048x128xf32>
    %get3A_18 = vector.shape_cast %get3A_17 : vector<1x2048x128xf32> to vector<2048x128xf32>
    %add3A_19 = arith.addf %get3A_13, %get3A_18 : vector<2048x128xf32>
    %broadcast_in_dim3A = vector.shape_cast %max3A_8 : vector<2048xf32> to vector<2048x1xf32>
    %div3A = vector.broadcast %broadcast_in_dim3A : vector<2048x1xf32> to vector<2048x128xf32>
    %div3A_20 = arith.divf %add3A_19, %div3A : vector<2048x128xf32>
    %get3A_21 = arith.constant 0 : index
    %get3A_22 = arith.constant 0 : index
    %get3A_23 = vector.load %arg4[%get3A_21, %get3A_22] : memref<128x128xf32, #tpu.memory_space<vmem>>, vector<128x128xf32>
    %dot_general3A = arith.constant dense<0.000000e+00> : vector<2048x128xf32>
    %dot_general3A_24 = tpu.matmul %div3A_20, %get3A_23, %dot_general3A {dimension_numbers = #tpu.dot_dimension_numbers<[1], [0], [0], [1], [0, 0, 1, 1], [], []>, transpose_lhs_hint = false} : vector<2048x128xf32>, vector<128x128xf32>, vector<2048x128xf32> -> vector<2048x128xf32>
    %get3A_25 = arith.constant 0 : index
    %get3A_26 = arith.constant 0 : index
    %get3A_27 = vector.load %arg5[%get3A_25, %get3A_26] : memref<1x128xf32, #tpu.memory_space<vmem>>, vector<1x128xf32>
    %add3A_28 = vector.broadcast %get3A_27 : vector<1x128xf32> to vector<2048x128xf32>
    %add3A_29 = arith.addf %dot_general3A_24, %add3A_28 : vector<2048x128xf32>
    %get3A_30 = arith.constant 0 : index
    %get3A_31 = arith.constant 0 : index
    %get3A_32 = vector.load %arg3[%get3A_30, %get3A_31] : memref<2048x128xf32, #tpu.memory_space<vmem>>, vector<2048x128xf32>
    %add3A_33 = arith.addf %add3A_29, %get3A_32 : vector<2048x128xf32>
    %get3A_34 = arith.constant 0 : index
    %get3A_35 = arith.constant 0 : index
    %get3A_36 = vector.load %arg6[%get3A_34, %get3A_35] : memref<1x128xf32, #tpu.memory_space<vmem>>, vector<1x128xf32>
    %sqrt3A = arith.constant 1.000010e+00 : f32
    %sqrt3A_37 = math.sqrt %sqrt3A : f32
    %div3A_38 = arith.constant 1.000000e+00 : f32
    %div3A_39 = arith.divf %div3A_38, %sqrt3A_37 : f32
    %mul3A = vector.broadcast %div3A_39 : f32 to vector<1x128xf32>
    %mul3A_40 = arith.mulf %get3A_36, %mul3A : vector<1x128xf32>
    %mul3A_41 = vector.broadcast %mul3A_40 : vector<1x128xf32> to vector<2048x128xf32>
    %mul3A_42 = arith.mulf %add3A_33, %mul3A_41 : vector<2048x128xf32>
    %get3A_43 = arith.constant 0 : index
    %get3A_44 = arith.constant 0 : index
    %get3A_45 = vector.load %arg7[%get3A_43, %get3A_44] : memref<1x128xf32, #tpu.memory_space<vmem>>, vector<1x128xf32>
    %add3A_46 = vector.broadcast %get3A_45 : vector<1x128xf32> to vector<2048x128xf32>
    %add3A_47 = arith.addf %mul3A_42, %add3A_46 : vector<2048x128xf32>
    %swap3A = arith.constant 0 : index
    %swap3A_48 = arith.constant 0 : index
    %swap3A_49 = vector.load %arg10[%swap3A, %swap3A_48] : memref<2048x128xf32, #tpu.memory_space<vmem>>, vector<2048x128xf32>
    tpu.vector_store %arg10[%swap3A, %swap3A_48], %add3A_47 {strides = array<i32>} : memref<2048x128xf32, #tpu.memory_space<vmem>>, vector<2048x128xf32>,
    %get3A_50 = arith.constant 0 : index
    %get3A_51 = arith.constant 0 : index
    %get3A_52 = vector.load %arg8[%get3A_50, %get3A_51] : memref<128x128xf32, #tpu.memory_space<vmem>>, vector<128x128xf32>
    %dot_general3A_53 = arith.constant dense<0.000000e+00> : vector<2048x128xf32>
    %dot_general3A_54 = tpu.matmul %add3A_47, %get3A_52, %dot_general3A_53 {dimension_numbers = #tpu.dot_dimension_numbers<[1], [0], [0], [1], [0, 0, 1, 1], [], []>, transpose_lhs_hint = false} : vector<2048x128xf32>, vector<128x128xf32>, vector<2048x128xf32> -> vector<2048x128xf32>
    %get3A_55 = arith.constant 0 : index
    %get3A_56 = arith.constant 0 : index
    %get3A_57 = vector.load %arg9[%get3A_55, %get3A_56] : memref<1x128xf32, #tpu.memory_space<vmem>>, vector<1x128xf32>
    %add3A_58 = vector.broadcast %get3A_57 : vector<1x128xf32> to vector<2048x128xf32>
    %add3A_59 = arith.addf %dot_general3A_54, %add3A_58 : vector<2048x128xf32>
    %swap3A_60 = arith.constant 0 : index
    %swap3A_61 = arith.constant 0 : index
    %swap3A_62 = vector.load %arg11[%swap3A_60, %swap3A_61] : memref<2048x128xf32, #tpu.memory_space<vmem>>, vector<2048x128xf32>
    tpu.vector_store %arg11[%swap3A_60, %swap3A_61], %add3A_59 {strides = array<i32>} : memref<2048x128xf32, #tpu.memory_space<vmem>>, vector<2048x128xf32>,
    return
  }
  func.func @transform_0(%arg0: i32) -> (i32, i32, i32) {
    %c0_i32 = arith.constant 0 : i32
    %c0_i32_0 = arith.constant 0 : i32
    %c0_i32_1 = arith.constant 0 : i32
    return %c0_i32, %arg0, %c0_i32_0 : i32, i32, i32
  }
  func.func @transform_1(%arg0: i32) -> (i32, i32) {
    %c0_i32 = arith.constant 0 : i32
    %c0_i32_0 = arith.constant 0 : i32
    return %c0_i32, %arg0 : i32, i32
  }
  func.func @transform_2(%arg0: i32) -> (i32, i32) {
    %c0_i32 = arith.constant 0 : i32
    %c0_i32_0 = arith.constant 0 : i32
    return %arg0, %c0_i32 : i32, i32
  }
  func.func @transform_3(%arg0: i32) -> (i32, i32) {
    %c0_i32 = arith.constant 0 : i32
    %c0_i32_0 = arith.constant 0 : i32
    %c0_i32_1 = arith.constant 0 : i32
    return %c0_i32, %c0_i32_0 : i32, i32
  }
  func.func @transform_4(%arg0: i32) -> (i32, i32) {
    %c0_i32 = arith.constant 0 : i32
    %c0_i32_0 = arith.constant 0 : i32
    %c0_i32_1 = arith.constant 0 : i32
    return %c0_i32, %c0_i32_0 : i32, i32
  }
  func.func @transform_5(%arg0: i32) -> (i32, i32) {
    %c0_i32 = arith.constant 0 : i32
    %c0_i32_0 = arith.constant 0 : i32
    %c0_i32_1 = arith.constant 0 : i32
    return %c0_i32, %c0_i32_0 : i32, i32
  }
  func.func @transform_6(%arg0: i32) -> (i32, i32) {
    %c0_i32 = arith.constant 0 : i32
    %c0_i32_0 = arith.constant 0 : i32
    %c0_i32_1 = arith.constant 0 : i32
    return %c0_i32, %c0_i32_0 : i32, i32
  }
  func.func @transform_7(%arg0: i32) -> (i32, i32) {
    %c0_i32 = arith.constant 0 : i32
    %c0_i32_0 = arith.constant 0 : i32
    %c0_i32_1 = arith.constant 0 : i32
    return %c0_i32, %c0_i32_0 : i32, i32
  }
  func.func @transform_8(%arg0: i32) -> (i32, i32) {
    %c0_i32 = arith.constant 0 : i32
    %c0_i32_0 = arith.constant 0 : i32
    %c0_i32_1 = arith.constant 0 : i32
    return %c0_i32, %c0_i32_0 : i32, i32
  }
  func.func @transform_9(%arg0: i32) -> (i32, i32) {
    %c0_i32 = arith.constant 0 : i32
    %c0_i32_0 = arith.constant 0 : i32
    return %arg0, %c0_i32 : i32, i32
  }
  func.func @transform_10(%arg0: i32) -> (i32, i32) {
    %c0_i32 = arith.constant 0 : i32
    %c0_i32_0 = arith.constant 0 : i32
    return %arg0, %c0_i32 : i32, i32
  }
}

module attributes {stable_mosaic.version = 14 : i64} {
  func.func @_tc_last_body(%arg0: i32, %arg1: memref<2x2048x128xf32, #tpu.memory_space<vmem>>, %arg2: memref<2x2048xf32, #tpu.memory_space<vmem>>, %arg3: memref<2048x128xf32, #tpu.memory_space<vmem>>, %arg4: memref<128x128xf32, #tpu.memory_space<vmem>>, %arg5: memref<1x128xf32, #tpu.memory_space<vmem>>, %arg6: memref<1x128xf32, #tpu.memory_space<vmem>>, %arg7: memref<1x128xf32, #tpu.memory_space<vmem>>, %arg8: memref<128x128xf32, #tpu.memory_space<vmem>>, %arg9: memref<1x128xf32, #tpu.memory_space<vmem>>, %arg10: memref<2048x128xf32, #tpu.memory_space<vmem>>, %arg11: memref<2048x128xf32, #tpu.memory_space<vmem>>) attributes {dimension_semantics = [#tpu.dimension_semantics<arbitrary>], iteration_bounds = array<i64: 5>, scalar_prefetch = 0 : i64, scratch_operands = 0 : i64, tpu.core_type = #tpu.core_type<tc>, window_params = [{transform_indices = @transform_0, window_bounds = array<i64: 2, 2048, 128>}, {transform_indices = @transform_1, window_bounds = array<i64: 2, 2048>}, {transform_indices = @transform_2, window_bounds = array<i64: 2048, 128>}, {pipeline_mode = #tpu.pipeline_mode<synchronous>, transform_indices = @transform_3, window_bounds = array<i64: 128, 128>}, {pipeline_mode = #tpu.pipeline_mode<synchronous>, transform_indices = @transform_4, window_bounds = array<i64: 1, 128>}, {pipeline_mode = #tpu.pipeline_mode<synchronous>, transform_indices = @transform_5, window_bounds = array<i64: 1, 128>}, {pipeline_mode = #tpu.pipeline_mode<synchronous>, transform_indices = @transform_6, window_bounds = array<i64: 1, 128>}, {pipeline_mode = #tpu.pipeline_mode<synchronous>, transform_indices = @transform_7, window_bounds = array<i64: 128, 128>}, {pipeline_mode = #tpu.pipeline_mode<synchronous>, transform_indices = @transform_8, window_bounds = array<i64: 1, 128>}, {transform_indices = @transform_9, window_bounds = array<i64: 2048, 128>}, {transform_indices = @transform_10, window_bounds = array<i64: 2048, 128>}]} {
    %get3A = arith.constant 0 : index
    %get3A_0 = arith.constant 0 : index
    %get3A_1 = vector.load %arg2[%get3A, %get3A_0] : memref<2x2048xf32, #tpu.memory_space<vmem>>, vector<1x2048xf32>
    %get3A_2 = vector.shape_cast %get3A_1 : vector<1x2048xf32> to vector<2048xf32>
    %get3A_3 = arith.constant 1 : index
    %get3A_4 = arith.constant 0 : index
    %get3A_5 = vector.load %arg2[%get3A_3, %get3A_4] : memref<2x2048xf32, #tpu.memory_space<vmem>>, vector<1x2048xf32>
    %get3A_6 = vector.shape_cast %get3A_5 : vector<1x2048xf32> to vector<2048xf32>
    %add3A = arith.addf %get3A_2, %get3A_6 : vector<2048xf32>
    %max3A = arith.constant 1.000000e+00 : f32
    %max3A_7 = vector.broadcast %max3A : f32 to vector<2048xf32>
    %max3A_8 = arith.maximumf %add3A, %max3A_7 : vector<2048xf32>
    %get3A_9 = arith.constant 0 : index
    %get3A_10 = arith.constant 0 : index
    %get3A_11 = arith.constant 0 : index
    %get3A_12 = vector.load %arg1[%get3A_9, %get3A_10, %get3A_11] : memref<2x2048x128xf32, #tpu.memory_space<vmem>>, vector<1x2048x128xf32>
    %get3A_13 = vector.shape_cast %get3A_12 : vector<1x2048x128xf32> to vector<2048x128xf32>
    %get3A_14 = arith.constant 1 : index
    %get3A_15 = arith.constant 0 : index
    %get3A_16 = arith.constant 0 : index
    %get3A_17 = vector.load %arg1[%get3A_14, %get3A_15, %get3A_16] : memref<2x2048x128xf32, #tpu.memory_space<vmem>>, vector<1x2048x128xf32>
    %get3A_18 = vector.shape_cast %get3A_17 : vector<1x2048x128xf32> to vector<2048x128xf32>
    %add3A_19 = arith.addf %get3A_13, %get3A_18 : vector<2048x128xf32>
    %broadcast_in_dim3A = vector.shape_cast %max3A_8 : vector<2048xf32> to vector<2048x1xf32>
    %div3A = vector.broadcast %broadcast_in_dim3A : vector<2048x1xf32> to vector<2048x128xf32>
    %div3A_20 = arith.divf %add3A_19, %div3A : vector<2048x128xf32>
    %get3A_21 = arith.constant 0 : index
    %get3A_22 = arith.constant 0 : index
    %get3A_23 = vector.load %arg4[%get3A_21, %get3A_22] : memref<128x128xf32, #tpu.memory_space<vmem>>, vector<128x128xf32>
    %dot_general3A = arith.constant dense<0.000000e+00> : vector<2048x128xf32>
    %dot_general3A_24 = tpu.matmul %div3A_20, %get3A_23, %dot_general3A {dimension_numbers = #tpu.dot_dimension_numbers<[1], [0], [0], [1], [0, 0, 1, 1], [], []>, transpose_lhs_hint = false} : vector<2048x128xf32>, vector<128x128xf32>, vector<2048x128xf32> -> vector<2048x128xf32>
    %get3A_25 = arith.constant 0 : index
    %get3A_26 = arith.constant 0 : index
    %get3A_27 = vector.load %arg5[%get3A_25, %get3A_26] : memref<1x128xf32, #tpu.memory_space<vmem>>, vector<1x128xf32>
    %add3A_28 = vector.broadcast %get3A_27 : vector<1x128xf32> to vector<2048x128xf32>
    %add3A_29 = arith.addf %dot_general3A_24, %add3A_28 : vector<2048x128xf32>
    %get3A_30 = arith.constant 0 : index
    %get3A_31 = arith.constant 0 : index
    %get3A_32 = vector.load %arg3[%get3A_30, %get3A_31] : memref<2048x128xf32, #tpu.memory_space<vmem>>, vector<2048x128xf32>
    %add3A_33 = arith.addf %add3A_29, %get3A_32 : vector<2048x128xf32>
    %get3A_34 = arith.constant 0 : index
    %get3A_35 = arith.constant 0 : index
    %get3A_36 = vector.load %arg6[%get3A_34, %get3A_35] : memref<1x128xf32, #tpu.memory_space<vmem>>, vector<1x128xf32>
    %sqrt3A = arith.constant 1.000010e+00 : f32
    %sqrt3A_37 = math.sqrt %sqrt3A : f32
    %div3A_38 = arith.constant 1.000000e+00 : f32
    %div3A_39 = arith.divf %div3A_38, %sqrt3A_37 : f32
    %mul3A = vector.broadcast %div3A_39 : f32 to vector<1x128xf32>
    %mul3A_40 = arith.mulf %get3A_36, %mul3A : vector<1x128xf32>
    %mul3A_41 = vector.broadcast %mul3A_40 : vector<1x128xf32> to vector<2048x128xf32>
    %mul3A_42 = arith.mulf %add3A_33, %mul3A_41 : vector<2048x128xf32>
    %get3A_43 = arith.constant 0 : index
    %get3A_44 = arith.constant 0 : index
    %get3A_45 = vector.load %arg7[%get3A_43, %get3A_44] : memref<1x128xf32, #tpu.memory_space<vmem>>, vector<1x128xf32>
    %add3A_46 = vector.broadcast %get3A_45 : vector<1x128xf32> to vector<2048x128xf32>
    %add3A_47 = arith.addf %mul3A_42, %add3A_46 : vector<2048x128xf32>
    %get3A_48 = arith.constant 0 : index
    %get3A_49 = arith.constant 0 : index
    %get3A_50 = vector.load %arg8[%get3A_48, %get3A_49] : memref<128x128xf32, #tpu.memory_space<vmem>>, vector<128x128xf32>
    %dot_general3A_51 = arith.constant dense<0.000000e+00> : vector<2048x128xf32>
    %dot_general3A_52 = tpu.matmul %add3A_47, %get3A_50, %dot_general3A_51 {dimension_numbers = #tpu.dot_dimension_numbers<[1], [0], [0], [1], [0, 0, 1, 1], [], []>, transpose_lhs_hint = false} : vector<2048x128xf32>, vector<128x128xf32>, vector<2048x128xf32> -> vector<2048x128xf32>
    %get3A_53 = arith.constant 0 : index
    %get3A_54 = arith.constant 0 : index
    %get3A_55 = vector.load %arg9[%get3A_53, %get3A_54] : memref<1x128xf32, #tpu.memory_space<vmem>>, vector<1x128xf32>
    %add3A_56 = vector.broadcast %get3A_55 : vector<1x128xf32> to vector<2048x128xf32>
    %add3A_57 = arith.addf %dot_general3A_52, %add3A_56 : vector<2048x128xf32>
    %swap3A = arith.constant 0 : index
    %swap3A_58 = arith.constant 0 : index
    %swap3A_59 = vector.load %arg11[%swap3A, %swap3A_58] : memref<2048x128xf32, #tpu.memory_space<vmem>>, vector<2048x128xf32>
    tpu.vector_store %arg11[%swap3A, %swap3A_58], %add3A_57 {strides = array<i32>} : memref<2048x128xf32, #tpu.memory_space<vmem>>, vector<2048x128xf32>,
    %reduce_max3A = arith.constant dense<0xFF800000> : vector<2048xf32>
    %reduce_max3A_60 = vector.multi_reduction <maximumf>, %add3A_57, %reduce_max3A [1] : vector<2048x128xf32> to vector<2048xf32>
    %broadcast_in_dim3A_61 = vector.shape_cast %reduce_max3A_60 : vector<2048xf32> to vector<2048x1xf32>
    %sub3A = vector.broadcast %broadcast_in_dim3A_61 : vector<2048x1xf32> to vector<2048x128xf32>
    %sub3A_62 = arith.subf %add3A_57, %sub3A : vector<2048x128xf32>
    %exp3A = math.exp %sub3A_62 : vector<2048x128xf32>
    %reduce_sum3A = arith.constant dense<0.000000e+00> : vector<2048xf32>
    %reduce_sum3A_63 = vector.multi_reduction <add>, %exp3A, %reduce_sum3A [1] : vector<2048x128xf32> to vector<2048xf32>
    %broadcast_in_dim3A_64 = vector.shape_cast %reduce_sum3A_63 : vector<2048xf32> to vector<2048x1xf32>
    %log3A = math.log %broadcast_in_dim3A_64 : vector<2048x1xf32>
    %sub3A_65 = vector.broadcast %broadcast_in_dim3A_61 : vector<2048x1xf32> to vector<2048x128xf32>
    %sub3A_66 = arith.subf %add3A_57, %sub3A_65 : vector<2048x128xf32>
    %sub3A_67 = vector.broadcast %log3A : vector<2048x1xf32> to vector<2048x128xf32>
    %sub3A_68 = arith.subf %sub3A_66, %sub3A_67 : vector<2048x128xf32>
    %swap3A_69 = arith.constant 0 : index
    %swap3A_70 = arith.constant 0 : index
    %swap3A_71 = vector.load %arg10[%swap3A_69, %swap3A_70] : memref<2048x128xf32, #tpu.memory_space<vmem>>, vector<2048x128xf32>
    tpu.vector_store %arg10[%swap3A_69, %swap3A_70], %sub3A_68 {strides = array<i32>} : memref<2048x128xf32, #tpu.memory_space<vmem>>, vector<2048x128xf32>,
    return
  }
  func.func @transform_0(%arg0: i32) -> (i32, i32, i32) {
    %c0_i32 = arith.constant 0 : i32
    %c0_i32_0 = arith.constant 0 : i32
    %c0_i32_1 = arith.constant 0 : i32
    return %c0_i32, %arg0, %c0_i32_0 : i32, i32, i32
  }
  func.func @transform_1(%arg0: i32) -> (i32, i32) {
    %c0_i32 = arith.constant 0 : i32
    %c0_i32_0 = arith.constant 0 : i32
    return %c0_i32, %arg0 : i32, i32
  }
  func.func @transform_2(%arg0: i32) -> (i32, i32) {
    %c0_i32 = arith.constant 0 : i32
    %c0_i32_0 = arith.constant 0 : i32
    return %arg0, %c0_i32 : i32, i32
  }
  func.func @transform_3(%arg0: i32) -> (i32, i32) {
    %c0_i32 = arith.constant 0 : i32
    %c0_i32_0 = arith.constant 0 : i32
    %c0_i32_1 = arith.constant 0 : i32
    return %c0_i32, %c0_i32_0 : i32, i32
  }
  func.func @transform_4(%arg0: i32) -> (i32, i32) {
    %c0_i32 = arith.constant 0 : i32
    %c0_i32_0 = arith.constant 0 : i32
    %c0_i32_1 = arith.constant 0 : i32
    return %c0_i32, %c0_i32_0 : i32, i32
  }
  func.func @transform_5(%arg0: i32) -> (i32, i32) {
    %c0_i32 = arith.constant 0 : i32
    %c0_i32_0 = arith.constant 0 : i32
    %c0_i32_1 = arith.constant 0 : i32
    return %c0_i32, %c0_i32_0 : i32, i32
  }
  func.func @transform_6(%arg0: i32) -> (i32, i32) {
    %c0_i32 = arith.constant 0 : i32
    %c0_i32_0 = arith.constant 0 : i32
    %c0_i32_1 = arith.constant 0 : i32
    return %c0_i32, %c0_i32_0 : i32, i32
  }
  func.func @transform_7(%arg0: i32) -> (i32, i32) {
    %c0_i32 = arith.constant 0 : i32
    %c0_i32_0 = arith.constant 0 : i32
    %c0_i32_1 = arith.constant 0 : i32
    return %c0_i32, %c0_i32_0 : i32, i32
  }
  func.func @transform_8(%arg0: i32) -> (i32, i32) {
    %c0_i32 = arith.constant 0 : i32
    %c0_i32_0 = arith.constant 0 : i32
    %c0_i32_1 = arith.constant 0 : i32
    return %c0_i32, %c0_i32_0 : i32, i32
  }
  func.func @transform_9(%arg0: i32) -> (i32, i32) {
    %c0_i32 = arith.constant 0 : i32
    %c0_i32_0 = arith.constant 0 : i32
    return %arg0, %c0_i32 : i32, i32
  }
  func.func @transform_10(%arg0: i32) -> (i32, i32) {
    %c0_i32 = arith.constant 0 : i32
    %c0_i32_0 = arith.constant 0 : i32
    return %arg0, %c0_i32 : i32, i32
  }
}

</mosaic_0001>

<sc_bundles>
// kernel: kernel.10.cloned.1.call-start
scs
__scs_entry_jumppad:
0x0: {  	(pc) =	sbr.rel $0x88, $3  }
0x1: {  	(tag) =	ssettag $0x0;
	lr =	simm.s32 $0x1  }
0x2: {  	[smem:$0x3F8D] =	sst lr;
	_ =	strace $0xD0000000  }
0x3: {  	_ = 	snop  }
0x4: {  	_ = 	snop  }
0x5: {  	_ = 	snop  }
0x6: {  	_ = 	snop  }
0x7: {  	_ = 	snop  }
__scs_overlays_trampoline_lowered:
0x8: {  	[smem:$0x3F9C] =	sst s0  }
0x9: {  	[smem:$0x3F9D] =	sst s1  }
0xa: {  	[smem:$0x3F9E] =	sst s2  }
0xb: {  	[smem:$0x3F9F] =	sst s3  }
0xc: {  	[smem:$0x3FA0] =	sst s4  }
0xd: {  	[smem:$0x3FA1] =	sst s5  }
0xe: {  	[smem:$0x3FA2] =	sst s6  }
0xf: {  	[smem:$0x3FA3] =	sst s7  }
0x10: {  	[smem:$0x3FA4] =	sst s8  }
0x11: {  	[smem:$0x3FA5] =	sst s9;
	s0 =	simm.s32 @!p0 $0x0  }
0x12: {  	s1 =	sld [smem:$0x3F8B];
	s0 =	simm.s32 @p0 $0x1  }
0x13: {  	[smem:$0x3FA6] =	sst s0;
	s0 =	simm.s32 @!p1 $0x0  }
0x14: {  	s2 =	sld [smem:$0x3F8A];
	s0 =	simm.s32 @p1 $0x1  }
0x15: {  	[smem:$0x3FA7] =	sst s0;
	s0 =	simm.s32 @!p2 $0x0  }
0x16: {  	s3 =	sld [smem:$0x3FDB];
	s0 =	simm.s32 @p2 $0x1  }
0x17: {  	s4 =	simm.s32 $0x1BF5;
	[smem:$0x3FA9] =	sst s0  }
0x18: {  	s0 =	sld [smem:$0x3F8C];
	_ =	swait.ge [sflag:s4], $0x0  }
0x19: {  	s7 =	sld [smem:$0x3F8D]  }
0x1a: {  	s8 =	sadd.s32 $0xFFFFE003, lr  }
0x1b: {  	s9 =	sadd.s32 $0xFFFFFEF7, lr;
	s5 =	simm.s32 $0xFFFFFFFF;
	p2 =	slt.u32 s8, $0xFFFFF086  }
0x1c: {  	p1 =	slt.u32 s9, $0xF7A;
	s5 =	simm.s32 @!p2 $0x0  }
0x1d: {  	s5 =	simm.s32 @p1 $0x1;
	p0 =	seq.s32 s7, s2  }
0x1e: {  	s7 =	smul.u32 @!p0 $0xF7A, s2;
	p2 =	seq.s32 @!p0 s5, $0x0  }
0x1f: {  	s9 =	smul.u32 $0xF7A, s1;
	s8 =	simm.s32 @!p0 $0x1BF5;
	p2 =	por !p2, p0  }
0x20: {  	[sflag:s8] =	ssyncset.s32 @!p0 $0xFFFFF086;
	s6 =	sadd.s32 @!p0 s3, s7;
	s7 =	simm.s32 @!p0 $0x108  }
0x21: {  	s3 =	sadd.s32 s3, s9;
	s6 =	sadd.s32 @!p0 $0x88, s6;
	s7 =	simm.s32 @p2 $0x1082  }
0x22: {  	[simem:s7], [sflag:s8] =	dma.local @!p0 [hbm:s6], $0xF7A  }
0x23: {  	s9 =	sor.u32 $0xD0000000, s2;
	s6 =	simm.s32 $0x108;
	_ =	swait.ge @!p0 [sflag:s8], $0x0  }
0x24: {  	s3 =	sadd.s32 $0x88, s3;
	s6 =	simm.s32 @!p1 $0x1082;
	[sflag:s4] =	ssyncset.s32 $0xFFFFF086  }
0x25: {  	[simem:s6], [sflag:s4] =	dma.local [hbm:s3], $0xF7A  }
0x26: {  	[smem:$0x3F8D] =	sst s1;
	(tag) =	ssettag s2;
	_ =	strace s9  }
0x27: {  	s1 =	sld [smem:$0x3F9D]  }
0x28: {  	s2 =	sld [smem:$0x3F9E]  }
0x29: {  	s4 =	sld [smem:$0x3FA0]  }
0x2a: {  	p0 =	seq.s32 s5, $0x0;
	s5 =	sld [smem:$0x3FA1]  }
0x2b: {  	s6 =	sld [smem:$0x3FA2]  }
0x2c: {  	s7 =	sld [smem:$0x3FA3]  }
0x2d: {  	s3 =	simm.s32 $0x108;
	s8 =	sld [smem:$0x3FA4]  }
0x2e: {  	s3 =	simm.s32 @!p0 $0x1082;
	s9 =	sld [smem:$0x3FA5]  }
0x2f: {  	lr =	sadd.s32 s0, s3;
	s0 =	sld [smem:$0x3F9C]  }
0x30: {  	s3 =	sld [smem:$0x3F9F]  }
0x31: {  	[smem:$0x3FA8] =	sst s10  }
0x32: {  	s10 =	sld [smem:$0x3FA6];
	_ =	sdelay $0x3  }
0x33: {  	p0 =	seq.s32 s10, $0x1;
	s10 =	sld [smem:$0x3FA8];
	_ =	sdelay $0x3  }
0x34: {  	[smem:$0x3FA8] =	sst s10  }
0x35: {  	s10 =	sld [smem:$0x3FA7];
	_ =	sdelay $0x3  }
0x36: {  	p1 =	seq.s32 s10, $0x1;
	s10 =	sld [smem:$0x3FA8];
	_ =	sdelay $0x3  }
0x37: {  	[smem:$0x3FA8] =	sst s10  }
0x38: {  	s10 =	sld [smem:$0x3FA9]  }
0x39: {  	_ = 	snop;
	(pc) =	sbr.ind lr, $3  }
0x3a: {  	_ = 	snop  }
0x3b: {  	_ = 	snop  }
0x3c: {  	p2 =	seq.s32 s10, $0x1;
	s10 =	sld [smem:$0x3FA8]  }
0x3d: {  	_ =	shalt  }
0x3e: {  	_ =	shalt  }
0x3f: {  	_ =	shalt  }
0x40: {  	_ =	shalt  }
0x41: {  	_ =	shalt  }
0x42: {  	_ =	shalt  }
0x43: {  	_ =	shalt  }
0x44: {  	_ =	shalt  }
0x45: {  	_ =	shalt  }
0x46: {  	_ =	shalt  }
0x47: {  	_ =	shalt  }
0x48: {  	_ =	shalt  }
0x49: {  	_ =	shalt  }
0x4a: {  	_ =	shalt  }
0x4b: {  	_ =	shalt  }
0x4c: {  	_ =	shalt  }
0x4d: {  	_ =	shalt  }
0x4e: {  	_ =	shalt  }
0x4f: {  	_ =	shalt  }
0x50: {  	_ =	shalt  }
0x51: {  	_ =	shalt  }
0x52: {  	_ =	shalt  }
0x53: {  	_ =	shalt  }
0x54: {  	_ =	shalt  }
0x55: {  	_ =	shalt  }
0x56: {  	_ =	shalt  }
0x57: {  	_ =	shalt  }
0x58: {  	_ =	shalt  }
0x59: {  	_ =	shalt  }
0x5a: {  	_ =	shalt  }
0x5b: {  	_ =	shalt  }
0x5c: {  	_ =	shalt  }
0x5d: {  	_ =	shalt  }
0x5e: {  	_ =	shalt  }
0x5f: {  	_ =	shalt  }
0x60: {  	_ =	shalt  }
0x61: {  	_ =	shalt  }
0x62: {  	_ =	shalt  }
0x63: {  	_ =	shalt  }
0x64: {  	_ =	shalt  }
0x65: {  	_ =	shalt  }
0x66: {  	_ =	shalt  }
0x67: {  	_ =	shalt  }
0x68: {  	_ =	shalt  }
0x69: {  	_ =	shalt  }
0x6a: {  	_ =	shalt  }
0x6b: {  	_ =	shalt  }
0x6c: {  	_ =	shalt  }
0x6d: {  	_ =	shalt  }
0x6e: {  	_ =	shalt  }
0x6f: {  	_ =	shalt  }
0x70: {  	_ =	shalt  }
0x71: {  	_ =	shalt  }
0x72: {  	_ =	shalt  }
0x73: {  	_ =	shalt  }
0x74: {  	_ =	shalt  }
0x75: {  	_ =	shalt  }
0x76: {  	_ =	shalt  }
0x77: {  	_ =	shalt  }
0x78: {  	_ =	shalt  }
0x79: {  	_ =	shalt  }
0x7a: {  	_ =	shalt  }
0x7b: {  	_ =	shalt  }
0x7c: {  	_ =	shalt  }
0x7d: {  	_ =	shalt  }
0x7e: {  	_ =	shalt  }
0x7f: {  	_ =	shalt  }
0x80: {  	_ =	shalt  }
0x81: {  	_ =	shalt  }
0x82: {  	_ =	shalt  }
0x83: {  	_ =	shalt  }
0x84: {  	_ =	shalt  }
0x85: {  	_ =	shalt  }
0x86: {  	_ =	shalt  }
0x87: {  	_ =	shalt  }
.Lfunc_end0:
.L_simem_size_0:
called_computation.1_lowered:
.L_overlay_start_0:
0x88: {  	s2 =	sld [smem:$0x3FD9]  }
0x89: {  	s3 =	sld [smem:$0x3FFE];
	_ =	sdelay $0x1  }
0x8a: {  	s1 =	srdreg.scid  }
0x8b: {  	s0 =	sand.u32 $0x1, s1  }
0x8c: {  	s14 =	sshll.u32 s0, $0xA;
	s2 =	sadd.s32 s3, s2  }
0x8d: {  	s2 =	sadd.s32 s2, s14  }
0x8e: {  	[smem:$0x3FB4] =	sst s2  }
0x8f: {  	_ = 	snop  }
0x90: {  	s2 =	sld [smem:$0x3FD0];
	_ =	sdelay $0x2  }
0x91: {  	s15 =	simm.s32 $0xA;
	s4 =	simm.s32 $0x10  }
0x92: {  	[smem:s4], [sflag:s15] =	dma.local [hbm:s2], $0x1  }
0x93: {  	_ =	swait.eq [sflag:s15], $0x1  }
0x94: {  	[sflag:s15] =	ssyncset.done $0x0  }
0x95: {  	s16 =	sld [smem:$0x10];
	[sflag:s15] =	ssyncadd.s32 $0xFFFFFFFF  }
0x96: {  	s17 =	sld [smem:$0x11];
	(tm) =	ssettm $0x1  }
0x97: {  	s18 =	sld [smem:$0x3FFB];
	_ =	sdelay $0x3  }
0x98: {  	_ =	strace s18  }
0x99: {  	s4 =	sld [smem:$0x3FFC];
	_ =	sdelay $0x3  }
0x9a: {  	_ =	strace s4  }
0x9b: {  	s4 =	sld [smem:$0x3FFD];
	_ =	sdelay $0x3  }
0x9c: {  	_ =	strace s4  }
0x9d: {  	_ =	strace $0x8FFFFFFF  }
0x9e: {  	s19 =	sld [smem:$0x3FDB];
	_ =	sdelay $0x1  }
0x9f: {  	s5 =	simm.s32 $_scs_section_size  }
0xa0: {  	s6 =	simm.s32 $_size__tile_overlayer_lowered;
	s7 =	simm.s32 $_tile_overlayer_lowered  }
0xa1: {  	s22 =	simm.s32 $0x1BFF;
	s21 =	sshll.u32 s7, $0x1;
	s4 =	sadd.s32 s5, s19  }
0xa2: {  	s8 =	simm.s32 $0x0;
	s20 =	sshll.u32 s6, $0x1;
	s6 =	sadd.s32 s21, s4  }
0xa3: {  	[timem:s8], [sflag:s22] =	dma.local [hbm:s6], s20  }
0xa4: {  	_ =	swait.ge [sflag:s22], s20  }
0xa5: {  	s5 =	ssub.s32 $0x0, s20;
	[sflag:s22] =	ssyncset.done $0x0  }
0xa6: {  	[sflag:s22] =	ssyncadd.s32 s5;
	_ =	sdelay $0x1  }
0xa7: {  	s23 =	simm.s32 $0x1B8B  }
0xa8: {  	_ =	swait.ge [sflag:s23], $0x1  }
0xa9: {  	[sflag:s23] =	ssyncset.done $0x0  }
0xaa: {  	s25 =	simm.s32 $0x1B8E;
	s24 =	sld [smem:$0x3FFE];
	[sflag:s23] =	ssyncadd.s32 $0xFFFFFFFF  }
0xab: {  	s26 =	simm.s32 $execute0_lowered;
	[smem:$0x3FD2] =	sst s25  }
0xac: {  	s6 =	sshll.u32 s26, $0x1;
	_ =	strace $0x80000049;
	[dreg:$0x1] =	wrdreg $0xFFFFFFFF  }
0xad: {  	s28 =	simm.s32 $_size_execute0_lowered;
	s4 =	sadd.s32 s4, s6;
	[dreg:$0x0] =	wrdreg $0x0  }
0xae: {  	s6 =	sshll.u32 s28, $0x1;
	[dreg:$0x2] =	wrdreg s4  }
0xaf: {  	[dreg:$0x3] =	wrdreg s6  }
0xb0: {  	[dreg:$0x4] =	wrdreg $0xC0  }
0xb1: {  	_ =	task [dreg:s8], $0x5FFFF  }
0xb2: {  	[dreg:$0x1] =	wrdreg $0xFFFFFFFF  }
0xb3: {  	[dreg:$0x0] =	wrdreg $0x60  }
0xb4: {  	[dreg:$0x2] =	wrdreg s17  }
0xb5: {  	[dreg:$0x3] =	wrdreg s24  }
0xb6: {  	[dreg:$0x4] =	wrdreg s16  }
0xb7: {  	[dreg:$0x5] =	wrdreg $0x0  }
0xb8: {  	[dreg:$0x6] =	wrdreg $0x9  }
0xb9: {  	_ =	task.clear_ibuf [dreg:s8], $0x7FFFF;
	_ =	strace $0x90000049  }
0xba: {  	s29 =	simm.s32 $0x9;
	_ =	strace $0x8000004B  }
0xbb: {  	_ =	swait.ge [sflag:s29], $0x1  }
0xbc: {  	[sflag:s29] =	ssyncadd.s32 $0xFFFFFFFF  }
0xbd: {  	_ =	strace $0x9000004B  }
0xbe: {  	_ =	sfence  }
0xbf: {  	s30 =	sld [smem:$0x0];
	_ =	sdelay $0x2  }
0xc0: {  	s31 =	sshll.u32 s1, $0xD;
	s1 =	sshrl.u32 s1, $0x2  }
0xc1: {  	s3 =	sand.u32 $0x4000, s31;
	s1 =	sadd.s32 s1, s30  }
0xc2: {  	s0 =	sor.u32 s3, s0;
	s1 =	sshll.u32 s1, $0x11  }
0xc3: {  	s0 =	sor.u32 s1, s0  }
0xc4: {  	s0 =	sadd.s32 $0x8F2B, s0  }
0xc5: {  	[sflag:s0] =	ssyncadd.remote.s32 $0x1  }
0xc6: {  	_ =	sfence.sel $0xFFFF  }
0xc7: {  	[dreg:$0x0] =	wrdreg $0xFFFFFFFF;
	(pc) =	sbr.abs _section_cstart, $3  }
0xc8: {  	[dreg:$0x1] =	wrdreg $0xFFFFFFFF  }
0xc9: {  	_ =	task.clear_ibuf [dreg:s8], $0x2FFFF;
	_ =	strace $0x9FFFFFFF  }
0xca: {  	(tm) =	ssettm $0x7FFFFFFF  }
0xcb: {  	_ =	shalt  }
tec
execute0_lowered:
.L_overlay_start_1:
0x0: {  	(tag) =	ssettag $0x1  }
0x1: {  	s0 =	rddreg [dreg:$0x0]  }
0x2: {  	s1 =	rddreg [dreg:$0x1]  }
0x3: {  	s2 =	srdreg.scid;
	s5 =	rddreg [dreg:$0x2]  }
0x4: {  	s4 =	stileid.u32;
	s3 =	rddreg [dreg:$0x3]  }
0x5: {  	s9 =	simm.s32 $0x0;
	s14 =	simm.s32 $0x1;
	s15 =	simm.s32 $0x2  }
0x6: {  	s29 =	simm.s32 $0x1E180;
	s30 =	simm.s32 $0x19000;
	s7 =	smul.u32 $0x2710, s4  }
0x7: {  	s31 =	simm.s32 $0x6;
	s13 =	simm.s32 $0x7;
	s8 =	smul.u32 $0x14000, s4  }
0x8: {  	s28 =	simm.s32 $0x9;
	s2 =	sand.u32 $0x1, s2;
	s19 =	smul.u32 $0x50000, s4  }
0x9: {  	s12 =	simm.s32 $0x0;
	[smem:$0x7FF] =	sst s9;
	s6 =	smul.u32 $0x27100, s2  }
0xa: {  	s22 =	sshll.u32 s4, $0x6;
	s16 =	smul.u32 $0x140000, s2;
	s2 =	ssub.s32 $0x2, s2  }
0xb: {  	_ =	strace $0x8000004A;
	s18 =	sshrl.u32 s8, $0x3;
	s20 =	sshrl.u32 s2, $0x1  }
0xc: {  	s21 =	sshrl.u32 s19, $0x2;
	s19 =	simm.s32 $0x5;
	s6 =	sadd.s32 s7, s6  }
0xd: {  	s7 =	sadd.s32 s8, s16;
	s2 =	ssub.s32 s2, s20;
	s16 =	simm.s32 $0x3  }
0xe: {  	s20 =	simm.s32 $0x1A580;
	s17 =	sshrl.u32 s6, $0x3;
	s7 =	sshrl.u32 s7, $0x3  }
0xf: {  	s6 =	sadd.s32 s18, s1;
	s26 =	smax.u32 s2, $0x1;
	s18 =	simm.s32 $0x19180  }
0x10: {  	s2 =	simm.s32 $0x4;
	s10 =	sadd.s32 s17, s1;
	s1 =	sadd.s32 s7, s1  }
0x11: {  	s7 =	sadd.s32 s21, s3;
	s23 =	sadd.s32 $0xDA00, s6;
	s6 =	sor.u32 $0x1C01, s22  }
0x12: {  	s25 =	sadd.s32 s5, s17;
	[dreg:$0x9] =	wrdreg s26;
	s17 =	simm.s32 $0x28  }
0x13: {  	s22 =	simm.s32 $0x1B980;
	s26 =	simm.s32 $0x18F80;
	s21 =	simm.s32 $0x19100  }
0x14: {  	s5 =	simm.s32 $0xA;
	[dreg:$0x5] =	wrdreg s23;
	s24 =	sadd.s32 $0x3600, s10  }
0x15: {  	[dreg:$0x7] =	wrdreg s25;
	s1 =	sadd.s32 $0x35A00, s1;
	s11 =	sshrl.u32 s7, $0x3  }
0x16: {  	s23 =	simm.s32 $0x18F00;
	s25 =	simm.s32 $0x1CD80;
	[dreg:$0x6] =	wrdreg s24  }
0x17: {  	[dreg:$0x8] =	wrdreg s1;
	s1 =	simm.s32 $0x19080;
	s24 =	simm.s32 $0x8  }
.LBB2_1:
0x18: {  	s4 =	rddreg [dreg:$0x5]  }
0x19: {  	[spmem:s11], [sflag:s6] =	dma.local [hbm:s4], $0x2800  }
0x1a: {  	s8 =	simm.s32 $0x14000;
	s4 =	simm.s32 $0x0;
	s7 =	rddreg [dreg:$0x6]  }
0x1b: {  	[tilespmem:s8], [sflag:$0x2] =	stream.linear.gather [hbm4b:s7+s4], $0x2710, $0x38;
	[tilespmem:$0x1F580] =	vst v63  }
0x1c: {  	s9 =	simm.s32 $0x16780;
	s10 =	rddreg [dreg:$0x7]  }
0x1d: {  	[tilespmem:s9], [sflag:$0x3] =	stream.linear.gather [hbm4b:s10+s4], $0x2710, $0x38;
	[tilespmem:$0x1F580] =	vst v63  }
0x1e: {  	_ =	swait.ge [sflag:s14], $0x2800  }
0x1f: {  	[sflag:s14] =	ssyncset.done $0x0  }
0x20: {  	[sflag:s14] =	ssyncadd.s32 $0xFFFFD800  }
0x21: {  	_ =	swait.ge [sflag:s15], $0x2710  }
0x22: {  	[sflag:s15] =	ssyncset.done $0x0  }
0x23: {  	[sflag:s15] =	ssyncadd.s32 $0xFFFFD8F0  }
0x24: {  	_ =	swait.ge [sflag:s16], $0x2710  }
0x25: {  	[sflag:s16] =	ssyncset.done $0x0  }
0x26: {  	[sflag:s16] =	ssyncadd.s32 $0xFFFFD8F0  }
0x27: {  	[bflag:$0x0] =	sbarrier.arrive $0xFFFF  }
0x28: {  	v0 =	vld [tilespmem:$0x16780]  }
0x29: {  	v1 =	vld [tilespmem:$0x16790]  }
0x2a: {  	v2 =	vld [tilespmem:$0x16798];
	_ =	sdelay $0x2  }
0x2b: {  	[tilespmem:$0x18F00] =	vst v0  }
0x2c: {  	[tilespmem:$0x18F10] =	vst v1  }
0x2d: {  	[tilespmem:$0x18F18] =	vst v2  }
0x2e: {  	[tilespmem:s18], [sflag:$0x1] =	stream.indirect.gather [hbm4b:s0+s17], $0x80, s8, s17, $0xb8;
	[tilespmem:$0x1F580] =	vst v63  }
0x2f: {  	v47 =	vld [tilespmem:$0x167A8]  }
0x30: {  	v48 =	vld [tilespmem:$0x167B8]  }
0x31: {  	v49 =	vld [tilespmem:$0x167C0];
	_ =	sdelay $0x2  }
0x32: {  	[tilespmem:$0x18F80] =	vst v47  }
0x33: {  	[tilespmem:$0x18F90] =	vst v48  }
0x34: {  	s8 =	simm.s32 $0x14028;
	[tilespmem:$0x18F98] =	vst v49  }
0x35: {  	[tilespmem:s20], [sflag:$0x2] =	stream.indirect.gather [hbm4b:s0+s17], $0x80, s8, s17, $0xb8;
	[tilespmem:$0x1F580] =	vst v63  }
0x36: {  	v50 =	vld [tilespmem:$0x167D0]  }
0x37: {  	v51 =	vld [tilespmem:$0x167E0]  }
0x38: {  	v52 =	vld [tilespmem:$0x167E8];
	_ =	sdelay $0x2  }
0x39: {  	[tilespmem:$0x19000] =	vst v50  }
0x3a: {  	[tilespmem:$0x19010] =	vst v51  }
0x3b: {  	s9 =	simm.s32 $0x14050;
	[tilespmem:$0x19018] =	vst v52  }
0x3c: {  	[tilespmem:s22], [sflag:$0x3] =	stream.indirect.gather [hbm4b:s0+s17], $0x80, s9, s17, $0xb8;
	[tilespmem:$0x1F580] =	vst v63  }
0x3d: {  	_ =	swait.ge [sflag:s14], $0x1400  }
0x3e: {  	[sflag:s14] =	ssyncset.done $0x0  }
0x3f: {  	[sflag:s14] =	ssyncadd.s32 $0xFFFFEC00  }
0x40: {  	[spmem:s3] =	stream.indirect.scatter.add.f32 [tilespmem:s18], [sflag:$0x6], $0x80, s23, s17, $0xb8;
	[tilespmem:$0x1F580] =	vst v63  }
0x41: {  	v53 =	vld [tilespmem:$0x167F8]  }
0x42: {  	v54 =	vld [tilespmem:$0x16808]  }
0x43: {  	v55 =	vld [tilespmem:$0x16810];
	_ =	sdelay $0x2  }
0x44: {  	[tilespmem:$0x19080] =	vst v53  }
0x45: {  	[tilespmem:$0x19090] =	vst v54  }
0x46: {  	s10 =	simm.s32 $0x14078;
	[tilespmem:$0x19098] =	vst v55  }
0x47: {  	[tilespmem:s25], [sflag:$0x4] =	stream.indirect.gather [hbm4b:s0+s17], $0x80, s10, s17, $0xb8;
	[tilespmem:$0x1F580] =	vst v63  }
0x48: {  	_ =	swait.ge [sflag:s15], $0x1400  }
0x49: {  	[sflag:s15] =	ssyncset.done $0x0  }
0x4a: {  	[sflag:s15] =	ssyncadd.s32 $0xFFFFEC00  }
0x4b: {  	[spmem:s3] =	stream.indirect.scatter.add.f32 [tilespmem:s20], [sflag:$0x7], $0x80, s26, s17, $0xb8;
	[tilespmem:$0x1F580] =	vst v63  }
0x4c: {  	v56 =	vld [tilespmem:$0x16820]  }
0x4d: {  	v57 =	vld [tilespmem:$0x16830]  }
0x4e: {  	v58 =	vld [tilespmem:$0x16838];
	_ =	sdelay $0x2  }
0x4f: {  	[tilespmem:$0x19100] =	vst v56  }
0x50: {  	[tilespmem:$0x19110] =	vst v57  }
0x51: {  	s8 =	simm.s32 $0x140A0;
	[tilespmem:$0x19118] =	vst v58  }
0x52: {  	[tilespmem:s29], [sflag:$0x5] =	stream.indirect.gather [hbm4b:s0+s17], $0x80, s8, s17, $0xb8;
	[tilespmem:$0x1F580] =	vst v63  }
0x53: {  	_ =	swait.ge [sflag:s16], $0x1400  }
0x54: {  	[sflag:s16] =	ssyncset.done $0x0  }
0x55: {  	[sflag:s16] =	ssyncadd.s32 $0xFFFFEC00  }
0x56: {  	[spmem:s3] =	stream.indirect.scatter.add.f32 [tilespmem:s22], [sflag:$0x8], $0x80, s30, s17, $0xb8;
	[tilespmem:$0x1F580] =	vst v63  }
0x57: {  	_ =	swait.ge [sflag:s31], $0x1400  }
0x58: {  	[sflag:s31] =	ssyncset.done $0x0  }
0x59: {  	s7 =	simm.s32 $0x0;
	[sflag:s31] =	ssyncadd.s32 $0xFFFFEC00  }
0x5a: {  	v59 =	vld [tilespmem:s7+$0x16848];
	_ =	sdelay $0x4  }
0x5b: {  	[tilespmem:$0x18F00] =	vst v59  }
0x5c: {  	v0 =	vld [tilespmem:s7+$0x16858];
	_ =	sdelay $0x4  }
0x5d: {  	[tilespmem:$0x18F10] =	vst v0  }
0x5e: {  	v0 =	vld [tilespmem:s7+$0x16860];
	_ =	sdelay $0x4  }
0x5f: {  	s9 =	simm.s32 $0x140C8;
	[tilespmem:$0x18F18] =	vst v0  }
0x60: {  	[tilespmem:s18], [sflag:$0x1] =	stream.indirect.gather [hbm4b:s0+s17], $0x80, s9, s17, $0xb8;
	[tilespmem:$0x1F580] =	vst v63  }
0x61: {  	_ =	swait.ge [sflag:s2], $0x1400  }
0x62: {  	[sflag:s2] =	ssyncset.done $0x0  }
0x63: {  	[sflag:s2] =	ssyncadd.s32 $0xFFFFEC00  }
0x64: {  	[spmem:s3] =	stream.indirect.scatter.add.f32 [tilespmem:s25], [sflag:$0x9], $0x80, s1, s17, $0xb8;
	[tilespmem:$0x1F580] =	vst v63  }
0x65: {  	_ =	swait.ge [sflag:s13], $0x1400  }
0x66: {  	[sflag:s13] =	ssyncset.done $0x0  }
0x67: {  	[sflag:s13] =	ssyncadd.s32 $0xFFFFEC00  }
0x68: {  	v60 =	vld [tilespmem:s7+$0x16870];
	_ =	sdelay $0x4  }
0x69: {  	s8 =	sand.u32 $0x3FF8, s4;
	[tilespmem:$0x18F80] =	vst v60  }
0x6a: {  	v0 =	vld [tilespmem:s8+$0x16880];
	_ =	sdelay $0x4  }
0x6b: {  	[tilespmem:$0x18F90] =	vst v0  }
0x6c: {  	v0 =	vld [tilespmem:s7+$0x16888];
	_ =	sdelay $0x4  }
0x6d: {  	s10 =	simm.s32 $0x140F0;
	[tilespmem:$0x18F98] =	vst v0  }
0x6e: {  	[tilespmem:s20], [sflag:$0x2] =	stream.indirect.gather [hbm4b:s0+s17], $0x80, s10, s17, $0xb8;
	[tilespmem:$0x1F580] =	vst v63  }
0x6f: {  	_ =	swait.ge [sflag:s19], $0x1400  }
0x70: {  	[sflag:s19] =	ssyncset.done $0x0  }
0x71: {  	[sflag:s19] =	ssyncadd.s32 $0xFFFFEC00  }
0x72: {  	[spmem:s3] =	stream.indirect.scatter.add.f32 [tilespmem:s29], [sflag:$0xA], $0x80, s21, s17, $0xb8;
	[tilespmem:$0x1F580] =	vst v63  }
0x73: {  	_ =	swait.ge [sflag:s24], $0x1400  }
0x74: {  	[sflag:s24] =	ssyncset.done $0x0  }
0x75: {  	[sflag:s24] =	ssyncadd.s32 $0xFFFFEC00  }
0x76: {  	v61 =	vld [tilespmem:s7+$0x16898];
	_ =	sdelay $0x4  }
0x77: {  	[tilespmem:$0x19000] =	vst v61  }
0x78: {  	v0 =	vld [tilespmem:s7+$0x168A8];
	_ =	sdelay $0x4  }
0x79: {  	[tilespmem:$0x19010] =	vst v0  }
0x7a: {  	v0 =	vld [tilespmem:s7+$0x168B0];
	_ =	sdelay $0x4  }
0x7b: {  	s4 =	simm.s32 $0x14118;
	[tilespmem:$0x19018] =	vst v0  }
0x7c: {  	[tilespmem:s22], [sflag:$0x3] =	stream.indirect.gather [hbm4b:s0+s17], $0x80, s4, s17, $0xb8;
	[tilespmem:$0x1F580] =	vst v63  }
0x7d: {  	_ =	swait.ge [sflag:s14], $0x1400  }
0x7e: {  	[sflag:s14] =	ssyncset.done $0x0  }
0x7f: {  	[sflag:s14] =	ssyncadd.s32 $0xFFFFEC00  }
0x80: {  	[spmem:s3] =	stream.indirect.scatter.add.f32 [tilespmem:s18], [sflag:$0x6], $0x80, s23, s17, $0xb8;
	[tilespmem:$0x1F580] =	vst v63  }
0x81: {  	_ =	swait.ge [sflag:s28], $0x1400  }
0x82: {  	[sflag:s28] =	ssyncset.done $0x0  }
0x83: {  	[sflag:s28] =	ssyncadd.s32 $0xFFFFEC00  }
0x84: {  	v62 =	vld [tilespmem:s7+$0x168C0];
	_ =	sdelay $0x4  }
0x85: {  	[tilespmem:$0x19080] =	vst v62  }
0x86: {  	v0 =	vld [tilespmem:s7+$0x168D0];
	_ =	sdelay $0x4  }
0x87: {  	[tilespmem:$0x19090] =	vst v0  }
0x88: {  	v0 =	vld [tilespmem:s7+$0x168D8];
	_ =	sdelay $0x4  }
0x89: {  	s10 =	simm.s32 $0x14140;
	[tilespmem:$0x19098] =	vst v0  }
0x8a: {  	[tilespmem:s25], [sflag:$0x4] =	stream.indirect.gather [hbm4b:s0+s17], $0x80, s10, s17, $0xb8;
	[tilespmem:$0x1F580] =	vst v63  }
0x8b: {  	_ =	swait.ge [sflag:s15], $0x1400  }
0x8c: {  	[sflag:s15] =	ssyncset.done $0x0  }
0x8d: {  	[sflag:s15] =	ssyncadd.s32 $0xFFFFEC00  }
0x8e: {  	[spmem:s3] =	stream.indirect.scatter.add.f32 [tilespmem:s20], [sflag:$0x7], $0x80, s26, s17, $0xb8;
	[tilespmem:$0x1F580] =	vst v63  }
0x8f: {  	_ =	swait.ge [sflag:s5], $0x1400  }
0x90: {  	[sflag:s5] =	ssyncset.done $0x0  }
0x91: {  	[sflag:s5] =	ssyncadd.s32 $0xFFFFEC00  }
0x92: {  	v63 =	vld [tilespmem:s7+$0x168E8];
	_ =	sdelay $0x4  }
0x93: {  	[tilespmem:$0x19100] =	vst v63  }
0x94: {  	v0 =	vld [tilespmem:s7+$0x168F8];
	_ =	sdelay $0x4  }
0x95: {  	[tilespmem:$0x19110] =	vst v0  }
0x96: {  	v0 =	vld [tilespmem:s8+$0x16900];
	_ =	sdelay $0x4  }
0x97: {  	s9 =	simm.s32 $0x14168;
	s7 =	simm.s32 $0x320;
	s8 =	simm.s32 $0xC8;
	[tilespmem:$0x19118] =	vst v0  }
.LBB2_2:
0x98: {  	[tilespmem:s29], [sflag:$0x5] =	stream.indirect.gather [hbm4b:s0+s17], $0x80, s9, s17, $0xb8;
	[tilespmem:$0x1F580] =	vst v63  }
0x99: {  	s9 =	smov.u32 s7  }
0x9a: {  	p0 =	sne.s32 s7, $0x9600;
	s7 =	sadd.s32 $0x320, s7;
	_ =	swait.ge [sflag:s16], $0x1400  }
0x9b: {  	[sflag:s16] =	ssyncset.done $0x0  }
0x9c: {  	[sflag:s16] =	ssyncadd.s32 $0xFFFFEC00  }
0x9d: {  	[spmem:s3] =	stream.indirect.scatter.add.f32 [tilespmem:s22], [sflag:$0x8], $0x80, s30, s17, $0xb8;
	[tilespmem:$0x1F580] =	vst v63  }
0x9e: {  	_ =	swait.ge [sflag:s31], $0x1400  }
0x9f: {  	[sflag:s31] =	ssyncset.done $0x0  }
0xa0: {  	s9 =	sshra.s32 s9, $0x2;
	[sflag:s31] =	ssyncadd.s32 $0xFFFFEC00  }
0xa1: {  	v0 =	vld [tilespmem:s9+$0x16848];
	_ =	sdelay $0x4  }
0xa2: {  	[tilespmem:$0x18F00] =	vst v0  }
0xa3: {  	v0 =	vld [tilespmem:s9+$0x16858];
	_ =	sdelay $0x4  }
0xa4: {  	[tilespmem:$0x18F10] =	vst v0  }
0xa5: {  	v0 =	vld [tilespmem:s9+$0x16860];
	_ =	sdelay $0x4  }
0xa6: {  	s10 =	sadd.s32 $0x140C8, s9;
	[tilespmem:$0x18F18] =	vst v0  }
0xa7: {  	[tilespmem:s18], [sflag:$0x1] =	stream.indirect.gather [hbm4b:s0+s17], $0x80, s10, s17, $0xb8;
	[tilespmem:$0x1F580] =	vst v63  }
0xa8: {  	_ =	swait.ge [sflag:s2], $0x1400  }
0xa9: {  	[sflag:s2] =	ssyncset.done $0x0  }
0xaa: {  	[sflag:s2] =	ssyncadd.s32 $0xFFFFEC00  }
0xab: {  	[spmem:s3] =	stream.indirect.scatter.add.f32 [tilespmem:s25], [sflag:$0x9], $0x80, s1, s17, $0xb8;
	[tilespmem:$0x1F580] =	vst v63  }
0xac: {  	_ =	swait.ge [sflag:s13], $0x1400  }
0xad: {  	[sflag:s13] =	ssyncset.done $0x0  }
0xae: {  	[sflag:s13] =	ssyncadd.s32 $0xFFFFEC00  }
0xaf: {  	v0 =	vld [tilespmem:s9+$0x16870];
	_ =	sdelay $0x4  }
0xb0: {  	s10 =	sand.u32 $0x3FF8, s8;
	[tilespmem:$0x18F80] =	vst v0  }
0xb1: {  	v0 =	vld [tilespmem:s10+$0x16880];
	_ =	sdelay $0x4  }
0xb2: {  	[tilespmem:$0x18F90] =	vst v0  }
0xb3: {  	v0 =	vld [tilespmem:s9+$0x16888];
	_ =	sdelay $0x4  }
0xb4: {  	s4 =	sadd.s32 $0x140F0, s9;
	[tilespmem:$0x18F98] =	vst v0  }
0xb5: {  	[tilespmem:s20], [sflag:$0x2] =	stream.indirect.gather [hbm4b:s0+s17], $0x80, s4, s17, $0xb8;
	[tilespmem:$0x1F580] =	vst v63  }
0xb6: {  	_ =	swait.ge [sflag:s19], $0x1400  }
0xb7: {  	[sflag:s19] =	ssyncset.done $0x0  }
0xb8: {  	[sflag:s19] =	ssyncadd.s32 $0xFFFFEC00  }
0xb9: {  	[spmem:s3] =	stream.indirect.scatter.add.f32 [tilespmem:s29], [sflag:$0xA], $0x80, s21, s17, $0xb8;
	[tilespmem:$0x1F580] =	vst v63  }
0xba: {  	_ =	swait.ge [sflag:s24], $0x1400  }
0xbb: {  	[sflag:s24] =	ssyncset.done $0x0  }
0xbc: {  	[sflag:s24] =	ssyncadd.s32 $0xFFFFEC00  }
0xbd: {  	v0 =	vld [tilespmem:s9+$0x16898];
	_ =	sdelay $0x4  }
0xbe: {  	[tilespmem:$0x19000] =	vst v0  }
0xbf: {  	v0 =	vld [tilespmem:s9+$0x168A8];
	_ =	sdelay $0x4  }
0xc0: {  	[tilespmem:$0x19010] =	vst v0  }
0xc1: {  	v0 =	vld [tilespmem:s9+$0x168B0];
	_ =	sdelay $0x4  }
0xc2: {  	s4 =	sadd.s32 $0x14118, s9;
	[tilespmem:$0x19018] =	vst v0  }
0xc3: {  	[tilespmem:s22], [sflag:$0x3] =	stream.indirect.gather [hbm4b:s0+s17], $0x80, s4, s17, $0xb8;
	[tilespmem:$0x1F580] =	vst v63  }
0xc4: {  	_ =	swait.ge [sflag:s14], $0x1400  }
0xc5: {  	[sflag:s14] =	ssyncset.done $0x0  }
0xc6: {  	[sflag:s14] =	ssyncadd.s32 $0xFFFFEC00  }
0xc7: {  	[spmem:s3] =	stream.indirect.scatter.add.f32 [tilespmem:s18], [sflag:$0x6], $0x80, s23, s17, $0xb8;
	[tilespmem:$0x1F580] =	vst v63  }
0xc8: {  	_ =	swait.ge [sflag:s28], $0x1400  }
0xc9: {  	[sflag:s28] =	ssyncset.done $0x0  }
0xca: {  	[sflag:s28] =	ssyncadd.s32 $0xFFFFEC00  }
0xcb: {  	v0 =	vld [tilespmem:s9+$0x168C0];
	_ =	sdelay $0x4  }
0xcc: {  	[tilespmem:$0x19080] =	vst v0  }
0xcd: {  	v0 =	vld [tilespmem:s9+$0x168D0];
	_ =	sdelay $0x4  }
0xce: {  	[tilespmem:$0x19090] =	vst v0  }
0xcf: {  	v0 =	vld [tilespmem:s9+$0x168D8];
	_ =	sdelay $0x4  }
0xd0: {  	s4 =	sadd.s32 $0x14140, s9;
	[tilespmem:$0x19098] =	vst v0  }
0xd1: {  	[tilespmem:s25], [sflag:$0x4] =	stream.indirect.gather [hbm4b:s0+s17], $0x80, s4, s17, $0xb8;
	[tilespmem:$0x1F580] =	vst v63  }
0xd2: {  	_ =	swait.ge [sflag:s15], $0x1400  }
0xd3: {  	[sflag:s15] =	ssyncset.done $0x0  }
0xd4: {  	[sflag:s15] =	ssyncadd.s32 $0xFFFFEC00  }
0xd5: {  	[spmem:s3] =	stream.indirect.scatter.add.f32 [tilespmem:s20], [sflag:$0x7], $0x80, s26, s17, $0xb8;
	[tilespmem:$0x1F580] =	vst v63  }
0xd6: {  	_ =	swait.ge [sflag:s5], $0x1400  }
0xd7: {  	[sflag:s5] =	ssyncset.done $0x0  }
0xd8: {  	[sflag:s5] =	ssyncadd.s32 $0xFFFFEC00  }
0xd9: {  	v0 =	vld [tilespmem:s9+$0x168E8];
	_ =	sdelay $0x4  }
0xda: {  	[tilespmem:$0x19100] =	vst v0  }
0xdb: {  	v0 =	vld [tilespmem:s9+$0x168F8];
	_ =	sdelay $0x4  }
0xdc: {  	[tilespmem:$0x19110] =	vst v0  }
0xdd: {  	v0 =	vld [tilespmem:s10+$0x16900]  }
.Ltmp0:
0xde: {  	(pc) =	sbr.rel @p0 .LBB2_2-.Ltmp0, $2  }
0xdf: {  	_ =	sdelay $0x2  }
0xe0: {  	s8 =	sadd.s32 $0xC8, s8;
	s9 =	sadd.s32 $0x14168, s9;
	[tilespmem:$0x19118] =	vst v0  }
0xe1: {  	[tilespmem:s29], [sflag:$0x5] =	stream.indirect.gather [hbm4b:s0+s17], $0x80, s9, s17, $0xb8;
	[tilespmem:$0x1F580] =	vst v63  }
0xe2: {  	_ =	swait.ge [sflag:s16], $0x1400  }
0xe3: {  	[sflag:s16] =	ssyncset.done $0x0  }
0xe4: {  	[sflag:s16] =	ssyncadd.s32 $0xFFFFEC00  }
0xe5: {  	[spmem:s3] =	stream.indirect.scatter.add.f32 [tilespmem:s22], [sflag:$0x8], $0x80, s30, s17, $0xb8;
	[tilespmem:$0x1F580] =	vst v63  }
0xe6: {  	_ =	swait.ge [sflag:s31], $0x1400  }
0xe7: {  	[sflag:s31] =	ssyncset.done $0x0  }
0xe8: {  	[sflag:s31] =	ssyncadd.s32 $0xFFFFEC00  }
0xe9: {  	_ =	swait.ge [sflag:s2], $0x1400  }
0xea: {  	[sflag:s2] =	ssyncset.done $0x0  }
0xeb: {  	[sflag:s2] =	ssyncadd.s32 $0xFFFFEC00  }
0xec: {  	[spmem:s3] =	stream.indirect.scatter.add.f32 [tilespmem:s25], [sflag:$0x9], $0x80, s1, s17, $0xb8;
	[tilespmem:$0x1F580] =	vst v63  }
0xed: {  	_ =	swait.ge [sflag:s13], $0x1400  }
0xee: {  	[sflag:s13] =	ssyncset.done $0x0  }
0xef: {  	[sflag:s13] =	ssyncadd.s32 $0xFFFFEC00  }
0xf0: {  	_ =	swait.ge [sflag:s19], $0x1400  }
0xf1: {  	[sflag:s19] =	ssyncset.done $0x0  }
0xf2: {  	[sflag:s19] =	ssyncadd.s32 $0xFFFFEC00  }
0xf3: {  	[spmem:s3] =	stream.indirect.scatter.add.f32 [tilespmem:s29], [sflag:$0xA], $0x80, s21, s17, $0xb8;
	[tilespmem:$0x1F580] =	vst v63  }
0xf4: {  	_ =	swait.ge [sflag:s24], $0x1400  }
0xf5: {  	[sflag:s24] =	ssyncset.done $0x0  }
0xf6: {  	[sflag:s24] =	ssyncadd.s32 $0xFFFFEC00  }
0xf7: {  	_ =	swait.ge [sflag:s28], $0x1400  }
0xf8: {  	[sflag:s28] =	ssyncset.done $0x0  }
0xf9: {  	[sflag:s28] =	ssyncadd.s32 $0xFFFFEC00  }
0xfa: {  	_ =	swait.ge [sflag:s5], $0x1400  }
0xfb: {  	[sflag:s5] =	ssyncset.done $0x0  }
0xfc: {  	[sflag:s5] =	ssyncadd.s32 $0xFFFFEC00  }
0xfd: {  	[bflag:$0x0] =	sbarrier.arrive $0xFFFF  }
0xfe: {  	s4 =	rddreg [dreg:$0x8]  }
0xff: {  	[hbm:s4], [sflag:s6] =	dma.local [spmem:s11], $0x2800  }
0x100: {  	_ =	swait.ge [sflag:s14], $0x2800  }
0x101: {  	s12 =	sadd.s32 $0x1, s12;
	s10 =	rddreg [dreg:$0x9]  }
0x102: {  	p0 =	sne.s32 s12, s10  }
.Ltmp1:
0x103: {  	_ = 	snop;
	(pc) =	sbr.rel @p0 .LBB2_1-.Ltmp1, $3  }
0x104: {  	_ =	sdelay $0x1  }
0x105: {  	[sflag:s14] =	ssyncset.done $0x0  }
0x106: {  	[sflag:s14] =	ssyncadd.s32 $0xFFFFD800  }
0x107: {  	_ =	sfence.sel $0x180000  }
0x108: {  	[bflag:$0x0] =	sbarrier.arrive $0xFFFF  }
0x109: {  	_ =	strace $0x9000004A  }
0x10a: {  	s0 =	stileid.u32;
	[bflag:$0x2] =	sbarrier.arrive $0xFFFF  }
0x10b: {  	p0 =	sne.s32 s0, $0x0;
	s0 =	rddreg [dreg:$0x4]  }
0x10c: {  	s0 =	sadd.s32 @!p0 $0x100000, s0  }
0x10d: {  	[sflag:s0] =	ssyncadd.tile.s32 @!p0 $0x1;
	_ =	shalt  }
.Lfunc_end2:
_tile_overlayer_lowered:
.L_overlay_start_2:
0x10e: {  	(tag) =	ssettag $0x2  }
0x10f: {  	s0 =	rddreg [dreg:$0x0];
	s2 =	stileid.u32  }
0x110: {  	s1 =	rddreg [dreg:$0x1];
	p0 =	sne.s32 s2, $0x0  }
0x111: {  	s3 =	rddreg [dreg:$0x2];
	[bflag:$0x3] =	sbarrier.arrive $0xFFFF;
	s2 =	simm.s32 @!p0 $0x1C0B  }
0x112: {  	[timem:s3], [sflag:s2] =	dma.local @!p0 [hbm:s0], s1  }
0x113: {  	s0 =	simm.s32 @!p0 $0xB  }
0x114: {  	_ =	swait.ge @!p0 [sflag:s0], s1  }
0x115: {  	s1 =	ssub.s32 @!p0 $0x0, s1;
	[sflag:s0] =	ssyncset.done @!p0 $0x0  }
0x116: {  	[sflag:s0] =	ssyncadd.s32 @!p0 s1  }
0x117: {  	[bflag:$0x3] =	sbarrier.arrive $0xFFFF  }
0x118: {  	_ =	shalt  }

// kernel: kernel.7.cloned.1.call-start
scs
__scs_entry_jumppad:
0x0: {  	(pc) =	sbr.rel $0x88, $3  }
0x1: {  	(tag) =	ssettag $0x0;
	lr =	simm.s32 $0x1  }
0x2: {  	[smem:$0x3F8D] =	sst lr;
	_ =	strace $0xD0000000  }
0x3: {  	_ = 	snop  }
0x4: {  	_ = 	snop  }
0x5: {  	_ = 	snop  }
0x6: {  	_ = 	snop  }
0x7: {  	_ = 	snop  }
__scs_overlays_trampoline_lowered:
0x8: {  	[smem:$0x3F9C] =	sst s0  }
0x9: {  	[smem:$0x3F9D] =	sst s1  }
0xa: {  	[smem:$0x3F9E] =	sst s2  }
0xb: {  	[smem:$0x3F9F] =	sst s3  }
0xc: {  	[smem:$0x3FA0] =	sst s4  }
0xd: {  	[smem:$0x3FA1] =	sst s5  }
0xe: {  	[smem:$0x3FA2] =	sst s6  }
0xf: {  	[smem:$0x3FA3] =	sst s7  }
0x10: {  	[smem:$0x3FA4] =	sst s8  }
0x11: {  	[smem:$0x3FA5] =	sst s9;
	s0 =	simm.s32 @!p0 $0x0  }
0x12: {  	s1 =	sld [smem:$0x3F8B];
	s0 =	simm.s32 @p0 $0x1  }
0x13: {  	[smem:$0x3FA6] =	sst s0;
	s0 =	simm.s32 @!p1 $0x0  }
0x14: {  	s2 =	sld [smem:$0x3F8A];
	s0 =	simm.s32 @p1 $0x1  }
0x15: {  	[smem:$0x3FA7] =	sst s0;
	s0 =	simm.s32 @!p2 $0x0  }
0x16: {  	s3 =	sld [smem:$0x3FDB];
	s0 =	simm.s32 @p2 $0x1  }
0x17: {  	s4 =	simm.s32 $0x1BF5;
	[smem:$0x3FA9] =	sst s0  }
0x18: {  	s0 =	sld [smem:$0x3F8C];
	_ =	swait.ge [sflag:s4], $0x0  }
0x19: {  	s7 =	sld [smem:$0x3F8D]  }
0x1a: {  	s8 =	sadd.s32 $0xFFFFE003, lr  }
0x1b: {  	s9 =	sadd.s32 $0xFFFFFEF7, lr;
	s5 =	simm.s32 $0xFFFFFFFF;
	p2 =	slt.u32 s8, $0xFFFFF086  }
0x1c: {  	p1 =	slt.u32 s9, $0xF7A;
	s5 =	simm.s32 @!p2 $0x0  }
0x1d: {  	s5 =	simm.s32 @p1 $0x1;
	p0 =	seq.s32 s7, s2  }
0x1e: {  	s7 =	smul.u32 @!p0 $0xF7A, s2;
	p2 =	seq.s32 @!p0 s5, $0x0  }
0x1f: {  	s9 =	smul.u32 $0xF7A, s1;
	s8 =	simm.s32 @!p0 $0x1BF5;
	p2 =	por !p2, p0  }
0x20: {  	[sflag:s8] =	ssyncset.s32 @!p0 $0xFFFFF086;
	s6 =	sadd.s32 @!p0 s3, s7;
	s7 =	simm.s32 @!p0 $0x108  }
0x21: {  	s3 =	sadd.s32 s3, s9;
	s6 =	sadd.s32 @!p0 $0x88, s6;
	s7 =	simm.s32 @p2 $0x1082  }
0x22: {  	[simem:s7], [sflag:s8] =	dma.local @!p0 [hbm:s6], $0xF7A  }
0x23: {  	s9 =	sor.u32 $0xD0000000, s2;
	s6 =	simm.s32 $0x108;
	_ =	swait.ge @!p0 [sflag:s8], $0x0  }
0x24: {  	s3 =	sadd.s32 $0x88, s3;
	s6 =	simm.s32 @!p1 $0x1082;
	[sflag:s4] =	ssyncset.s32 $0xFFFFF086  }
0x25: {  	[simem:s6], [sflag:s4] =	dma.local [hbm:s3], $0xF7A  }
0x26: {  	[smem:$0x3F8D] =	sst s1;
	(tag) =	ssettag s2;
	_ =	strace s9  }
0x27: {  	s1 =	sld [smem:$0x3F9D]  }
0x28: {  	s2 =	sld [smem:$0x3F9E]  }
0x29: {  	s4 =	sld [smem:$0x3FA0]  }
0x2a: {  	p0 =	seq.s32 s5, $0x0;
	s5 =	sld [smem:$0x3FA1]  }
0x2b: {  	s6 =	sld [smem:$0x3FA2]  }
0x2c: {  	s7 =	sld [smem:$0x3FA3]  }
0x2d: {  	s3 =	simm.s32 $0x108;
	s8 =	sld [smem:$0x3FA4]  }
0x2e: {  	s3 =	simm.s32 @!p0 $0x1082;
	s9 =	sld [smem:$0x3FA5]  }
0x2f: {  	lr =	sadd.s32 s0, s3;
	s0 =	sld [smem:$0x3F9C]  }
0x30: {  	s3 =	sld [smem:$0x3F9F]  }
0x31: {  	[smem:$0x3FA8] =	sst s10  }
0x32: {  	s10 =	sld [smem:$0x3FA6];
	_ =	sdelay $0x3  }
0x33: {  	p0 =	seq.s32 s10, $0x1;
	s10 =	sld [smem:$0x3FA8];
	_ =	sdelay $0x3  }
0x34: {  	[smem:$0x3FA8] =	sst s10  }
0x35: {  	s10 =	sld [smem:$0x3FA7];
	_ =	sdelay $0x3  }
0x36: {  	p1 =	seq.s32 s10, $0x1;
	s10 =	sld [smem:$0x3FA8];
	_ =	sdelay $0x3  }
0x37: {  	[smem:$0x3FA8] =	sst s10  }
0x38: {  	s10 =	sld [smem:$0x3FA9]  }
0x39: {  	_ = 	snop;
	(pc) =	sbr.ind lr, $3  }
0x3a: {  	_ = 	snop  }
0x3b: {  	_ = 	snop  }
0x3c: {  	p2 =	seq.s32 s10, $0x1;
	s10 =	sld [smem:$0x3FA8]  }
0x3d: {  	_ =	shalt  }
0x3e: {  	_ =	shalt  }
0x3f: {  	_ =	shalt  }
0x40: {  	_ =	shalt  }
0x41: {  	_ =	shalt  }
0x42: {  	_ =	shalt  }
0x43: {  	_ =	shalt  }
0x44: {  	_ =	shalt  }
0x45: {  	_ =	shalt  }
0x46: {  	_ =	shalt  }
0x47: {  	_ =	shalt  }
0x48: {  	_ =	shalt  }
0x49: {  	_ =	shalt  }
0x4a: {  	_ =	shalt  }
0x4b: {  	_ =	shalt  }
0x4c: {  	_ =	shalt  }
0x4d: {  	_ =	shalt  }
0x4e: {  	_ =	shalt  }
0x4f: {  	_ =	shalt  }
0x50: {  	_ =	shalt  }
0x51: {  	_ =	shalt  }
0x52: {  	_ =	shalt  }
0x53: {  	_ =	shalt  }
0x54: {  	_ =	shalt  }
0x55: {  	_ =	shalt  }
0x56: {  	_ =	shalt  }
0x57: {  	_ =	shalt  }
0x58: {  	_ =	shalt  }
0x59: {  	_ =	shalt  }
0x5a: {  	_ =	shalt  }
0x5b: {  	_ =	shalt  }
0x5c: {  	_ =	shalt  }
0x5d: {  	_ =	shalt  }
0x5e: {  	_ =	shalt  }
0x5f: {  	_ =	shalt  }
0x60: {  	_ =	shalt  }
0x61: {  	_ =	shalt  }
0x62: {  	_ =	shalt  }
0x63: {  	_ =	shalt  }
0x64: {  	_ =	shalt  }
0x65: {  	_ =	shalt  }
0x66: {  	_ =	shalt  }
0x67: {  	_ =	shalt  }
0x68: {  	_ =	shalt  }
0x69: {  	_ =	shalt  }
0x6a: {  	_ =	shalt  }
0x6b: {  	_ =	shalt  }
0x6c: {  	_ =	shalt  }
0x6d: {  	_ =	shalt  }
0x6e: {  	_ =	shalt  }
0x6f: {  	_ =	shalt  }
0x70: {  	_ =	shalt  }
0x71: {  	_ =	shalt  }
0x72: {  	_ =	shalt  }
0x73: {  	_ =	shalt  }
0x74: {  	_ =	shalt  }
0x75: {  	_ =	shalt  }
0x76: {  	_ =	shalt  }
0x77: {  	_ =	shalt  }
0x78: {  	_ =	shalt  }
0x79: {  	_ =	shalt  }
0x7a: {  	_ =	shalt  }
0x7b: {  	_ =	shalt  }
0x7c: {  	_ =	shalt  }
0x7d: {  	_ =	shalt  }
0x7e: {  	_ =	shalt  }
0x7f: {  	_ =	shalt  }
0x80: {  	_ =	shalt  }
0x81: {  	_ =	shalt  }
0x82: {  	_ =	shalt  }
0x83: {  	_ =	shalt  }
0x84: {  	_ =	shalt  }
0x85: {  	_ =	shalt  }
0x86: {  	_ =	shalt  }
0x87: {  	_ =	shalt  }
.Lfunc_end0:
.L_simem_size_0:
called_computation_lowered:
.L_overlay_start_0:
0x88: {  	s2 =	sld [smem:$0x3FD9]  }
0x89: {  	s3 =	sld [smem:$0x3FFE];
	_ =	sdelay $0x1  }
0x8a: {  	s1 =	srdreg.scid  }
0x8b: {  	s0 =	sand.u32 $0x1, s1  }
0x8c: {  	s14 =	sshll.u32 s0, $0xA;
	s2 =	sadd.s32 s3, s2  }
0x8d: {  	s2 =	sadd.s32 s2, s14  }
0x8e: {  	[smem:$0x3FB4] =	sst s2  }
0x8f: {  	_ = 	snop  }
0x90: {  	s2 =	sld [smem:$0x3FD0];
	_ =	sdelay $0x2  }
0x91: {  	s15 =	simm.s32 $0xA;
	s4 =	simm.s32 $0x10  }
0x92: {  	[smem:s4], [sflag:s15] =	dma.local [hbm:s2], $0x1  }
0x93: {  	_ =	swait.eq [sflag:s15], $0x1  }
0x94: {  	[sflag:s15] =	ssyncset.done $0x0  }
0x95: {  	s16 =	sld [smem:$0x10];
	[sflag:s15] =	ssyncadd.s32 $0xFFFFFFFF  }
0x96: {  	s17 =	sld [smem:$0x11];
	(tm) =	ssettm $0x1  }
0x97: {  	s18 =	sld [smem:$0x3FFB];
	_ =	sdelay $0x3  }
0x98: {  	_ =	strace s18  }
0x99: {  	s4 =	sld [smem:$0x3FFC];
	_ =	sdelay $0x3  }
0x9a: {  	_ =	strace s4  }
0x9b: {  	s4 =	sld [smem:$0x3FFD];
	_ =	sdelay $0x3  }
0x9c: {  	_ =	strace s4  }
0x9d: {  	_ =	strace $0x8FFFFFFF  }
0x9e: {  	s19 =	sld [smem:$0x3FDB];
	_ =	sdelay $0x1  }
0x9f: {  	s5 =	simm.s32 $_scs_section_size  }
0xa0: {  	s6 =	simm.s32 $_size__tile_overlayer_lowered;
	s7 =	simm.s32 $_tile_overlayer_lowered  }
0xa1: {  	s22 =	simm.s32 $0x1BFF;
	s21 =	sshll.u32 s7, $0x1;
	s4 =	sadd.s32 s5, s19  }
0xa2: {  	s8 =	simm.s32 $0x0;
	s20 =	sshll.u32 s6, $0x1;
	s6 =	sadd.s32 s21, s4  }
0xa3: {  	[timem:s8], [sflag:s22] =	dma.local [hbm:s6], s20  }
0xa4: {  	_ =	swait.ge [sflag:s22], s20  }
0xa5: {  	s5 =	ssub.s32 $0x0, s20;
	[sflag:s22] =	ssyncset.done $0x0  }
0xa6: {  	[sflag:s22] =	ssyncadd.s32 s5;
	_ =	sdelay $0x1  }
0xa7: {  	s23 =	simm.s32 $0x1B8B  }
0xa8: {  	_ =	swait.ge [sflag:s23], $0x1  }
0xa9: {  	[sflag:s23] =	ssyncset.done $0x0  }
0xaa: {  	s25 =	simm.s32 $0x1B8E;
	s24 =	sld [smem:$0x3FFE];
	[sflag:s23] =	ssyncadd.s32 $0xFFFFFFFF  }
0xab: {  	s26 =	simm.s32 $execute0_lowered;
	[smem:$0x3FD2] =	sst s25  }
0xac: {  	s6 =	sshll.u32 s26, $0x1;
	_ =	strace $0x80000046;
	[dreg:$0x1] =	wrdreg $0xFFFFFFFF  }
0xad: {  	s28 =	simm.s32 $_size_execute0_lowered;
	s4 =	sadd.s32 s4, s6;
	[dreg:$0x0] =	wrdreg $0x0  }
0xae: {  	s6 =	sshll.u32 s28, $0x1;
	[dreg:$0x2] =	wrdreg s4  }
0xaf: {  	[dreg:$0x3] =	wrdreg s6  }
0xb0: {  	[dreg:$0x4] =	wrdreg $0xC0  }
0xb1: {  	_ =	task [dreg:s8], $0x5FFFF  }
0xb2: {  	[dreg:$0x1] =	wrdreg $0xFFFFFFFF  }
0xb3: {  	[dreg:$0x0] =	wrdreg $0x60  }
0xb4: {  	[dreg:$0x2] =	wrdreg s17  }
0xb5: {  	[dreg:$0x3] =	wrdreg s24  }
0xb6: {  	[dreg:$0x4] =	wrdreg s16  }
0xb7: {  	[dreg:$0x5] =	wrdreg $0x0  }
0xb8: {  	[dreg:$0x6] =	wrdreg $0x140000  }
0xb9: {  	[dreg:$0x7] =	wrdreg $0x9  }
0xba: {  	_ =	task.clear_ibuf [dreg:s8], $0x8FFFF;
	_ =	strace $0x90000046  }
0xbb: {  	s29 =	simm.s32 $0x9;
	_ =	strace $0x80000048  }
0xbc: {  	_ =	swait.ge [sflag:s29], $0x1  }
0xbd: {  	[sflag:s29] =	ssyncadd.s32 $0xFFFFFFFF  }
0xbe: {  	_ =	strace $0x90000048  }
0xbf: {  	_ =	sfence  }
0xc0: {  	s30 =	sld [smem:$0x0];
	_ =	sdelay $0x2  }
0xc1: {  	s31 =	sshll.u32 s1, $0xD;
	s1 =	sshrl.u32 s1, $0x2  }
0xc2: {  	s3 =	sand.u32 $0x4000, s31;
	s1 =	sadd.s32 s1, s30  }
0xc3: {  	s0 =	sor.u32 s3, s0;
	s1 =	sshll.u32 s1, $0x11  }
0xc4: {  	s0 =	sor.u32 s1, s0  }
0xc5: {  	s0 =	sadd.s32 $0x8F2B, s0  }
0xc6: {  	[sflag:s0] =	ssyncadd.remote.s32 $0x1  }
0xc7: {  	_ =	sfence.sel $0xFFFF  }
0xc8: {  	[dreg:$0x0] =	wrdreg $0xFFFFFFFF;
	(pc) =	sbr.abs _section_cstart, $3  }
0xc9: {  	[dreg:$0x1] =	wrdreg $0xFFFFFFFF  }
0xca: {  	_ =	task.clear_ibuf [dreg:s8], $0x2FFFF;
	_ =	strace $0x9FFFFFFF  }
0xcb: {  	(tm) =	ssettm $0x7FFFFFFF  }
tec
execute0_lowered:
.L_overlay_start_1:
0x0: {  	(tag) =	ssettag $0x1  }
0x1: {  	s0 =	rddreg [dreg:$0x0]  }
0x2: {  	s1 =	rddreg [dreg:$0x1]  }
0x3: {  	s2 =	rddreg [dreg:$0x2]  }
0x4: {  	s3 =	rddreg [dreg:$0x3]  }
0x5: {  	s5 =	srdreg.scid;
	s14 =	stileid.u32  }
0x6: {  	s4 =	rddreg [dreg:$0x4];
	s7 =	smul.u32 $0x2710, s14  }
0x7: {  	s8 =	simm.s32 $0x0;
	s28 =	simm.s32 $0x1A880;
	s25 =	smul.u32 $0x14000, s14  }
0x8: {  	s30 =	simm.s32 $0x1BC80;
	s31 =	simm.s32 $0x19200;
	s26 =	smul.u32 $0x280, s14  }
0x9: {  	s29 =	simm.s32 $0x19280;
	s5 =	sand.u32 $0x1, s5;
	s12 =	smul.u32 $0x500, s14  }
0xa: {  	[smem:$0x7FF] =	sst s8;
	s17 =	smul.u32 $0x50000, s14;
	s20 =	sshll.u32 s14, $0x6  }
0xb: {  	s14 =	simm.s32 $0x9;
	s6 =	smul.u32 $0x27100, s5;
	_ =	strace $0x80000047  }
0xc: {  	s10 =	smul.u32 $0x140000, s5;
	s16 =	sshll.u32 s5, $0x7;
	s5 =	ssub.s32 $0x2, s5  }
0xd: {  	s15 =	sor.u32 $0x1C01, s20;
	[dreg:$0x6] =	wrdreg s20;
	s9 =	sshrl.u32 s25, $0x3  }
0xe: {  	s13 =	sshrl.u32 s26, $0x3;
	s18 =	sshrl.u32 s5, $0x1;
	s19 =	sshrl.u32 s17, $0x2  }
0xf: {  	s22 =	sadd.s32 s26, s4;
	s26 =	sor.u32 $0x1C06, s20;
	s20 =	simm.s32 $0x1  }
0x10: {  	s17 =	simm.s32 $0x1E480;
	[dreg:$0x8] =	wrdreg s15;
	s6 =	sadd.s32 s7, s6  }
0x11: {  	s9 =	sadd.s32 s9, s1;
	s8 =	sadd.s32 s25, s10;
	s13 =	sadd.s32 s13, s1  }
0x12: {  	s10 =	sor.u32 s16, s12;
	s5 =	ssub.s32 s5, s18;
	[dreg:$0x10] =	wrdreg s26  }
0x13: {  	s26 =	simm.s32 $0x1D080;
	s7 =	simm.s32 $0x19300;
	s16 =	simm.s32 $0x4  }
0x14: {  	s12 =	simm.s32 $0x19400;
	s18 =	simm.s32 $0xA;
	s6 =	sshrl.u32 s6, $0x3  }
0x15: {  	s8 =	sshrl.u32 s8, $0x3;
	s10 =	sshrl.u32 s10, $0x3;
	s9 =	sadd.s32 $0xDA00, s9  }
0x16: {  	s23 =	sadd.s32 $0xD400, s13;
	s25 =	smax.u32 s5, $0x1;
	s13 =	simm.s32 $0x8  }
0x17: {  	s11 =	sadd.s32 s6, s1;
	s8 =	sadd.s32 s8, s1;
	[dreg:$0x7] =	wrdreg s9  }
0x18: {  	s1 =	sadd.s32 s10, s1;
	s10 =	sadd.s32 s19, s3;
	[dreg:$0xb] =	wrdreg s23  }
0x19: {  	s2 =	sadd.s32 s2, s6;
	[dreg:$0xe] =	wrdreg s25;
	s19 =	sshrl.u32 s22, $0x3  }
0x1a: {  	s22 =	simm.s32 $0x3;
	s23 =	simm.s32 $0x6;
	s25 =	simm.s32 $0x19480  }
0x1b: {  	s9 =	simm.s32 $0x19380;
	s6 =	simm.s32 $0x0;
	[dreg:$0xa] =	wrdreg s2  }
0x1c: {  	s21 =	sadd.s32 $0x3600, s11;
	s24 =	sadd.s32 $0x36400, s8;
	[dreg:$0x11] =	wrdreg s19  }
0x1d: {  	s1 =	sadd.s32 $0x35A00, s1;
	s8 =	sshrl.u32 s10, $0x3;
	[dreg:$0x9] =	wrdreg s21  }
0x1e: {  	s2 =	simm.s32 $0xB;
	s10 =	simm.s32 $0x7;
	[dreg:$0xc] =	wrdreg s24  }
0x1f: {  	s11 =	simm.s32 $0x5;
	[dreg:$0xd] =	wrdreg s1;
	s21 =	simm.s32 $0x2  }
0x20: {  	v0 =	vimm.f32 $1.000000000e+00;
	s24 =	simm.s32 $0x28;
	s1 =	simm.s32 $0x19180;
	[dreg:$0xf] =	wrdreg s8  }
.LBB2_1:
0x21: {  	[dreg:$0x12] =	wrdreg s6  }
0x22: {  	s5 =	rddreg [dreg:$0x7]  }
0x23: {  	[spmem:s8], [sflag:s15] =	dma.local [hbm:s5], $0x2800  }
0x24: {  	s6 =	simm.s32 $0x0;
	s8 =	simm.s32 $0x14280;
	s5 =	rddreg [dreg:$0x9]  }
0x25: {  	[tilespmem:s8], [sflag:$0x2] =	stream.linear.gather [hbm4b:s5+s6], $0x2710, $0x38;
	[tilespmem:$0x1F880] =	vst v63  }
0x26: {  	s15 =	simm.s32 $0x16A00;
	s5 =	rddreg [dreg:$0xa]  }
0x27: {  	[tilespmem:s15], [sflag:$0x3] =	stream.linear.gather [hbm4b:s5+s6], $0x2710, $0x38;
	[tilespmem:$0x1F880] =	vst v63  }
0x28: {  	s5 =	rddreg [dreg:$0xb]  }
0x29: {  	s15 =	rddreg [dreg:$0x10]  }
0x2a: {  	[spmem:s19], [sflag:s15] =	dma.local [hbm:s5], $0x50;
	[tilespmem:$0x19180] =	vst v0  }
0x2b: {  	[tilespmem:$0x19190] =	vst v0  }
0x2c: {  	[tilespmem:$0x19198] =	vst v0  }
0x2d: {  	_ =	swait.ge [sflag:s20], $0x2800  }
0x2e: {  	[sflag:s20] =	ssyncset.done $0x0  }
0x2f: {  	[sflag:s20] =	ssyncadd.s32 $0xFFFFD800  }
0x30: {  	_ =	swait.ge [sflag:s21], $0x2710  }
0x31: {  	[sflag:s21] =	ssyncset.done $0x0  }
0x32: {  	[sflag:s21] =	ssyncadd.s32 $0xFFFFD8F0  }
0x33: {  	_ =	swait.ge [sflag:s22], $0x2710  }
0x34: {  	[sflag:s22] =	ssyncset.done $0x0  }
0x35: {  	[sflag:s22] =	ssyncadd.s32 $0xFFFFD8F0  }
0x36: {  	_ =	swait.ge [sflag:s23], $0x50  }
0x37: {  	[sflag:s23] =	ssyncset.done $0x0  }
0x38: {  	[sflag:s23] =	ssyncadd.s32 $0xFFFFFFB0  }
0x39: {  	[bflag:$0x0] =	sbarrier.arrive $0xFFFF  }
0x3a: {  	v1 =	vld [tilespmem:$0x16A00]  }
0x3b: {  	v2 =	vld [tilespmem:$0x16A10]  }
0x3c: {  	v3 =	vld [tilespmem:$0x16A18];
	_ =	sdelay $0x2  }
0x3d: {  	[tilespmem:$0x19200] =	vst v1  }
0x3e: {  	[tilespmem:$0x19210] =	vst v2  }
0x3f: {  	[tilespmem:$0x19218] =	vst v3  }
0x40: {  	[tilespmem:s25], [sflag:$0x1] =	stream.indirect.gather [hbm4b:s0+s24], $0x80, s8, s24, $0xb8;
	[tilespmem:$0x1F880] =	vst v63  }
0x41: {  	v1 =	vld [tilespmem:$0x16A28]  }
0x42: {  	v2 =	vld [tilespmem:$0x16A38]  }
0x43: {  	v3 =	vld [tilespmem:$0x16A40];
	_ =	sdelay $0x2  }
0x44: {  	[tilespmem:$0x19280] =	vst v1  }
0x45: {  	[tilespmem:$0x19290] =	vst v2  }
0x46: {  	s8 =	simm.s32 $0x142A8;
	[tilespmem:$0x19298] =	vst v3  }
0x47: {  	[tilespmem:s28], [sflag:$0x2] =	stream.indirect.gather [hbm4b:s0+s24], $0x80, s8, s24, $0xb8;
	[tilespmem:$0x1F880] =	vst v63  }
0x48: {  	v1 =	vld [tilespmem:$0x16A50]  }
0x49: {  	v2 =	vld [tilespmem:$0x16A60]  }
0x4a: {  	v3 =	vld [tilespmem:$0x16A68];
	_ =	sdelay $0x2  }
0x4b: {  	[tilespmem:$0x19300] =	vst v1  }
0x4c: {  	[tilespmem:$0x19310] =	vst v2  }
0x4d: {  	s15 =	simm.s32 $0x142D0;
	[tilespmem:$0x19318] =	vst v3  }
0x4e: {  	[tilespmem:s30], [sflag:$0x3] =	stream.indirect.gather [hbm4b:s0+s24], $0x80, s15, s24, $0xb8;
	[tilespmem:$0x1F880] =	vst v63  }
0x4f: {  	_ =	swait.ge [sflag:s20], $0x1400  }
0x50: {  	[sflag:s20] =	ssyncset.done $0x0  }
0x51: {  	[sflag:s20] =	ssyncadd.s32 $0xFFFFEC00  }
0x52: {  	[spmem:s3] =	stream.indirect.scatter.add.f32 [tilespmem:s25], [sflag:$0x6], $0x80, s31, s24, $0xb8;
	[tilespmem:$0x1F880] =	vst v63  }
0x53: {  	_ = 	snop  }
0x54: {  	[spmem:s4] =	stream.indirect.scatter.add.f32 [tilespmem:s1], [sflag:$0xB], $0x1, s31, s24, $0xb8;
	[tilespmem:$0x1F880] =	vst v63  }
0x55: {  	_ =	swait.ge [sflag:s2], $0x28  }
0x56: {  	[sflag:s2] =	ssyncset.done $0x0  }
0x57: {  	[sflag:s2] =	ssyncadd.s32 $0xFFFFFFD8  }
0x58: {  	v1 =	vld [tilespmem:$0x16A78]  }
0x59: {  	v2 =	vld [tilespmem:$0x16A88]  }
0x5a: {  	v3 =	vld [tilespmem:$0x16A90];
	_ =	sdelay $0x2  }
0x5b: {  	[tilespmem:$0x19380] =	vst v1  }
0x5c: {  	[tilespmem:$0x19390] =	vst v2  }
0x5d: {  	s19 =	simm.s32 $0x142F8;
	[tilespmem:$0x19398] =	vst v3  }
0x5e: {  	[tilespmem:s26], [sflag:$0x4] =	stream.indirect.gather [hbm4b:s0+s24], $0x80, s19, s24, $0xb8;
	[tilespmem:$0x1F880] =	vst v63  }
0x5f: {  	_ =	swait.ge [sflag:s21], $0x1400  }
0x60: {  	[sflag:s21] =	ssyncset.done $0x0  }
0x61: {  	[sflag:s21] =	ssyncadd.s32 $0xFFFFEC00  }
0x62: {  	[spmem:s3] =	stream.indirect.scatter.add.f32 [tilespmem:s28], [sflag:$0x7], $0x80, s29, s24, $0xb8;
	[tilespmem:$0x1F880] =	vst v63  }
0x63: {  	_ = 	snop  }
0x64: {  	[spmem:s4] =	stream.indirect.scatter.add.f32 [tilespmem:s1], [sflag:$0xB], $0x1, s29, s24, $0xb8;
	[tilespmem:$0x1F880] =	vst v63  }
0x65: {  	_ =	swait.ge [sflag:s2], $0x28  }
0x66: {  	[sflag:s2] =	ssyncset.done $0x0  }
0x67: {  	[sflag:s2] =	ssyncadd.s32 $0xFFFFFFD8  }
0x68: {  	v1 =	vld [tilespmem:$0x16AA0]  }
0x69: {  	v2 =	vld [tilespmem:$0x16AB0]  }
0x6a: {  	v3 =	vld [tilespmem:$0x16AB8];
	_ =	sdelay $0x2  }
0x6b: {  	[tilespmem:$0x19400] =	vst v1  }
0x6c: {  	[tilespmem:$0x19410] =	vst v2  }
0x6d: {  	s8 =	simm.s32 $0x14320;
	[tilespmem:$0x19418] =	vst v3  }
0x6e: {  	[tilespmem:s17], [sflag:$0x5] =	stream.indirect.gather [hbm4b:s0+s24], $0x80, s8, s24, $0xb8;
	[tilespmem:$0x1F880] =	vst v63  }
0x6f: {  	_ =	swait.ge [sflag:s22], $0x1400  }
0x70: {  	[sflag:s22] =	ssyncset.done $0x0  }
0x71: {  	[sflag:s22] =	ssyncadd.s32 $0xFFFFEC00  }
0x72: {  	[spmem:s3] =	stream.indirect.scatter.add.f32 [tilespmem:s30], [sflag:$0x8], $0x80, s7, s24, $0xb8;
	[tilespmem:$0x1F880] =	vst v63  }
0x73: {  	_ = 	snop  }
0x74: {  	[spmem:s4] =	stream.indirect.scatter.add.f32 [tilespmem:s1], [sflag:$0xB], $0x1, s7, s24, $0xb8;
	[tilespmem:$0x1F880] =	vst v63  }
0x75: {  	_ =	swait.ge [sflag:s2], $0x28  }
0x76: {  	[sflag:s2] =	ssyncset.done $0x0  }
0x77: {  	[sflag:s2] =	ssyncadd.s32 $0xFFFFFFD8  }
0x78: {  	_ =	swait.ge [sflag:s23], $0x1400  }
0x79: {  	[sflag:s23] =	ssyncset.done $0x0  }
0x7a: {  	s5 =	simm.s32 $0x0;
	[sflag:s23] =	ssyncadd.s32 $0xFFFFEC00  }
0x7b: {  	v1 =	vld [tilespmem:s5+$0x16AC8];
	_ =	sdelay $0x4  }
0x7c: {  	[tilespmem:$0x19200] =	vst v1  }
0x7d: {  	v1 =	vld [tilespmem:s5+$0x16AD8];
	_ =	sdelay $0x4  }
0x7e: {  	[tilespmem:$0x19210] =	vst v1  }
0x7f: {  	v1 =	vld [tilespmem:s5+$0x16AE0];
	_ =	sdelay $0x4  }
0x80: {  	s15 =	simm.s32 $0x14348;
	[tilespmem:$0x19218] =	vst v1  }
0x81: {  	[tilespmem:s25], [sflag:$0x1] =	stream.indirect.gather [hbm4b:s0+s24], $0x80, s15, s24, $0xb8;
	[tilespmem:$0x1F880] =	vst v63  }
0x82: {  	_ =	swait.ge [sflag:s16], $0x1400  }
0x83: {  	[sflag:s16] =	ssyncset.done $0x0  }
0x84: {  	[sflag:s16] =	ssyncadd.s32 $0xFFFFEC00  }
0x85: {  	[spmem:s3] =	stream.indirect.scatter.add.f32 [tilespmem:s26], [sflag:$0x9], $0x80, s9, s24, $0xb8;
	[tilespmem:$0x1F880] =	vst v63  }
0x86: {  	_ = 	snop  }
0x87: {  	[spmem:s4] =	stream.indirect.scatter.add.f32 [tilespmem:s1], [sflag:$0xB], $0x1, s9, s24, $0xb8;
	[tilespmem:$0x1F880] =	vst v63  }
0x88: {  	_ =	swait.ge [sflag:s2], $0x28  }
0x89: {  	[sflag:s2] =	ssyncset.done $0x0  }
0x8a: {  	[sflag:s2] =	ssyncadd.s32 $0xFFFFFFD8  }
0x8b: {  	_ =	swait.ge [sflag:s10], $0x1400  }
0x8c: {  	[sflag:s10] =	ssyncset.done $0x0  }
0x8d: {  	[sflag:s10] =	ssyncadd.s32 $0xFFFFEC00  }
0x8e: {  	v1 =	vld [tilespmem:s5+$0x16AF0];
	_ =	sdelay $0x4  }
0x8f: {  	s8 =	sand.u32 $0x3FF8, s6;
	[tilespmem:$0x19280] =	vst v1  }
0x90: {  	v1 =	vld [tilespmem:s8+$0x16B00];
	_ =	sdelay $0x4  }
0x91: {  	[tilespmem:$0x19290] =	vst v1  }
0x92: {  	v1 =	vld [tilespmem:s5+$0x16B08];
	_ =	sdelay $0x4  }
0x93: {  	s19 =	simm.s32 $0x14370;
	[tilespmem:$0x19298] =	vst v1  }
0x94: {  	[tilespmem:s28], [sflag:$0x2] =	stream.indirect.gather [hbm4b:s0+s24], $0x80, s19, s24, $0xb8;
	[tilespmem:$0x1F880] =	vst v63  }
0x95: {  	_ =	swait.ge [sflag:s11], $0x1400  }
0x96: {  	[sflag:s11] =	ssyncset.done $0x0  }
0x97: {  	[sflag:s11] =	ssyncadd.s32 $0xFFFFEC00  }
0x98: {  	[spmem:s3] =	stream.indirect.scatter.add.f32 [tilespmem:s17], [sflag:$0xA], $0x80, s12, s24, $0xb8;
	[tilespmem:$0x1F880] =	vst v63  }
0x99: {  	_ = 	snop  }
0x9a: {  	[spmem:s4] =	stream.indirect.scatter.add.f32 [tilespmem:s1], [sflag:$0xB], $0x1, s12, s24, $0xb8;
	[tilespmem:$0x1F880] =	vst v63  }
0x9b: {  	_ =	swait.ge [sflag:s2], $0x28  }
0x9c: {  	[sflag:s2] =	ssyncset.done $0x0  }
0x9d: {  	[sflag:s2] =	ssyncadd.s32 $0xFFFFFFD8  }
0x9e: {  	_ =	swait.ge [sflag:s13], $0x1400  }
0x9f: {  	[sflag:s13] =	ssyncset.done $0x0  }
0xa0: {  	[sflag:s13] =	ssyncadd.s32 $0xFFFFEC00  }
0xa1: {  	v1 =	vld [tilespmem:s5+$0x16B18];
	_ =	sdelay $0x4  }
0xa2: {  	[tilespmem:$0x19300] =	vst v1  }
0xa3: {  	v1 =	vld [tilespmem:s5+$0x16B28];
	_ =	sdelay $0x4  }
0xa4: {  	[tilespmem:$0x19310] =	vst v1  }
0xa5: {  	v1 =	vld [tilespmem:s5+$0x16B30];
	_ =	sdelay $0x4  }
0xa6: {  	s6 =	simm.s32 $0x14398;
	[tilespmem:$0x19318] =	vst v1  }
0xa7: {  	[tilespmem:s30], [sflag:$0x3] =	stream.indirect.gather [hbm4b:s0+s24], $0x80, s6, s24, $0xb8;
	[tilespmem:$0x1F880] =	vst v63  }
0xa8: {  	_ =	swait.ge [sflag:s20], $0x1400  }
0xa9: {  	[sflag:s20] =	ssyncset.done $0x0  }
0xaa: {  	[sflag:s20] =	ssyncadd.s32 $0xFFFFEC00  }
0xab: {  	[spmem:s3] =	stream.indirect.scatter.add.f32 [tilespmem:s25], [sflag:$0x6], $0x80, s31, s24, $0xb8;
	[tilespmem:$0x1F880] =	vst v63  }
0xac: {  	_ = 	snop  }
0xad: {  	[spmem:s4] =	stream.indirect.scatter.add.f32 [tilespmem:s1], [sflag:$0xB], $0x1, s31, s24, $0xb8;
	[tilespmem:$0x1F880] =	vst v63  }
0xae: {  	_ =	swait.ge [sflag:s2], $0x28  }
0xaf: {  	[sflag:s2] =	ssyncset.done $0x0  }
0xb0: {  	[sflag:s2] =	ssyncadd.s32 $0xFFFFFFD8  }
0xb1: {  	_ =	swait.ge [sflag:s14], $0x1400  }
0xb2: {  	[sflag:s14] =	ssyncset.done $0x0  }
0xb3: {  	[sflag:s14] =	ssyncadd.s32 $0xFFFFEC00  }
0xb4: {  	v1 =	vld [tilespmem:s5+$0x16B40];
	_ =	sdelay $0x4  }
0xb5: {  	[tilespmem:$0x19380] =	vst v1  }
0xb6: {  	v1 =	vld [tilespmem:s5+$0x16B50];
	_ =	sdelay $0x4  }
0xb7: {  	[tilespmem:$0x19390] =	vst v1  }
0xb8: {  	v1 =	vld [tilespmem:s5+$0x16B58];
	_ =	sdelay $0x4  }
0xb9: {  	s19 =	simm.s32 $0x143C0;
	[tilespmem:$0x19398] =	vst v1  }
0xba: {  	[tilespmem:s26], [sflag:$0x4] =	stream.indirect.gather [hbm4b:s0+s24], $0x80, s19, s24, $0xb8;
	[tilespmem:$0x1F880] =	vst v63  }
0xbb: {  	_ =	swait.ge [sflag:s21], $0x1400  }
0xbc: {  	[sflag:s21] =	ssyncset.done $0x0  }
0xbd: {  	[sflag:s21] =	ssyncadd.s32 $0xFFFFEC00  }
0xbe: {  	[spmem:s3] =	stream.indirect.scatter.add.f32 [tilespmem:s28], [sflag:$0x7], $0x80, s29, s24, $0xb8;
	[tilespmem:$0x1F880] =	vst v63  }
0xbf: {  	_ = 	snop  }
0xc0: {  	[spmem:s4] =	stream.indirect.scatter.add.f32 [tilespmem:s1], [sflag:$0xB], $0x1, s29, s24, $0xb8;
	[tilespmem:$0x1F880] =	vst v63  }
0xc1: {  	_ =	swait.ge [sflag:s2], $0x28  }
0xc2: {  	[sflag:s2] =	ssyncset.done $0x0  }
0xc3: {  	[sflag:s2] =	ssyncadd.s32 $0xFFFFFFD8  }
0xc4: {  	_ =	swait.ge [sflag:s18], $0x1400  }
0xc5: {  	[sflag:s18] =	ssyncset.done $0x0  }
0xc6: {  	[sflag:s18] =	ssyncadd.s32 $0xFFFFEC00  }
0xc7: {  	v1 =	vld [tilespmem:s5+$0x16B68];
	_ =	sdelay $0x4  }
0xc8: {  	[tilespmem:$0x19400] =	vst v1  }
0xc9: {  	v1 =	vld [tilespmem:s5+$0x16B78];
	_ =	sdelay $0x4  }
0xca: {  	[tilespmem:$0x19410] =	vst v1  }
0xcb: {  	v1 =	vld [tilespmem:s8+$0x16B80];
	_ =	sdelay $0x4  }
0xcc: {  	s15 =	simm.s32 $0x143E8;
	s5 =	simm.s32 $0x320;
	s8 =	simm.s32 $0xC8;
	[tilespmem:$0x19418] =	vst v1  }
.LBB2_2:
0xcd: {  	[tilespmem:s17], [sflag:$0x5] =	stream.indirect.gather [hbm4b:s0+s24], $0x80, s15, s24, $0xb8;
	[tilespmem:$0x1F880] =	vst v63  }
0xce: {  	s15 =	smov.u32 s5  }
0xcf: {  	p0 =	sne.s32 s5, $0x9600;
	s5 =	sadd.s32 $0x320, s5;
	_ =	swait.ge [sflag:s22], $0x1400  }
0xd0: {  	[sflag:s22] =	ssyncset.done $0x0  }
0xd1: {  	[sflag:s22] =	ssyncadd.s32 $0xFFFFEC00  }
0xd2: {  	[spmem:s3] =	stream.indirect.scatter.add.f32 [tilespmem:s30], [sflag:$0x8], $0x80, s7, s24, $0xb8;
	[tilespmem:$0x1F880] =	vst v63  }
0xd3: {  	_ = 	snop  }
0xd4: {  	[spmem:s4] =	stream.indirect.scatter.add.f32 [tilespmem:s1], [sflag:$0xB], $0x1, s7, s24, $0xb8;
	[tilespmem:$0x1F880] =	vst v63  }
0xd5: {  	_ =	swait.ge [sflag:s2], $0x28  }
0xd6: {  	[sflag:s2] =	ssyncset.done $0x0  }
0xd7: {  	[sflag:s2] =	ssyncadd.s32 $0xFFFFFFD8  }
0xd8: {  	_ =	swait.ge [sflag:s23], $0x1400  }
0xd9: {  	[sflag:s23] =	ssyncset.done $0x0  }
0xda: {  	s15 =	sshra.s32 s15, $0x2;
	[sflag:s23] =	ssyncadd.s32 $0xFFFFEC00  }
0xdb: {  	v1 =	vld [tilespmem:s15+$0x16AC8];
	_ =	sdelay $0x4  }
0xdc: {  	[tilespmem:$0x19200] =	vst v1  }
0xdd: {  	v1 =	vld [tilespmem:s15+$0x16AD8];
	_ =	sdelay $0x4  }
0xde: {  	[tilespmem:$0x19210] =	vst v1  }
0xdf: {  	v1 =	vld [tilespmem:s15+$0x16AE0];
	_ =	sdelay $0x4  }
0xe0: {  	s19 =	sadd.s32 $0x14348, s15;
	[tilespmem:$0x19218] =	vst v1  }
0xe1: {  	[tilespmem:s25], [sflag:$0x1] =	stream.indirect.gather [hbm4b:s0+s24], $0x80, s19, s24, $0xb8;
	[tilespmem:$0x1F880] =	vst v63  }
0xe2: {  	_ =	swait.ge [sflag:s16], $0x1400  }
0xe3: {  	[sflag:s16] =	ssyncset.done $0x0  }
0xe4: {  	[sflag:s16] =	ssyncadd.s32 $0xFFFFEC00  }
0xe5: {  	[spmem:s3] =	stream.indirect.scatter.add.f32 [tilespmem:s26], [sflag:$0x9], $0x80, s9, s24, $0xb8;
	[tilespmem:$0x1F880] =	vst v63  }
0xe6: {  	_ = 	snop  }
0xe7: {  	[spmem:s4] =	stream.indirect.scatter.add.f32 [tilespmem:s1], [sflag:$0xB], $0x1, s9, s24, $0xb8;
	[tilespmem:$0x1F880] =	vst v63  }
0xe8: {  	_ =	swait.ge [sflag:s2], $0x28  }
0xe9: {  	[sflag:s2] =	ssyncset.done $0x0  }
0xea: {  	[sflag:s2] =	ssyncadd.s32 $0xFFFFFFD8  }
0xeb: {  	_ =	swait.ge [sflag:s10], $0x1400  }
0xec: {  	[sflag:s10] =	ssyncset.done $0x0  }
0xed: {  	[sflag:s10] =	ssyncadd.s32 $0xFFFFEC00  }
0xee: {  	v1 =	vld [tilespmem:s15+$0x16AF0];
	_ =	sdelay $0x4  }
0xef: {  	s19 =	sand.u32 $0x3FF8, s8;
	[tilespmem:$0x19280] =	vst v1  }
0xf0: {  	v1 =	vld [tilespmem:s19+$0x16B00];
	_ =	sdelay $0x4  }
0xf1: {  	[tilespmem:$0x19290] =	vst v1  }
0xf2: {  	v1 =	vld [tilespmem:s15+$0x16B08];
	_ =	sdelay $0x4  }
0xf3: {  	s6 =	sadd.s32 $0x14370, s15;
	[tilespmem:$0x19298] =	vst v1  }
0xf4: {  	[tilespmem:s28], [sflag:$0x2] =	stream.indirect.gather [hbm4b:s0+s24], $0x80, s6, s24, $0xb8;
	[tilespmem:$0x1F880] =	vst v63  }
0xf5: {  	_ =	swait.ge [sflag:s11], $0x1400  }
0xf6: {  	[sflag:s11] =	ssyncset.done $0x0  }
0xf7: {  	[sflag:s11] =	ssyncadd.s32 $0xFFFFEC00  }
0xf8: {  	[spmem:s3] =	stream.indirect.scatter.add.f32 [tilespmem:s17], [sflag:$0xA], $0x80, s12, s24, $0xb8;
	[tilespmem:$0x1F880] =	vst v63  }
0xf9: {  	_ = 	snop  }
0xfa: {  	[spmem:s4] =	stream.indirect.scatter.add.f32 [tilespmem:s1], [sflag:$0xB], $0x1, s12, s24, $0xb8;
	[tilespmem:$0x1F880] =	vst v63  }
0xfb: {  	_ =	swait.ge [sflag:s2], $0x28  }
0xfc: {  	[sflag:s2] =	ssyncset.done $0x0  }
0xfd: {  	[sflag:s2] =	ssyncadd.s32 $0xFFFFFFD8  }
0xfe: {  	_ =	swait.ge [sflag:s13], $0x1400  }
0xff: {  	[sflag:s13] =	ssyncset.done $0x0  }
0x100: {  	[sflag:s13] =	ssyncadd.s32 $0xFFFFEC00  }
0x101: {  	v1 =	vld [tilespmem:s15+$0x16B18];
	_ =	sdelay $0x4  }
0x102: {  	[tilespmem:$0x19300] =	vst v1  }
0x103: {  	v1 =	vld [tilespmem:s15+$0x16B28];
	_ =	sdelay $0x4  }
0x104: {  	[tilespmem:$0x19310] =	vst v1  }
0x105: {  	v1 =	vld [tilespmem:s15+$0x16B30];
	_ =	sdelay $0x4  }
0x106: {  	s6 =	sadd.s32 $0x14398, s15;
	[tilespmem:$0x19318] =	vst v1  }
0x107: {  	[tilespmem:s30], [sflag:$0x3] =	stream.indirect.gather [hbm4b:s0+s24], $0x80, s6, s24, $0xb8;
	[tilespmem:$0x1F880] =	vst v63  }
0x108: {  	_ =	swait.ge [sflag:s20], $0x1400  }
0x109: {  	[sflag:s20] =	ssyncset.done $0x0  }
0x10a: {  	[sflag:s20] =	ssyncadd.s32 $0xFFFFEC00  }
0x10b: {  	[spmem:s3] =	stream.indirect.scatter.add.f32 [tilespmem:s25], [sflag:$0x6], $0x80, s31, s24, $0xb8;
	[tilespmem:$0x1F880] =	vst v63  }
0x10c: {  	_ = 	snop  }
0x10d: {  	[spmem:s4] =	stream.indirect.scatter.add.f32 [tilespmem:s1], [sflag:$0xB], $0x1, s31, s24, $0xb8;
	[tilespmem:$0x1F880] =	vst v63  }
0x10e: {  	_ =	swait.ge [sflag:s2], $0x28  }
0x10f: {  	[sflag:s2] =	ssyncset.done $0x0  }
0x110: {  	[sflag:s2] =	ssyncadd.s32 $0xFFFFFFD8  }
0x111: {  	_ =	swait.ge [sflag:s14], $0x1400  }
0x112: {  	[sflag:s14] =	ssyncset.done $0x0  }
0x113: {  	[sflag:s14] =	ssyncadd.s32 $0xFFFFEC00  }
0x114: {  	v1 =	vld [tilespmem:s15+$0x16B40];
	_ =	sdelay $0x4  }
0x115: {  	[tilespmem:$0x19380] =	vst v1  }
0x116: {  	v1 =	vld [tilespmem:s15+$0x16B50];
	_ =	sdelay $0x4  }
0x117: {  	[tilespmem:$0x19390] =	vst v1  }
0x118: {  	v1 =	vld [tilespmem:s15+$0x16B58];
	_ =	sdelay $0x4  }
0x119: {  	s6 =	sadd.s32 $0x143C0, s15;
	[tilespmem:$0x19398] =	vst v1  }
0x11a: {  	[tilespmem:s26], [sflag:$0x4] =	stream.indirect.gather [hbm4b:s0+s24], $0x80, s6, s24, $0xb8;
	[tilespmem:$0x1F880] =	vst v63  }
0x11b: {  	_ =	swait.ge [sflag:s21], $0x1400  }
0x11c: {  	[sflag:s21] =	ssyncset.done $0x0  }
0x11d: {  	[sflag:s21] =	ssyncadd.s32 $0xFFFFEC00  }
0x11e: {  	[spmem:s3] =	stream.indirect.scatter.add.f32 [tilespmem:s28], [sflag:$0x7], $0x80, s29, s24, $0xb8;
	[tilespmem:$0x1F880] =	vst v63  }
0x11f: {  	_ = 	snop  }
0x120: {  	[spmem:s4] =	stream.indirect.scatter.add.f32 [tilespmem:s1], [sflag:$0xB], $0x1, s29, s24, $0xb8;
	[tilespmem:$0x1F880] =	vst v63  }
0x121: {  	_ =	swait.ge [sflag:s2], $0x28  }
0x122: {  	[sflag:s2] =	ssyncset.done $0x0  }
0x123: {  	[sflag:s2] =	ssyncadd.s32 $0xFFFFFFD8  }
0x124: {  	_ =	swait.ge [sflag:s18], $0x1400  }
0x125: {  	[sflag:s18] =	ssyncset.done $0x0  }
0x126: {  	[sflag:s18] =	ssyncadd.s32 $0xFFFFEC00  }
0x127: {  	v1 =	vld [tilespmem:s15+$0x16B68];
	_ =	sdelay $0x4  }
0x128: {  	[tilespmem:$0x19400] =	vst v1  }
0x129: {  	v1 =	vld [tilespmem:s15+$0x16B78];
	_ =	sdelay $0x4  }
0x12a: {  	[tilespmem:$0x19410] =	vst v1  }
0x12b: {  	v1 =	vld [tilespmem:s19+$0x16B80]  }
.Ltmp0:
0x12c: {  	(pc) =	sbr.rel @p0 .LBB2_2-.Ltmp0, $2  }
0x12d: {  	_ =	sdelay $0x2  }
0x12e: {  	s8 =	sadd.s32 $0xC8, s8;
	s15 =	sadd.s32 $0x143E8, s15;
	[tilespmem:$0x19418] =	vst v1  }
0x12f: {  	[tilespmem:s17], [sflag:$0x5] =	stream.indirect.gather [hbm4b:s0+s24], $0x80, s15, s24, $0xb8;
	[tilespmem:$0x1F880] =	vst v63  }
0x130: {  	_ =	swait.ge [sflag:s22], $0x1400  }
0x131: {  	[sflag:s22] =	ssyncset.done $0x0  }
0x132: {  	[sflag:s22] =	ssyncadd.s32 $0xFFFFEC00  }
0x133: {  	[spmem:s3] =	stream.indirect.scatter.add.f32 [tilespmem:s30], [sflag:$0x8], $0x80, s7, s24, $0xb8;
	[tilespmem:$0x1F880] =	vst v63  }
0x134: {  	_ = 	snop  }
0x135: {  	[spmem:s4] =	stream.indirect.scatter.add.f32 [tilespmem:s1], [sflag:$0xB], $0x1, s7, s24, $0xb8;
	[tilespmem:$0x1F880] =	vst v63  }
0x136: {  	_ =	swait.ge [sflag:s2], $0x28  }
0x137: {  	[sflag:s2] =	ssyncset.done $0x0  }
0x138: {  	[sflag:s2] =	ssyncadd.s32 $0xFFFFFFD8  }
0x139: {  	_ =	swait.ge [sflag:s23], $0x1400  }
0x13a: {  	[sflag:s23] =	ssyncset.done $0x0  }
0x13b: {  	[sflag:s23] =	ssyncadd.s32 $0xFFFFEC00  }
0x13c: {  	_ =	swait.ge [sflag:s16], $0x1400  }
0x13d: {  	[sflag:s16] =	ssyncset.done $0x0  }
0x13e: {  	[sflag:s16] =	ssyncadd.s32 $0xFFFFEC00  }
0x13f: {  	[spmem:s3] =	stream.indirect.scatter.add.f32 [tilespmem:s26], [sflag:$0x9], $0x80, s9, s24, $0xb8;
	[tilespmem:$0x1F880] =	vst v63  }
0x140: {  	_ = 	snop  }
0x141: {  	[spmem:s4] =	stream.indirect.scatter.add.f32 [tilespmem:s1], [sflag:$0xB], $0x1, s9, s24, $0xb8;
	[tilespmem:$0x1F880] =	vst v63  }
0x142: {  	_ =	swait.ge [sflag:s2], $0x28  }
0x143: {  	[sflag:s2] =	ssyncset.done $0x0  }
0x144: {  	[sflag:s2] =	ssyncadd.s32 $0xFFFFFFD8  }
0x145: {  	_ =	swait.ge [sflag:s10], $0x1400  }
0x146: {  	[sflag:s10] =	ssyncset.done $0x0  }
0x147: {  	[sflag:s10] =	ssyncadd.s32 $0xFFFFEC00  }
0x148: {  	_ =	swait.ge [sflag:s11], $0x1400  }
0x149: {  	[sflag:s11] =	ssyncset.done $0x0  }
0x14a: {  	[sflag:s11] =	ssyncadd.s32 $0xFFFFEC00  }
0x14b: {  	[spmem:s3] =	stream.indirect.scatter.add.f32 [tilespmem:s17], [sflag:$0xA], $0x80, s12, s24, $0xb8;
	[tilespmem:$0x1F880] =	vst v63  }
0x14c: {  	_ = 	snop  }
0x14d: {  	[spmem:s4] =	stream.indirect.scatter.add.f32 [tilespmem:s1], [sflag:$0xB], $0x1, s12, s24, $0xb8;
	[tilespmem:$0x1F880] =	vst v63  }
0x14e: {  	_ =	swait.ge [sflag:s2], $0x28  }
0x14f: {  	[sflag:s2] =	ssyncset.done $0x0  }
0x150: {  	[sflag:s2] =	ssyncadd.s32 $0xFFFFFFD8  }
0x151: {  	_ =	swait.ge [sflag:s13], $0x1400  }
0x152: {  	[sflag:s13] =	ssyncset.done $0x0  }
0x153: {  	[sflag:s13] =	ssyncadd.s32 $0xFFFFEC00  }
0x154: {  	_ =	swait.ge [sflag:s14], $0x1400  }
0x155: {  	[sflag:s14] =	ssyncset.done $0x0  }
0x156: {  	[sflag:s14] =	ssyncadd.s32 $0xFFFFEC00  }
0x157: {  	_ =	swait.ge [sflag:s18], $0x1400  }
0x158: {  	[sflag:s18] =	ssyncset.done $0x0  }
0x159: {  	[sflag:s18] =	ssyncadd.s32 $0xFFFFEC00  }
0x15a: {  	[bflag:$0x0] =	sbarrier.arrive $0xFFFF  }
0x15b: {  	s6 =	rddreg [dreg:$0x8]  }
0x15c: {  	s5 =	rddreg [dreg:$0xc]  }
0x15d: {  	s8 =	rddreg [dreg:$0xf]  }
0x15e: {  	[hbm:s5], [sflag:s6] =	dma.local [spmem:s8], $0x2800  }
0x15f: {  	s5 =	rddreg [dreg:$0x6]  }
0x160: {  	s15 =	simm.s32 $0x20;
	s6 =	rddreg [dreg:$0xd]  }
0x161: {  	s8 =	simm.s32 $0x10;
	s19 =	rddreg [dreg:$0x11];
	s5 =	sor.u32 $0x1C02, s5  }
0x162: {  	[hbm:s6@s15], [sflag:s5] =	dma.strided [spmem:s19@s8], $0x50, s20, $0x10   }
0x163: {  	s8 =	rddreg [dreg:$0xf]  }
0x164: {  	s15 =	rddreg [dreg:$0x8];
	_ =	swait.ge [sflag:s20], $0x2800  }
0x165: {  	[sflag:s20] =	ssyncset.done $0x0  }
0x166: {  	[sflag:s20] =	ssyncadd.s32 $0xFFFFD800  }
0x167: {  	_ =	swait.ge [sflag:s21], $0x50  }
0x168: {  	s5 =	rddreg [dreg:$0x12]  }
0x169: {  	s6 =	sadd.s32 $0x1, s5;
	s5 =	rddreg [dreg:$0xe]  }
0x16a: {  	p0 =	sne.s32 s6, s5  }
.Ltmp1:
0x16b: {  	_ = 	snop;
	(pc) =	sbr.rel @p0 .LBB2_1-.Ltmp1, $3  }
0x16c: {  	_ =	sdelay $0x1  }
0x16d: {  	[sflag:s21] =	ssyncset.done $0x0  }
0x16e: {  	[sflag:s21] =	ssyncadd.s32 $0xFFFFFFB0  }
0x16f: {  	_ =	sfence.sel $0x180000  }
0x170: {  	[bflag:$0x0] =	sbarrier.arrive $0xFFFF  }
0x171: {  	_ =	strace $0x90000047  }
0x172: {  	s0 =	stileid.u32;
	[bflag:$0x2] =	sbarrier.arrive $0xFFFF  }
0x173: {  	p0 =	sne.s32 s0, $0x0;
	s0 =	rddreg [dreg:$0x5]  }
0x174: {  	s0 =	sadd.s32 @!p0 $0x100000, s0  }
0x175: {  	[sflag:s0] =	ssyncadd.tile.s32 @!p0 $0x1;
	_ =	shalt  }
.Lfunc_end2:
_tile_overlayer_lowered:
.L_overlay_start_2:
0x176: {  	(tag) =	ssettag $0x2  }
0x177: {  	s0 =	rddreg [dreg:$0x0];
	s2 =	stileid.u32  }
0x178: {  	s1 =	rddreg [dreg:$0x1];
	p0 =	sne.s32 s2, $0x0  }
0x179: {  	s3 =	rddreg [dreg:$0x2];
	[bflag:$0x3] =	sbarrier.arrive $0xFFFF;
	s2 =	simm.s32 @!p0 $0x1C0B  }
0x17a: {  	[timem:s3], [sflag:s2] =	dma.local @!p0 [hbm:s0], s1  }
0x17b: {  	s0 =	simm.s32 @!p0 $0xB  }
0x17c: {  	_ =	swait.ge @!p0 [sflag:s0], s1  }
0x17d: {  	s1 =	ssub.s32 @!p0 $0x0, s1;
	[sflag:s0] =	ssyncset.done @!p0 $0x0  }
0x17e: {  	[sflag:s0] =	ssyncadd.s32 @!p0 s1  }
0x17f: {  	[bflag:$0x3] =	sbarrier.arrive $0xFFFF  }
0x180: {  	_ =	shalt  }

</sc_bundles>
